<compile_context>
chip_gen: v7x
topology: tpu7x:2x2x1
jax: 0.10.2.dev20260603
libtpu: 0.0.44.dev20260713+nightly
codegen_flags: <defaults>
</compile_context>

<pallas_src>
import jax
import jax.numpy as jnp
from jax import lax
from jax.experimental import pallas as pl
from jax.experimental.pallas import tpu as pltpu
from jax.experimental.pallas import tpu_sc as plsc

_L = 16


def _sc_window_mean_body(emb_hbm, out_hbm, tab_v, out_v, sem_in, sem_out):
    S = out_v.shape[0]
    B = out_hbm.shape[0]
    R = emb_hbm.shape[0]
    C = S // 4
    w = lax.axis_index("c") * 16 + lax.axis_index("s")
    col = w * _L

    in_copies = []
    for c in range(8):
        lo = c * C
        n = min(R, lo + C) - lo
        cp = pltpu.make_async_copy(
            emb_hbm.at[pl.ds(lo, n), pl.ds(col, _L)],
            tab_v.at[pl.ds(lo, n)],
            sem_in,
        )
        cp.start()
        in_copies.append(cp)

    inv = jnp.float32(1.0 / S)
    z = jnp.zeros((_L,), jnp.float32)

    chunk_sums = []
    for c in range(7):
        in_copies[c].wait()

        def chunk_body(j, accs, base=c * C, q=C // 4):
            a0, a1, a2, a3 = accs
            return (a0 + tab_v[base + j], a1 + tab_v[base + j + q],
                    a2 + tab_v[base + j + 2 * q], a3 + tab_v[base + j + 3 * q])

        a0, a1, a2, a3 = lax.fori_loop(0, C // 4, chunk_body, (z, z, z, z),
                                       unroll=8)
        chunk_sums.append((a0 + a1) + (a2 + a3))
    in_copies[7].wait()

    s0 = ((chunk_sums[0] + chunk_sums[1]) + (chunk_sums[2] + chunk_sums[3]))
    s1 = s0 - chunk_sums[0] + chunk_sums[4]
    s2 = s1 - chunk_sums[1] + chunk_sums[5]
    s3 = s2 - chunk_sums[2] + chunk_sums[6]
    out_v[0] = s0 * inv
    out_v[C] = s1 * inv
    out_v[2 * C] = s2 * inv
    out_v[3 * C] = s3 * inv

    def roll_body(i, carries):
        c0, c1, c2, c3 = carries
        c0 = c0 + (tab_v[i + (S - 1)] - tab_v[i - 1])
        c1 = c1 + (tab_v[C + i + (S - 1)] - tab_v[C + i - 1])
        c2 = c2 + (tab_v[2 * C + i + (S - 1)] - tab_v[2 * C + i - 1])
        c3 = c3 + (tab_v[3 * C + i + (S - 1)] - tab_v[3 * C + i - 1])
        out_v[i] = c0 * inv
        out_v[C + i] = c1 * inv
        out_v[2 * C + i] = c2 * inv
        out_v[3 * C + i] = c3 * inv
        return (c0, c1, c2, c3)

    lax.fori_loop(1, C, roll_body, (s0, s1, s2, s3), unroll=4)

    out_copies = []
    for b in range(1):
        cp = pltpu.make_async_copy(
            out_v,
            out_hbm.at[b, :, pl.ds(col, _L)],
            sem_out,
        )
        cp.start()
        out_copies.append(cp)
    for cp in out_copies:
        cp.wait()


def kernel(x, embeddings):
    B, S, H = x.shape
    k = pl.kernel(
        _sc_window_mean_body,
        out_type=jax.ShapeDtypeStruct((B, S, H), jnp.float32),
        mesh=plsc.VectorSubcoreMesh(core_axis_name="c", subcore_axis_name="s"),
        scratch_types=[
            pltpu.VMEM((2 * S - 1, _L), jnp.float32),
            pltpu.VMEM((S, _L), jnp.float32),
            pltpu.SemaphoreType.DMA,
            pltpu.SemaphoreType.DMA,
        ],
        compiler_params=pltpu.CompilerParams(use_tc_tiling_on_sc=False),
    )
    return k(embeddings)

# --- scband reference (transcript-rebuilt; emitter-appended) ---
"""Pipeline reference for scband-relative-positional-encoding-55482387529749 (READ-ONLY COPY).

The authoritative reference and input builder live on the scoring server;
editing this copy changes nothing except your own understanding.
"""

import jax, jax.numpy as jnp
import numpy as np

MAX_LEN = 512
HIDDEN_DIM = 512


def setup_inputs(seed: int = 0) -> dict:
    key = jax.random.key(seed)
    k1, k2 = jax.random.split(key)
    x = jax.random.normal(k1, (4, 512, HIDDEN_DIM), dtype=jnp.float32)
    embeddings = jax.random.normal(k2, (2 * MAX_LEN - 1, HIDDEN_DIM), dtype=jnp.float32) * 0.02
    return {"x": x, "embeddings": embeddings}


def reference(x, embeddings):
    batch_size, seq_len, _ = x.shape
    positions = jnp.arange(seq_len)
    relative_positions = positions[:, None] - positions[None, :]
    relative_positions = relative_positions + MAX_LEN - 1  # [S, S] in [0, 2*MAX_LEN-2]
    pos_emb = jnp.take(embeddings, relative_positions, axis=0)  # [S, S, H] gather
    pos_emb = jnp.broadcast_to(pos_emb[None], (batch_size,) + pos_emb.shape)  # [B, S, S, H]
    return pos_emb.mean(axis=2)  # [B, S, H]

if __name__ == "__main__":
    import jax
    _d = setup_inputs()
    print(jax.jit(kernel)(*tuple(_d.values())))

</pallas_src>

<mosaic_0001>
#map = affine_map<(d0, d1) -> (0, 0)>
#map1 = affine_map<(d0, d1) -> (0, 0, 0)>
module attributes {stable_mosaic.version = 14 : i64} {
  func.func @_sc_window_mean_body(%arg0: i32, %arg1: i32, %arg2: memref<1023x512xf32, #tpu.memory_space<hbm>>, %arg3: memref<4x512x512xf32, #tpu.memory_space<hbm>>, %arg4: memref<1023x16xf32, #tpu.memory_space<vmem>>, %arg5: memref<512x16xf32, #tpu.memory_space<vmem>>, %arg6: memref<!tpu.dma_semaphore, #tpu.memory_space<semaphore_mem>>, %arg7: memref<!tpu.dma_semaphore, #tpu.memory_space<semaphore_mem>>) attributes {dimension_semantics = [#tpu.dimension_semantics<core_parallel>, #tpu.dimension_semantics<subcore_parallel>], iteration_bounds = array<i64: 2, 16>, scalar_prefetch = 0 : i64, scratch_operands = 4 : i64, tpu.core_type = #tpu.core_type<sc_vector_subcore>, window_params = [{transform_indices = #map}, {transform_indices = #map1}]} {
    %mul3A = arith.constant 16 : i32
    %mul3A_0 = arith.muli %arg0, %mul3A : i32
    %add3A = arith.addi %mul3A_0, %arg1 : i32
    %mul3A_1 = arith.constant 16 : i32
    %mul3A_2 = arith.muli %add3A, %mul3A_1 : i32
    %dma_start3A = arith.constant 0 : i32
    %dma_start3A_3 = arith.constant 0 : i32
    %dma_start3A_4 = tpu.memref_slice %arg4[%dma_start3A, %dma_start3A_3] : memref<1023x16xf32, #tpu.memory_space<vmem>> -> memref<128x16xf32, #tpu.memory_space<vmem>>
    %dma_start3A_5 = arith.constant 0 : i32
    %dma_start3A_6 = tpu.memref_slice %arg2[%dma_start3A_5, %mul3A_2] : memref<1023x512xf32, #tpu.memory_space<hbm>> -> memref<128x16xf32, #tpu.memory_space<hbm>>
    %dma_start3A_7 = arith.constant 0 : i32
    %dma_start3A_8 = arith.constant 0 : i32
    %dma_start3A_9 = tpu.memref_slice %arg4[%dma_start3A_7, %dma_start3A_8] : memref<1023x16xf32, #tpu.memory_space<vmem>> -> memref<128x16xf32, #tpu.memory_space<vmem>>
    %dma_start3A_10 = arith.constant 0 : i32
    %dma_start3A_11 = tpu.memref_slice %arg2[%dma_start3A_10, %mul3A_2] : memref<1023x512xf32, #tpu.memory_space<hbm>> -> memref<128x16xf32, #tpu.memory_space<hbm>>
    tpu.enqueue_dma source(%dma_start3A_11 : memref<128x16xf32, #tpu.memory_space<hbm>>) target(%dma_start3A_9 : memref<128x16xf32, #tpu.memory_space<vmem>>) target_semaphore(%arg6 : memref<!tpu.dma_semaphore, #tpu.memory_space<semaphore_mem>>)
    %dma_start3A_12 = arith.constant 128 : i32
    %dma_start3A_13 = arith.constant 0 : i32
    %dma_start3A_14 = tpu.memref_slice %arg4[%dma_start3A_12, %dma_start3A_13] : memref<1023x16xf32, #tpu.memory_space<vmem>> -> memref<128x16xf32, #tpu.memory_space<vmem>>
    %dma_start3A_15 = arith.constant 128 : i32
    %dma_start3A_16 = tpu.memref_slice %arg2[%dma_start3A_15, %mul3A_2] : memref<1023x512xf32, #tpu.memory_space<hbm>> -> memref<128x16xf32, #tpu.memory_space<hbm>>
    %dma_start3A_17 = arith.constant 128 : i32
    %dma_start3A_18 = arith.constant 0 : i32
    %dma_start3A_19 = tpu.memref_slice %arg4[%dma_start3A_17, %dma_start3A_18] : memref<1023x16xf32, #tpu.memory_space<vmem>> -> memref<128x16xf32, #tpu.memory_space<vmem>>
    %dma_start3A_20 = arith.constant 128 : i32
    %dma_start3A_21 = tpu.memref_slice %arg2[%dma_start3A_20, %mul3A_2] : memref<1023x512xf32, #tpu.memory_space<hbm>> -> memref<128x16xf32, #tpu.memory_space<hbm>>
    tpu.enqueue_dma source(%dma_start3A_21 : memref<128x16xf32, #tpu.memory_space<hbm>>) target(%dma_start3A_19 : memref<128x16xf32, #tpu.memory_space<vmem>>) target_semaphore(%arg6 : memref<!tpu.dma_semaphore, #tpu.memory_space<semaphore_mem>>)
    %dma_start3A_22 = arith.constant 256 : i32
    %dma_start3A_23 = arith.constant 0 : i32
    %dma_start3A_24 = tpu.memref_slice %arg4[%dma_start3A_22, %dma_start3A_23] : memref<1023x16xf32, #tpu.memory_space<vmem>> -> memref<128x16xf32, #tpu.memory_space<vmem>>
    %dma_start3A_25 = arith.constant 256 : i32
    %dma_start3A_26 = tpu.memref_slice %arg2[%dma_start3A_25, %mul3A_2] : memref<1023x512xf32, #tpu.memory_space<hbm>> -> memref<128x16xf32, #tpu.memory_space<hbm>>
    %dma_start3A_27 = arith.constant 256 : i32
    %dma_start3A_28 = arith.constant 0 : i32
    %dma_start3A_29 = tpu.memref_slice %arg4[%dma_start3A_27, %dma_start3A_28] : memref<1023x16xf32, #tpu.memory_space<vmem>> -> memref<128x16xf32, #tpu.memory_space<vmem>>
    %dma_start3A_30 = arith.constant 256 : i32
    %dma_start3A_31 = tpu.memref_slice %arg2[%dma_start3A_30, %mul3A_2] : memref<1023x512xf32, #tpu.memory_space<hbm>> -> memref<128x16xf32, #tpu.memory_space<hbm>>
    tpu.enqueue_dma source(%dma_start3A_31 : memref<128x16xf32, #tpu.memory_space<hbm>>) target(%dma_start3A_29 : memref<128x16xf32, #tpu.memory_space<vmem>>) target_semaphore(%arg6 : memref<!tpu.dma_semaphore, #tpu.memory_space<semaphore_mem>>)
    %dma_start3A_32 = arith.constant 384 : i32
    %dma_start3A_33 = arith.constant 0 : i32
    %dma_start3A_34 = tpu.memref_slice %arg4[%dma_start3A_32, %dma_start3A_33] : memref<1023x16xf32, #tpu.memory_space<vmem>> -> memref<128x16xf32, #tpu.memory_space<vmem>>
    %dma_start3A_35 = arith.constant 384 : i32
    %dma_start3A_36 = tpu.memref_slice %arg2[%dma_start3A_35, %mul3A_2] : memref<1023x512xf32, #tpu.memory_space<hbm>> -> memref<128x16xf32, #tpu.memory_space<hbm>>
    %dma_start3A_37 = arith.constant 384 : i32
    %dma_start3A_38 = arith.constant 0 : i32
    %dma_start3A_39 = tpu.memref_slice %arg4[%dma_start3A_37, %dma_start3A_38] : memref<1023x16xf32, #tpu.memory_space<vmem>> -> memref<128x16xf32, #tpu.memory_space<vmem>>
    %dma_start3A_40 = arith.constant 384 : i32
    %dma_start3A_41 = tpu.memref_slice %arg2[%dma_start3A_40, %mul3A_2] : memref<1023x512xf32, #tpu.memory_space<hbm>> -> memref<128x16xf32, #tpu.memory_space<hbm>>
    tpu.enqueue_dma source(%dma_start3A_41 : memref<128x16xf32, #tpu.memory_space<hbm>>) target(%dma_start3A_39 : memref<128x16xf32, #tpu.memory_space<vmem>>) target_semaphore(%arg6 : memref<!tpu.dma_semaphore, #tpu.memory_space<semaphore_mem>>)
    %dma_start3A_42 = arith.constant 512 : i32
    %dma_start3A_43 = arith.constant 0 : i32
    %dma_start3A_44 = tpu.memref_slice %arg4[%dma_start3A_42, %dma_start3A_43] : memref<1023x16xf32, #tpu.memory_space<vmem>> -> memref<128x16xf32, #tpu.memory_space<vmem>>
    %dma_start3A_45 = arith.constant 512 : i32
    %dma_start3A_46 = tpu.memref_slice %arg2[%dma_start3A_45, %mul3A_2] : memref<1023x512xf32, #tpu.memory_space<hbm>> -> memref<128x16xf32, #tpu.memory_space<hbm>>
    %dma_start3A_47 = arith.constant 512 : i32
    %dma_start3A_48 = arith.constant 0 : i32
    %dma_start3A_49 = tpu.memref_slice %arg4[%dma_start3A_47, %dma_start3A_48] : memref<1023x16xf32, #tpu.memory_space<vmem>> -> memref<128x16xf32, #tpu.memory_space<vmem>>
    %dma_start3A_50 = arith.constant 512 : i32
    %dma_start3A_51 = tpu.memref_slice %arg2[%dma_start3A_50, %mul3A_2] : memref<1023x512xf32, #tpu.memory_space<hbm>> -> memref<128x16xf32, #tpu.memory_space<hbm>>
    tpu.enqueue_dma source(%dma_start3A_51 : memref<128x16xf32, #tpu.memory_space<hbm>>) target(%dma_start3A_49 : memref<128x16xf32, #tpu.memory_space<vmem>>) target_semaphore(%arg6 : memref<!tpu.dma_semaphore, #tpu.memory_space<semaphore_mem>>)
    %dma_start3A_52 = arith.constant 640 : i32
    %dma_start3A_53 = arith.constant 0 : i32
    %dma_start3A_54 = tpu.memref_slice %arg4[%dma_start3A_52, %dma_start3A_53] : memref<1023x16xf32, #tpu.memory_space<vmem>> -> memref<128x16xf32, #tpu.memory_space<vmem>>
    %dma_start3A_55 = arith.constant 640 : i32
    %dma_start3A_56 = tpu.memref_slice %arg2[%dma_start3A_55, %mul3A_2] : memref<1023x512xf32, #tpu.memory_space<hbm>> -> memref<128x16xf32, #tpu.memory_space<hbm>>
    %dma_start3A_57 = arith.constant 640 : i32
    %dma_start3A_58 = arith.constant 0 : i32
    %dma_start3A_59 = tpu.memref_slice %arg4[%dma_start3A_57, %dma_start3A_58] : memref<1023x16xf32, #tpu.memory_space<vmem>> -> memref<128x16xf32, #tpu.memory_space<vmem>>
    %dma_start3A_60 = arith.constant 640 : i32
    %dma_start3A_61 = tpu.memref_slice %arg2[%dma_start3A_60, %mul3A_2] : memref<1023x512xf32, #tpu.memory_space<hbm>> -> memref<128x16xf32, #tpu.memory_space<hbm>>
    tpu.enqueue_dma source(%dma_start3A_61 : memref<128x16xf32, #tpu.memory_space<hbm>>) target(%dma_start3A_59 : memref<128x16xf32, #tpu.memory_space<vmem>>) target_semaphore(%arg6 : memref<!tpu.dma_semaphore, #tpu.memory_space<semaphore_mem>>)
    %dma_start3A_62 = arith.constant 768 : i32
    %dma_start3A_63 = arith.constant 0 : i32
    %dma_start3A_64 = tpu.memref_slice %arg4[%dma_start3A_62, %dma_start3A_63] : memref<1023x16xf32, #tpu.memory_space<vmem>> -> memref<128x16xf32, #tpu.memory_space<vmem>>
    %dma_start3A_65 = arith.constant 768 : i32
    %dma_start3A_66 = tpu.memref_slice %arg2[%dma_start3A_65, %mul3A_2] : memref<1023x512xf32, #tpu.memory_space<hbm>> -> memref<128x16xf32, #tpu.memory_space<hbm>>
    %dma_start3A_67 = arith.constant 768 : i32
    %dma_start3A_68 = arith.constant 0 : i32
    %dma_start3A_69 = tpu.memref_slice %arg4[%dma_start3A_67, %dma_start3A_68] : memref<1023x16xf32, #tpu.memory_space<vmem>> -> memref<128x16xf32, #tpu.memory_space<vmem>>
    %dma_start3A_70 = arith.constant 768 : i32
    %dma_start3A_71 = tpu.memref_slice %arg2[%dma_start3A_70, %mul3A_2] : memref<1023x512xf32, #tpu.memory_space<hbm>> -> memref<128x16xf32, #tpu.memory_space<hbm>>
    tpu.enqueue_dma source(%dma_start3A_71 : memref<128x16xf32, #tpu.memory_space<hbm>>) target(%dma_start3A_69 : memref<128x16xf32, #tpu.memory_space<vmem>>) target_semaphore(%arg6 : memref<!tpu.dma_semaphore, #tpu.memory_space<semaphore_mem>>)
    %dma_start3A_72 = arith.constant 896 : i32
    %dma_start3A_73 = arith.constant 0 : i32
    %dma_start3A_74 = tpu.memref_slice %arg4[%dma_start3A_72, %dma_start3A_73] : memref<1023x16xf32, #tpu.memory_space<vmem>> -> memref<127x16xf32, #tpu.memory_space<vmem>>
    %dma_start3A_75 = arith.constant 896 : i32
    %dma_start3A_76 = tpu.memref_slice %arg2[%dma_start3A_75, %mul3A_2] : memref<1023x512xf32, #tpu.memory_space<hbm>> -> memref<127x16xf32, #tpu.memory_space<hbm>>
    %dma_start3A_77 = arith.constant 896 : i32
    %dma_start3A_78 = arith.constant 0 : i32
    %dma_start3A_79 = tpu.memref_slice %arg4[%dma_start3A_77, %dma_start3A_78] : memref<1023x16xf32, #tpu.memory_space<vmem>> -> memref<127x16xf32, #tpu.memory_space<vmem>>
    %dma_start3A_80 = arith.constant 896 : i32
    %dma_start3A_81 = tpu.memref_slice %arg2[%dma_start3A_80, %mul3A_2] : memref<1023x512xf32, #tpu.memory_space<hbm>> -> memref<127x16xf32, #tpu.memory_space<hbm>>
    tpu.enqueue_dma source(%dma_start3A_81 : memref<127x16xf32, #tpu.memory_space<hbm>>) target(%dma_start3A_79 : memref<127x16xf32, #tpu.memory_space<vmem>>) target_semaphore(%arg6 : memref<!tpu.dma_semaphore, #tpu.memory_space<semaphore_mem>>)
    %broadcast_in_dim3A = arith.constant 0.000000e+00 : f32
    %broadcast_in_dim3A_82 = vector.broadcast %broadcast_in_dim3A : f32 to vector<16xf32>
    %dma_wait3A = arith.constant 0 : i32
    %dma_wait3A_83 = arith.constant 0 : i32
    %dma_wait3A_84 = tpu.memref_slice %arg4[%dma_wait3A, %dma_wait3A_83] : memref<1023x16xf32, #tpu.memory_space<vmem>> -> memref<128x16xf32, #tpu.memory_space<vmem>>
    %dma_wait3A_85 = arith.constant 0 : i32
    %dma_wait3A_86 = tpu.memref_slice %arg2[%dma_wait3A_85, %mul3A_2] : memref<1023x512xf32, #tpu.memory_space<hbm>> -> memref<128x16xf32, #tpu.memory_space<hbm>>
    %dma_wait3A_87 = arith.constant 0 : i32
    %dma_wait3A_88 = arith.constant 0 : i32
    %dma_wait3A_89 = tpu.memref_slice %arg4[%dma_wait3A_87, %dma_wait3A_88] : memref<1023x16xf32, #tpu.memory_space<vmem>> -> memref<128x16xf32, #tpu.memory_space<vmem>>
    %dma_wait3A_90 = arith.constant 0 : i32
    %dma_wait3A_91 = tpu.memref_slice %arg2[%dma_wait3A_90, %mul3A_2] : memref<1023x512xf32, #tpu.memory_space<hbm>> -> memref<128x16xf32, #tpu.memory_space<hbm>>
    tpu.wait_dma2 semaphore(%arg6 : memref<!tpu.dma_semaphore, #tpu.memory_space<semaphore_mem>>) src(%dma_wait3A_91 : memref<128x16xf32, #tpu.memory_space<hbm>>) dst(%dma_wait3A_89 : memref<128x16xf32, #tpu.memory_space<vmem>>)
    %scan3A = arith.constant 0 : i32
    %scan3A_92 = arith.constant 32 : i32
    %scan3A_93 = arith.addi %scan3A, %scan3A_92 : i32
    %scan3A_94 = arith.constant 8 : i32
    %scan3A_95:4 = scf.for %scan3A_599 = %scan3A to %scan3A_93 step %scan3A_94 iter_args(%scan3A_600 = %broadcast_in_dim3A_82, %scan3A_601 = %broadcast_in_dim3A_82, %scan3A_602 = %broadcast_in_dim3A_82, %scan3A_603 = %broadcast_in_dim3A_82) -> (vector<16xf32>, vector<16xf32>, vector<16xf32>, vector<16xf32>)  : i32 {
      %add3A_604 = arith.constant 0 : i32
      %add3A_605 = arith.addi %add3A_604, %scan3A_599 : i32
      %get3A_606 = arith.index_cast %add3A_605 : i32 to index
      %get3A_607 = arith.constant 0 : index
      %get3A_608 = tpu.vector_load %arg4[%get3A_606, %get3A_607] {strides = array<i32>} : memref<1023x16xf32, #tpu.memory_space<vmem>>, vector<1x16xf32>,
      %get3A_609 = vector.shape_cast %get3A_608 : vector<1x16xf32> to vector<16xf32>
      %add3A_610 = arith.addf %scan3A_600, %get3A_609 : vector<16xf32>
      %add3A_611 = arith.constant 0 : i32
      %add3A_612 = arith.addi %add3A_611, %scan3A_599 : i32
      %add3A_613 = arith.constant 32 : i32
      %add3A_614 = arith.addi %add3A_612, %add3A_613 : i32
      %get3A_615 = arith.index_cast %add3A_614 : i32 to index
      %get3A_616 = arith.constant 0 : index
      %get3A_617 = tpu.vector_load %arg4[%get3A_615, %get3A_616] {strides = array<i32>} : memref<1023x16xf32, #tpu.memory_space<vmem>>, vector<1x16xf32>,
      %get3A_618 = vector.shape_cast %get3A_617 : vector<1x16xf32> to vector<16xf32>
      %add3A_619 = arith.addf %scan3A_601, %get3A_618 : vector<16xf32>
      %add3A_620 = arith.constant 0 : i32
      %add3A_621 = arith.addi %add3A_620, %scan3A_599 : i32
      %add3A_622 = arith.constant 64 : i32
      %add3A_623 = arith.addi %add3A_621, %add3A_622 : i32
      %get3A_624 = arith.index_cast %add3A_623 : i32 to index
      %get3A_625 = arith.constant 0 : index
      %get3A_626 = tpu.vector_load %arg4[%get3A_624, %get3A_625] {strides = array<i32>} : memref<1023x16xf32, #tpu.memory_space<vmem>>, vector<1x16xf32>,
      %get3A_627 = vector.shape_cast %get3A_626 : vector<1x16xf32> to vector<16xf32>
      %add3A_628 = arith.addf %scan3A_602, %get3A_627 : vector<16xf32>
      %add3A_629 = arith.constant 0 : i32
      %add3A_630 = arith.addi %add3A_629, %scan3A_599 : i32
      %add3A_631 = arith.constant 96 : i32
      %add3A_632 = arith.addi %add3A_630, %add3A_631 : i32
      %get3A_633 = arith.index_cast %add3A_632 : i32 to index
      %get3A_634 = arith.constant 0 : index
      %get3A_635 = tpu.vector_load %arg4[%get3A_633, %get3A_634] {strides = array<i32>} : memref<1023x16xf32, #tpu.memory_space<vmem>>, vector<1x16xf32>,
      %get3A_636 = vector.shape_cast %get3A_635 : vector<1x16xf32> to vector<16xf32>
      %add3A_637 = arith.addf %scan3A_603, %get3A_636 : vector<16xf32>
      %scan3A_638 = arith.constant 1 : i32
      %scan3A_639 = arith.addi %scan3A_599, %scan3A_638 : i32
      %add3A_640 = arith.constant 0 : i32
      %add3A_641 = arith.addi %add3A_640, %scan3A_639 : i32
      %get3A_642 = arith.index_cast %add3A_641 : i32 to index
      %get3A_643 = arith.constant 0 : index
      %get3A_644 = tpu.vector_load %arg4[%get3A_642, %get3A_643] {strides = array<i32>} : memref<1023x16xf32, #tpu.memory_space<vmem>>, vector<1x16xf32>,
      %get3A_645 = vector.shape_cast %get3A_644 : vector<1x16xf32> to vector<16xf32>
      %add3A_646 = arith.addf %add3A_610, %get3A_645 : vector<16xf32>
      %add3A_647 = arith.constant 0 : i32
      %add3A_648 = arith.addi %add3A_647, %scan3A_639 : i32
      %add3A_649 = arith.constant 32 : i32
      %add3A_650 = arith.addi %add3A_648, %add3A_649 : i32
      %get3A_651 = arith.index_cast %add3A_650 : i32 to index
      %get3A_652 = arith.constant 0 : index
      %get3A_653 = tpu.vector_load %arg4[%get3A_651, %get3A_652] {strides = array<i32>} : memref<1023x16xf32, #tpu.memory_space<vmem>>, vector<1x16xf32>,
      %get3A_654 = vector.shape_cast %get3A_653 : vector<1x16xf32> to vector<16xf32>
      %add3A_655 = arith.addf %add3A_619, %get3A_654 : vector<16xf32>
      %add3A_656 = arith.constant 0 : i32
      %add3A_657 = arith.addi %add3A_656, %scan3A_639 : i32
      %add3A_658 = arith.constant 64 : i32
      %add3A_659 = arith.addi %add3A_657, %add3A_658 : i32
      %get3A_660 = arith.index_cast %add3A_659 : i32 to index
      %get3A_661 = arith.constant 0 : index
      %get3A_662 = tpu.vector_load %arg4[%get3A_660, %get3A_661] {strides = array<i32>} : memref<1023x16xf32, #tpu.memory_space<vmem>>, vector<1x16xf32>,
      %get3A_663 = vector.shape_cast %get3A_662 : vector<1x16xf32> to vector<16xf32>
      %add3A_664 = arith.addf %add3A_628, %get3A_663 : vector<16xf32>
      %add3A_665 = arith.constant 0 : i32
      %add3A_666 = arith.addi %add3A_665, %scan3A_639 : i32
      %add3A_667 = arith.constant 96 : i32
      %add3A_668 = arith.addi %add3A_666, %add3A_667 : i32
      %get3A_669 = arith.index_cast %add3A_668 : i32 to index
      %get3A_670 = arith.constant 0 : index
      %get3A_671 = tpu.vector_load %arg4[%get3A_669, %get3A_670] {strides = array<i32>} : memref<1023x16xf32, #tpu.memory_space<vmem>>, vector<1x16xf32>,
      %get3A_672 = vector.shape_cast %get3A_671 : vector<1x16xf32> to vector<16xf32>
      %add3A_673 = arith.addf %add3A_637, %get3A_672 : vector<16xf32>
      %scan3A_674 = arith.constant 2 : i32
      %scan3A_675 = arith.addi %scan3A_599, %scan3A_674 : i32
      %add3A_676 = arith.constant 0 : i32
      %add3A_677 = arith.addi %add3A_676, %scan3A_675 : i32
      %get3A_678 = arith.index_cast %add3A_677 : i32 to index
      %get3A_679 = arith.constant 0 : index
      %get3A_680 = tpu.vector_load %arg4[%get3A_678, %get3A_679] {strides = array<i32>} : memref<1023x16xf32, #tpu.memory_space<vmem>>, vector<1x16xf32>,
      %get3A_681 = vector.shape_cast %get3A_680 : vector<1x16xf32> to vector<16xf32>
      %add3A_682 = arith.addf %add3A_646, %get3A_681 : vector<16xf32>
      %add3A_683 = arith.constant 0 : i32
      %add3A_684 = arith.addi %add3A_683, %scan3A_675 : i32
      %add3A_685 = arith.constant 32 : i32
      %add3A_686 = arith.addi %add3A_684, %add3A_685 : i32
      %get3A_687 = arith.index_cast %add3A_686 : i32 to index
      %get3A_688 = arith.constant 0 : index
      %get3A_689 = tpu.vector_load %arg4[%get3A_687, %get3A_688] {strides = array<i32>} : memref<1023x16xf32, #tpu.memory_space<vmem>>, vector<1x16xf32>,
      %get3A_690 = vector.shape_cast %get3A_689 : vector<1x16xf32> to vector<16xf32>
      %add3A_691 = arith.addf %add3A_655, %get3A_690 : vector<16xf32>
      %add3A_692 = arith.constant 0 : i32
      %add3A_693 = arith.addi %add3A_692, %scan3A_675 : i32
      %add3A_694 = arith.constant 64 : i32
      %add3A_695 = arith.addi %add3A_693, %add3A_694 : i32
      %get3A_696 = arith.index_cast %add3A_695 : i32 to index
      %get3A_697 = arith.constant 0 : index
      %get3A_698 = tpu.vector_load %arg4[%get3A_696, %get3A_697] {strides = array<i32>} : memref<1023x16xf32, #tpu.memory_space<vmem>>, vector<1x16xf32>,
      %get3A_699 = vector.shape_cast %get3A_698 : vector<1x16xf32> to vector<16xf32>
      %add3A_700 = arith.addf %add3A_664, %get3A_699 : vector<16xf32>
      %add3A_701 = arith.constant 0 : i32
      %add3A_702 = arith.addi %add3A_701, %scan3A_675 : i32
      %add3A_703 = arith.constant 96 : i32
      %add3A_704 = arith.addi %add3A_702, %add3A_703 : i32
      %get3A_705 = arith.index_cast %add3A_704 : i32 to index
      %get3A_706 = arith.constant 0 : index
      %get3A_707 = tpu.vector_load %arg4[%get3A_705, %get3A_706] {strides = array<i32>} : memref<1023x16xf32, #tpu.memory_space<vmem>>, vector<1x16xf32>,
      %get3A_708 = vector.shape_cast %get3A_707 : vector<1x16xf32> to vector<16xf32>
      %add3A_709 = arith.addf %add3A_673, %get3A_708 : vector<16xf32>
      %scan3A_710 = arith.constant 3 : i32
      %scan3A_711 = arith.addi %scan3A_599, %scan3A_710 : i32
      %add3A_712 = arith.constant 0 : i32
      %add3A_713 = arith.addi %add3A_712, %scan3A_711 : i32
      %get3A_714 = arith.index_cast %add3A_713 : i32 to index
      %get3A_715 = arith.constant 0 : index
      %get3A_716 = tpu.vector_load %arg4[%get3A_714, %get3A_715] {strides = array<i32>} : memref<1023x16xf32, #tpu.memory_space<vmem>>, vector<1x16xf32>,
      %get3A_717 = vector.shape_cast %get3A_716 : vector<1x16xf32> to vector<16xf32>
      %add3A_718 = arith.addf %add3A_682, %get3A_717 : vector<16xf32>
      %add3A_719 = arith.constant 0 : i32
      %add3A_720 = arith.addi %add3A_719, %scan3A_711 : i32
      %add3A_721 = arith.constant 32 : i32
      %add3A_722 = arith.addi %add3A_720, %add3A_721 : i32
      %get3A_723 = arith.index_cast %add3A_722 : i32 to index
      %get3A_724 = arith.constant 0 : index
      %get3A_725 = tpu.vector_load %arg4[%get3A_723, %get3A_724] {strides = array<i32>} : memref<1023x16xf32, #tpu.memory_space<vmem>>, vector<1x16xf32>,
      %get3A_726 = vector.shape_cast %get3A_725 : vector<1x16xf32> to vector<16xf32>
      %add3A_727 = arith.addf %add3A_691, %get3A_726 : vector<16xf32>
      %add3A_728 = arith.constant 0 : i32
      %add3A_729 = arith.addi %add3A_728, %scan3A_711 : i32
      %add3A_730 = arith.constant 64 : i32
      %add3A_731 = arith.addi %add3A_729, %add3A_730 : i32
      %get3A_732 = arith.index_cast %add3A_731 : i32 to index
      %get3A_733 = arith.constant 0 : index
      %get3A_734 = tpu.vector_load %arg4[%get3A_732, %get3A_733] {strides = array<i32>} : memref<1023x16xf32, #tpu.memory_space<vmem>>, vector<1x16xf32>,
      %get3A_735 = vector.shape_cast %get3A_734 : vector<1x16xf32> to vector<16xf32>
      %add3A_736 = arith.addf %add3A_700, %get3A_735 : vector<16xf32>
      %add3A_737 = arith.constant 0 : i32
      %add3A_738 = arith.addi %add3A_737, %scan3A_711 : i32
      %add3A_739 = arith.constant 96 : i32
      %add3A_740 = arith.addi %add3A_738, %add3A_739 : i32
      %get3A_741 = arith.index_cast %add3A_740 : i32 to index
      %get3A_742 = arith.constant 0 : index
      %get3A_743 = tpu.vector_load %arg4[%get3A_741, %get3A_742] {strides = array<i32>} : memref<1023x16xf32, #tpu.memory_space<vmem>>, vector<1x16xf32>,
      %get3A_744 = vector.shape_cast %get3A_743 : vector<1x16xf32> to vector<16xf32>
      %add3A_745 = arith.addf %add3A_709, %get3A_744 : vector<16xf32>
      %scan3A_746 = arith.constant 4 : i32
      %scan3A_747 = arith.addi %scan3A_599, %scan3A_746 : i32
      %add3A_748 = arith.constant 0 : i32
      %add3A_749 = arith.addi %add3A_748, %scan3A_747 : i32
      %get3A_750 = arith.index_cast %add3A_749 : i32 to index
      %get3A_751 = arith.constant 0 : index
      %get3A_752 = tpu.vector_load %arg4[%get3A_750, %get3A_751] {strides = array<i32>} : memref<1023x16xf32, #tpu.memory_space<vmem>>, vector<1x16xf32>,
      %get3A_753 = vector.shape_cast %get3A_752 : vector<1x16xf32> to vector<16xf32>
      %add3A_754 = arith.addf %add3A_718, %get3A_753 : vector<16xf32>
      %add3A_755 = arith.constant 0 : i32
      %add3A_756 = arith.addi %add3A_755, %scan3A_747 : i32
      %add3A_757 = arith.constant 32 : i32
      %add3A_758 = arith.addi %add3A_756, %add3A_757 : i32
      %get3A_759 = arith.index_cast %add3A_758 : i32 to index
      %get3A_760 = arith.constant 0 : index
      %get3A_761 = tpu.vector_load %arg4[%get3A_759, %get3A_760] {strides = array<i32>} : memref<1023x16xf32, #tpu.memory_space<vmem>>, vector<1x16xf32>,
      %get3A_762 = vector.shape_cast %get3A_761 : vector<1x16xf32> to vector<16xf32>
      %add3A_763 = arith.addf %add3A_727, %get3A_762 : vector<16xf32>
      %add3A_764 = arith.constant 0 : i32
      %add3A_765 = arith.addi %add3A_764, %scan3A_747 : i32
      %add3A_766 = arith.constant 64 : i32
      %add3A_767 = arith.addi %add3A_765, %add3A_766 : i32
      %get3A_768 = arith.index_cast %add3A_767 : i32 to index
      %get3A_769 = arith.constant 0 : index
      %get3A_770 = tpu.vector_load %arg4[%get3A_768, %get3A_769] {strides = array<i32>} : memref<1023x16xf32, #tpu.memory_space<vmem>>, vector<1x16xf32>,
      %get3A_771 = vector.shape_cast %get3A_770 : vector<1x16xf32> to vector<16xf32>
      %add3A_772 = arith.addf %add3A_736, %get3A_771 : vector<16xf32>
      %add3A_773 = arith.constant 0 : i32
      %add3A_774 = arith.addi %add3A_773, %scan3A_747 : i32
      %add3A_775 = arith.constant 96 : i32
      %add3A_776 = arith.addi %add3A_774, %add3A_775 : i32
      %get3A_777 = arith.index_cast %add3A_776 : i32 to index
      %get3A_778 = arith.constant 0 : index
      %get3A_779 = tpu.vector_load %arg4[%get3A_777, %get3A_778] {strides = array<i32>} : memref<1023x16xf32, #tpu.memory_space<vmem>>, vector<1x16xf32>,
      %get3A_780 = vector.shape_cast %get3A_779 : vector<1x16xf32> to vector<16xf32>
      %add3A_781 = arith.addf %add3A_745, %get3A_780 : vector<16xf32>
      %scan3A_782 = arith.constant 5 : i32
      %scan3A_783 = arith.addi %scan3A_599, %scan3A_782 : i32
      %add3A_784 = arith.constant 0 : i32
      %add3A_785 = arith.addi %add3A_784, %scan3A_783 : i32
      %get3A_786 = arith.index_cast %add3A_785 : i32 to index
      %get3A_787 = arith.constant 0 : index
      %get3A_788 = tpu.vector_load %arg4[%get3A_786, %get3A_787] {strides = array<i32>} : memref<1023x16xf32, #tpu.memory_space<vmem>>, vector<1x16xf32>,
      %get3A_789 = vector.shape_cast %get3A_788 : vector<1x16xf32> to vector<16xf32>
      %add3A_790 = arith.addf %add3A_754, %get3A_789 : vector<16xf32>
      %add3A_791 = arith.constant 0 : i32
      %add3A_792 = arith.addi %add3A_791, %scan3A_783 : i32
      %add3A_793 = arith.constant 32 : i32
      %add3A_794 = arith.addi %add3A_792, %add3A_793 : i32
      %get3A_795 = arith.index_cast %add3A_794 : i32 to index
      %get3A_796 = arith.constant 0 : index
      %get3A_797 = tpu.vector_load %arg4[%get3A_795, %get3A_796] {strides = array<i32>} : memref<1023x16xf32, #tpu.memory_space<vmem>>, vector<1x16xf32>,
      %get3A_798 = vector.shape_cast %get3A_797 : vector<1x16xf32> to vector<16xf32>
      %add3A_799 = arith.addf %add3A_763, %get3A_798 : vector<16xf32>
      %add3A_800 = arith.constant 0 : i32
      %add3A_801 = arith.addi %add3A_800, %scan3A_783 : i32
      %add3A_802 = arith.constant 64 : i32
      %add3A_803 = arith.addi %add3A_801, %add3A_802 : i32
      %get3A_804 = arith.index_cast %add3A_803 : i32 to index
      %get3A_805 = arith.constant 0 : index
      %get3A_806 = tpu.vector_load %arg4[%get3A_804, %get3A_805] {strides = array<i32>} : memref<1023x16xf32, #tpu.memory_space<vmem>>, vector<1x16xf32>,
      %get3A_807 = vector.shape_cast %get3A_806 : vector<1x16xf32> to vector<16xf32>
      %add3A_808 = arith.addf %add3A_772, %get3A_807 : vector<16xf32>
      %add3A_809 = arith.constant 0 : i32
      %add3A_810 = arith.addi %add3A_809, %scan3A_783 : i32
      %add3A_811 = arith.constant 96 : i32
      %add3A_812 = arith.addi %add3A_810, %add3A_811 : i32
      %get3A_813 = arith.index_cast %add3A_812 : i32 to index
      %get3A_814 = arith.constant 0 : index
      %get3A_815 = tpu.vector_load %arg4[%get3A_813, %get3A_814] {strides = array<i32>} : memref<1023x16xf32, #tpu.memory_space<vmem>>, vector<1x16xf32>,
      %get3A_816 = vector.shape_cast %get3A_815 : vector<1x16xf32> to vector<16xf32>
      %add3A_817 = arith.addf %add3A_781, %get3A_816 : vector<16xf32>
      %scan3A_818 = arith.constant 6 : i32
      %scan3A_819 = arith.addi %scan3A_599, %scan3A_818 : i32
      %add3A_820 = arith.constant 0 : i32
      %add3A_821 = arith.addi %add3A_820, %scan3A_819 : i32
      %get3A_822 = arith.index_cast %add3A_821 : i32 to index
      %get3A_823 = arith.constant 0 : index
      %get3A_824 = tpu.vector_load %arg4[%get3A_822, %get3A_823] {strides = array<i32>} : memref<1023x16xf32, #tpu.memory_space<vmem>>, vector<1x16xf32>,
      %get3A_825 = vector.shape_cast %get3A_824 : vector<1x16xf32> to vector<16xf32>
      %add3A_826 = arith.addf %add3A_790, %get3A_825 : vector<16xf32>
      %add3A_827 = arith.constant 0 : i32
      %add3A_828 = arith.addi %add3A_827, %scan3A_819 : i32
      %add3A_829 = arith.constant 32 : i32
      %add3A_830 = arith.addi %add3A_828, %add3A_829 : i32
      %get3A_831 = arith.index_cast %add3A_830 : i32 to index
      %get3A_832 = arith.constant 0 : index
      %get3A_833 = tpu.vector_load %arg4[%get3A_831, %get3A_832] {strides = array<i32>} : memref<1023x16xf32, #tpu.memory_space<vmem>>, vector<1x16xf32>,
      %get3A_834 = vector.shape_cast %get3A_833 : vector<1x16xf32> to vector<16xf32>
      %add3A_835 = arith.addf %add3A_799, %get3A_834 : vector<16xf32>
      %add3A_836 = arith.constant 0 : i32
      %add3A_837 = arith.addi %add3A_836, %scan3A_819 : i32
      %add3A_838 = arith.constant 64 : i32
      %add3A_839 = arith.addi %add3A_837, %add3A_838 : i32
      %get3A_840 = arith.index_cast %add3A_839 : i32 to index
      %get3A_841 = arith.constant 0 : index
      %get3A_842 = tpu.vector_load %arg4[%get3A_840, %get3A_841] {strides = array<i32>} : memref<1023x16xf32, #tpu.memory_space<vmem>>, vector<1x16xf32>,
      %get3A_843 = vector.shape_cast %get3A_842 : vector<1x16xf32> to vector<16xf32>
      %add3A_844 = arith.addf %add3A_808, %get3A_843 : vector<16xf32>
      %add3A_845 = arith.constant 0 : i32
      %add3A_846 = arith.addi %add3A_845, %scan3A_819 : i32
      %add3A_847 = arith.constant 96 : i32
      %add3A_848 = arith.addi %add3A_846, %add3A_847 : i32
      %get3A_849 = arith.index_cast %add3A_848 : i32 to index
      %get3A_850 = arith.constant 0 : index
      %get3A_851 = tpu.vector_load %arg4[%get3A_849, %get3A_850] {strides = array<i32>} : memref<1023x16xf32, #tpu.memory_space<vmem>>, vector<1x16xf32>,
      %get3A_852 = vector.shape_cast %get3A_851 : vector<1x16xf32> to vector<16xf32>
      %add3A_853 = arith.addf %add3A_817, %get3A_852 : vector<16xf32>
      %scan3A_854 = arith.constant 7 : i32
      %scan3A_855 = arith.addi %scan3A_599, %scan3A_854 : i32
      %add3A_856 = arith.constant 0 : i32
      %add3A_857 = arith.addi %add3A_856, %scan3A_855 : i32
      %get3A_858 = arith.index_cast %add3A_857 : i32 to index
      %get3A_859 = arith.constant 0 : index
      %get3A_860 = tpu.vector_load %arg4[%get3A_858, %get3A_859] {strides = array<i32>} : memref<1023x16xf32, #tpu.memory_space<vmem>>, vector<1x16xf32>,
      %get3A_861 = vector.shape_cast %get3A_860 : vector<1x16xf32> to vector<16xf32>
      %add3A_862 = arith.addf %add3A_826, %get3A_861 : vector<16xf32>
      %add3A_863 = arith.constant 0 : i32
      %add3A_864 = arith.addi %add3A_863, %scan3A_855 : i32
      %add3A_865 = arith.constant 32 : i32
      %add3A_866 = arith.addi %add3A_864, %add3A_865 : i32
      %get3A_867 = arith.index_cast %add3A_866 : i32 to index
      %get3A_868 = arith.constant 0 : index
      %get3A_869 = tpu.vector_load %arg4[%get3A_867, %get3A_868] {strides = array<i32>} : memref<1023x16xf32, #tpu.memory_space<vmem>>, vector<1x16xf32>,
      %get3A_870 = vector.shape_cast %get3A_869 : vector<1x16xf32> to vector<16xf32>
      %add3A_871 = arith.addf %add3A_835, %get3A_870 : vector<16xf32>
      %add3A_872 = arith.constant 0 : i32
      %add3A_873 = arith.addi %add3A_872, %scan3A_855 : i32
      %add3A_874 = arith.constant 64 : i32
      %add3A_875 = arith.addi %add3A_873, %add3A_874 : i32
      %get3A_876 = arith.index_cast %add3A_875 : i32 to index
      %get3A_877 = arith.constant 0 : index
      %get3A_878 = tpu.vector_load %arg4[%get3A_876, %get3A_877] {strides = array<i32>} : memref<1023x16xf32, #tpu.memory_space<vmem>>, vector<1x16xf32>,
      %get3A_879 = vector.shape_cast %get3A_878 : vector<1x16xf32> to vector<16xf32>
      %add3A_880 = arith.addf %add3A_844, %get3A_879 : vector<16xf32>
      %add3A_881 = arith.constant 0 : i32
      %add3A_882 = arith.addi %add3A_881, %scan3A_855 : i32
      %add3A_883 = arith.constant 96 : i32
      %add3A_884 = arith.addi %add3A_882, %add3A_883 : i32
      %get3A_885 = arith.index_cast %add3A_884 : i32 to index
      %get3A_886 = arith.constant 0 : index
      %get3A_887 = tpu.vector_load %arg4[%get3A_885, %get3A_886] {strides = array<i32>} : memref<1023x16xf32, #tpu.memory_space<vmem>>, vector<1x16xf32>,
      %get3A_888 = vector.shape_cast %get3A_887 : vector<1x16xf32> to vector<16xf32>
      %add3A_889 = arith.addf %add3A_853, %get3A_888 : vector<16xf32>
      scf.yield %add3A_862, %add3A_871, %add3A_880, %add3A_889 : vector<16xf32>, vector<16xf32>, vector<16xf32>, vector<16xf32>
    }
    %scan3A_96 = arith.constant 32 : i32
    %add3A_97 = arith.addf %scan3A_95#0, %scan3A_95#1 : vector<16xf32>
    %add3A_98 = arith.addf %scan3A_95#2, %scan3A_95#3 : vector<16xf32>
    %add3A_99 = arith.addf %add3A_97, %add3A_98 : vector<16xf32>
    %dma_wait3A_100 = arith.constant 128 : i32
    %dma_wait3A_101 = arith.constant 0 : i32
    %dma_wait3A_102 = tpu.memref_slice %arg4[%dma_wait3A_100, %dma_wait3A_101] : memref<1023x16xf32, #tpu.memory_space<vmem>> -> memref<128x16xf32, #tpu.memory_space<vmem>>
    %dma_wait3A_103 = arith.constant 128 : i32
    %dma_wait3A_104 = tpu.memref_slice %arg2[%dma_wait3A_103, %mul3A_2] : memref<1023x512xf32, #tpu.memory_space<hbm>> -> memref<128x16xf32, #tpu.memory_space<hbm>>
    %dma_wait3A_105 = arith.constant 128 : i32
    %dma_wait3A_106 = arith.constant 0 : i32
    %dma_wait3A_107 = tpu.memref_slice %arg4[%dma_wait3A_105, %dma_wait3A_106] : memref<1023x16xf32, #tpu.memory_space<vmem>> -> memref<128x16xf32, #tpu.memory_space<vmem>>
    %dma_wait3A_108 = arith.constant 128 : i32
    %dma_wait3A_109 = tpu.memref_slice %arg2[%dma_wait3A_108, %mul3A_2] : memref<1023x512xf32, #tpu.memory_space<hbm>> -> memref<128x16xf32, #tpu.memory_space<hbm>>
    tpu.wait_dma2 semaphore(%arg6 : memref<!tpu.dma_semaphore, #tpu.memory_space<semaphore_mem>>) src(%dma_wait3A_109 : memref<128x16xf32, #tpu.memory_space<hbm>>) dst(%dma_wait3A_107 : memref<128x16xf32, #tpu.memory_space<vmem>>)
    %scan3A_110 = arith.constant 0 : i32
    %scan3A_111 = arith.constant 32 : i32
    %scan3A_112 = arith.addi %scan3A_110, %scan3A_111 : i32
    %scan3A_113 = arith.constant 8 : i32
    %scan3A_114:4 = scf.for %scan3A_599 = %scan3A_110 to %scan3A_112 step %scan3A_113 iter_args(%scan3A_600 = %broadcast_in_dim3A_82, %scan3A_601 = %broadcast_in_dim3A_82, %scan3A_602 = %broadcast_in_dim3A_82, %scan3A_603 = %broadcast_in_dim3A_82) -> (vector<16xf32>, vector<16xf32>, vector<16xf32>, vector<16xf32>)  : i32 {
      %add3A_604 = arith.constant 128 : i32
      %add3A_605 = arith.addi %add3A_604, %scan3A_599 : i32
      %get3A_606 = arith.index_cast %add3A_605 : i32 to index
      %get3A_607 = arith.constant 0 : index
      %get3A_608 = tpu.vector_load %arg4[%get3A_606, %get3A_607] {strides = array<i32>} : memref<1023x16xf32, #tpu.memory_space<vmem>>, vector<1x16xf32>,
      %get3A_609 = vector.shape_cast %get3A_608 : vector<1x16xf32> to vector<16xf32>
      %add3A_610 = arith.addf %scan3A_600, %get3A_609 : vector<16xf32>
      %add3A_611 = arith.constant 128 : i32
      %add3A_612 = arith.addi %add3A_611, %scan3A_599 : i32
      %add3A_613 = arith.constant 32 : i32
      %add3A_614 = arith.addi %add3A_612, %add3A_613 : i32
      %get3A_615 = arith.index_cast %add3A_614 : i32 to index
      %get3A_616 = arith.constant 0 : index
      %get3A_617 = tpu.vector_load %arg4[%get3A_615, %get3A_616] {strides = array<i32>} : memref<1023x16xf32, #tpu.memory_space<vmem>>, vector<1x16xf32>,
      %get3A_618 = vector.shape_cast %get3A_617 : vector<1x16xf32> to vector<16xf32>
      %add3A_619 = arith.addf %scan3A_601, %get3A_618 : vector<16xf32>
      %add3A_620 = arith.constant 128 : i32
      %add3A_621 = arith.addi %add3A_620, %scan3A_599 : i32
      %add3A_622 = arith.constant 64 : i32
      %add3A_623 = arith.addi %add3A_621, %add3A_622 : i32
      %get3A_624 = arith.index_cast %add3A_623 : i32 to index
      %get3A_625 = arith.constant 0 : index
      %get3A_626 = tpu.vector_load %arg4[%get3A_624, %get3A_625] {strides = array<i32>} : memref<1023x16xf32, #tpu.memory_space<vmem>>, vector<1x16xf32>,
      %get3A_627 = vector.shape_cast %get3A_626 : vector<1x16xf32> to vector<16xf32>
      %add3A_628 = arith.addf %scan3A_602, %get3A_627 : vector<16xf32>
      %add3A_629 = arith.constant 128 : i32
      %add3A_630 = arith.addi %add3A_629, %scan3A_599 : i32
      %add3A_631 = arith.constant 96 : i32
      %add3A_632 = arith.addi %add3A_630, %add3A_631 : i32
      %get3A_633 = arith.index_cast %add3A_632 : i32 to index
      %get3A_634 = arith.constant 0 : index
      %get3A_635 = tpu.vector_load %arg4[%get3A_633, %get3A_634] {strides = array<i32>} : memref<1023x16xf32, #tpu.memory_space<vmem>>, vector<1x16xf32>,
      %get3A_636 = vector.shape_cast %get3A_635 : vector<1x16xf32> to vector<16xf32>
      %add3A_637 = arith.addf %scan3A_603, %get3A_636 : vector<16xf32>
      %scan3A_638 = arith.constant 1 : i32
      %scan3A_639 = arith.addi %scan3A_599, %scan3A_638 : i32
      %add3A_640 = arith.constant 128 : i32
      %add3A_641 = arith.addi %add3A_640, %scan3A_639 : i32
      %get3A_642 = arith.index_cast %add3A_641 : i32 to index
      %get3A_643 = arith.constant 0 : index
      %get3A_644 = tpu.vector_load %arg4[%get3A_642, %get3A_643] {strides = array<i32>} : memref<1023x16xf32, #tpu.memory_space<vmem>>, vector<1x16xf32>,
      %get3A_645 = vector.shape_cast %get3A_644 : vector<1x16xf32> to vector<16xf32>
      %add3A_646 = arith.addf %add3A_610, %get3A_645 : vector<16xf32>
      %add3A_647 = arith.constant 128 : i32
      %add3A_648 = arith.addi %add3A_647, %scan3A_639 : i32
      %add3A_649 = arith.constant 32 : i32
      %add3A_650 = arith.addi %add3A_648, %add3A_649 : i32
      %get3A_651 = arith.index_cast %add3A_650 : i32 to index
      %get3A_652 = arith.constant 0 : index
      %get3A_653 = tpu.vector_load %arg4[%get3A_651, %get3A_652] {strides = array<i32>} : memref<1023x16xf32, #tpu.memory_space<vmem>>, vector<1x16xf32>,
      %get3A_654 = vector.shape_cast %get3A_653 : vector<1x16xf32> to vector<16xf32>
      %add3A_655 = arith.addf %add3A_619, %get3A_654 : vector<16xf32>
      %add3A_656 = arith.constant 128 : i32
      %add3A_657 = arith.addi %add3A_656, %scan3A_639 : i32
      %add3A_658 = arith.constant 64 : i32
      %add3A_659 = arith.addi %add3A_657, %add3A_658 : i32
      %get3A_660 = arith.index_cast %add3A_659 : i32 to index
      %get3A_661 = arith.constant 0 : index
      %get3A_662 = tpu.vector_load %arg4[%get3A_660, %get3A_661] {strides = array<i32>} : memref<1023x16xf32, #tpu.memory_space<vmem>>, vector<1x16xf32>,
      %get3A_663 = vector.shape_cast %get3A_662 : vector<1x16xf32> to vector<16xf32>
      %add3A_664 = arith.addf %add3A_628, %get3A_663 : vector<16xf32>
      %add3A_665 = arith.constant 128 : i32
      %add3A_666 = arith.addi %add3A_665, %scan3A_639 : i32
      %add3A_667 = arith.constant 96 : i32
      %add3A_668 = arith.addi %add3A_666, %add3A_667 : i32
      %get3A_669 = arith.index_cast %add3A_668 : i32 to index
      %get3A_670 = arith.constant 0 : index
      %get3A_671 = tpu.vector_load %arg4[%get3A_669, %get3A_670] {strides = array<i32>} : memref<1023x16xf32, #tpu.memory_space<vmem>>, vector<1x16xf32>,
      %get3A_672 = vector.shape_cast %get3A_671 : vector<1x16xf32> to vector<16xf32>
      %add3A_673 = arith.addf %add3A_637, %get3A_672 : vector<16xf32>
      %scan3A_674 = arith.constant 2 : i32
      %scan3A_675 = arith.addi %scan3A_599, %scan3A_674 : i32
      %add3A_676 = arith.constant 128 : i32
      %add3A_677 = arith.addi %add3A_676, %scan3A_675 : i32
      %get3A_678 = arith.index_cast %add3A_677 : i32 to index
      %get3A_679 = arith.constant 0 : index
      %get3A_680 = tpu.vector_load %arg4[%get3A_678, %get3A_679] {strides = array<i32>} : memref<1023x16xf32, #tpu.memory_space<vmem>>, vector<1x16xf32>,
      %get3A_681 = vector.shape_cast %get3A_680 : vector<1x16xf32> to vector<16xf32>
      %add3A_682 = arith.addf %add3A_646, %get3A_681 : vector<16xf32>
      %add3A_683 = arith.constant 128 : i32
      %add3A_684 = arith.addi %add3A_683, %scan3A_675 : i32
      %add3A_685 = arith.constant 32 : i32
      %add3A_686 = arith.addi %add3A_684, %add3A_685 : i32
      %get3A_687 = arith.index_cast %add3A_686 : i32 to index
      %get3A_688 = arith.constant 0 : index
      %get3A_689 = tpu.vector_load %arg4[%get3A_687, %get3A_688] {strides = array<i32>} : memref<1023x16xf32, #tpu.memory_space<vmem>>, vector<1x16xf32>,
      %get3A_690 = vector.shape_cast %get3A_689 : vector<1x16xf32> to vector<16xf32>
      %add3A_691 = arith.addf %add3A_655, %get3A_690 : vector<16xf32>
      %add3A_692 = arith.constant 128 : i32
      %add3A_693 = arith.addi %add3A_692, %scan3A_675 : i32
      %add3A_694 = arith.constant 64 : i32
      %add3A_695 = arith.addi %add3A_693, %add3A_694 : i32
      %get3A_696 = arith.index_cast %add3A_695 : i32 to index
      %get3A_697 = arith.constant 0 : index
      %get3A_698 = tpu.vector_load %arg4[%get3A_696, %get3A_697] {strides = array<i32>} : memref<1023x16xf32, #tpu.memory_space<vmem>>, vector<1x16xf32>,
      %get3A_699 = vector.shape_cast %get3A_698 : vector<1x16xf32> to vector<16xf32>
      %add3A_700 = arith.addf %add3A_664, %get3A_699 : vector<16xf32>
      %add3A_701 = arith.constant 128 : i32
      %add3A_702 = arith.addi %add3A_701, %scan3A_675 : i32
      %add3A_703 = arith.constant 96 : i32
      %add3A_704 = arith.addi %add3A_702, %add3A_703 : i32
      %get3A_705 = arith.index_cast %add3A_704 : i32 to index
      %get3A_706 = arith.constant 0 : index
      %get3A_707 = tpu.vector_load %arg4[%get3A_705, %get3A_706] {strides = array<i32>} : memref<1023x16xf32, #tpu.memory_space<vmem>>, vector<1x16xf32>,
      %get3A_708 = vector.shape_cast %get3A_707 : vector<1x16xf32> to vector<16xf32>
      %add3A_709 = arith.addf %add3A_673, %get3A_708 : vector<16xf32>
      %scan3A_710 = arith.constant 3 : i32
      %scan3A_711 = arith.addi %scan3A_599, %scan3A_710 : i32
      %add3A_712 = arith.constant 128 : i32
      %add3A_713 = arith.addi %add3A_712, %scan3A_711 : i32
      %get3A_714 = arith.index_cast %add3A_713 : i32 to index
      %get3A_715 = arith.constant 0 : index
      %get3A_716 = tpu.vector_load %arg4[%get3A_714, %get3A_715] {strides = array<i32>} : memref<1023x16xf32, #tpu.memory_space<vmem>>, vector<1x16xf32>,
      %get3A_717 = vector.shape_cast %get3A_716 : vector<1x16xf32> to vector<16xf32>
      %add3A_718 = arith.addf %add3A_682, %get3A_717 : vector<16xf32>
      %add3A_719 = arith.constant 128 : i32
      %add3A_720 = arith.addi %add3A_719, %scan3A_711 : i32
      %add3A_721 = arith.constant 32 : i32
      %add3A_722 = arith.addi %add3A_720, %add3A_721 : i32
      %get3A_723 = arith.index_cast %add3A_722 : i32 to index
      %get3A_724 = arith.constant 0 : index
      %get3A_725 = tpu.vector_load %arg4[%get3A_723, %get3A_724] {strides = array<i32>} : memref<1023x16xf32, #tpu.memory_space<vmem>>, vector<1x16xf32>,
      %get3A_726 = vector.shape_cast %get3A_725 : vector<1x16xf32> to vector<16xf32>
      %add3A_727 = arith.addf %add3A_691, %get3A_726 : vector<16xf32>
      %add3A_728 = arith.constant 128 : i32
      %add3A_729 = arith.addi %add3A_728, %scan3A_711 : i32
      %add3A_730 = arith.constant 64 : i32
      %add3A_731 = arith.addi %add3A_729, %add3A_730 : i32
      %get3A_732 = arith.index_cast %add3A_731 : i32 to index
      %get3A_733 = arith.constant 0 : index
      %get3A_734 = tpu.vector_load %arg4[%get3A_732, %get3A_733] {strides = array<i32>} : memref<1023x16xf32, #tpu.memory_space<vmem>>, vector<1x16xf32>,
      %get3A_735 = vector.shape_cast %get3A_734 : vector<1x16xf32> to vector<16xf32>
      %add3A_736 = arith.addf %add3A_700, %get3A_735 : vector<16xf32>
      %add3A_737 = arith.constant 128 : i32
      %add3A_738 = arith.addi %add3A_737, %scan3A_711 : i32
      %add3A_739 = arith.constant 96 : i32
      %add3A_740 = arith.addi %add3A_738, %add3A_739 : i32
      %get3A_741 = arith.index_cast %add3A_740 : i32 to index
      %get3A_742 = arith.constant 0 : index
      %get3A_743 = tpu.vector_load %arg4[%get3A_741, %get3A_742] {strides = array<i32>} : memref<1023x16xf32, #tpu.memory_space<vmem>>, vector<1x16xf32>,
      %get3A_744 = vector.shape_cast %get3A_743 : vector<1x16xf32> to vector<16xf32>
      %add3A_745 = arith.addf %add3A_709, %get3A_744 : vector<16xf32>
      %scan3A_746 = arith.constant 4 : i32
      %scan3A_747 = arith.addi %scan3A_599, %scan3A_746 : i32
      %add3A_748 = arith.constant 128 : i32
      %add3A_749 = arith.addi %add3A_748, %scan3A_747 : i32
      %get3A_750 = arith.index_cast %add3A_749 : i32 to index
      %get3A_751 = arith.constant 0 : index
      %get3A_752 = tpu.vector_load %arg4[%get3A_750, %get3A_751] {strides = array<i32>} : memref<1023x16xf32, #tpu.memory_space<vmem>>, vector<1x16xf32>,
      %get3A_753 = vector.shape_cast %get3A_752 : vector<1x16xf32> to vector<16xf32>
      %add3A_754 = arith.addf %add3A_718, %get3A_753 : vector<16xf32>
      %add3A_755 = arith.constant 128 : i32
      %add3A_756 = arith.addi %add3A_755, %scan3A_747 : i32
      %add3A_757 = arith.constant 32 : i32
      %add3A_758 = arith.addi %add3A_756, %add3A_757 : i32
      %get3A_759 = arith.index_cast %add3A_758 : i32 to index
      %get3A_760 = arith.constant 0 : index
      %get3A_761 = tpu.vector_load %arg4[%get3A_759, %get3A_760] {strides = array<i32>} : memref<1023x16xf32, #tpu.memory_space<vmem>>, vector<1x16xf32>,
      %get3A_762 = vector.shape_cast %get3A_761 : vector<1x16xf32> to vector<16xf32>
      %add3A_763 = arith.addf %add3A_727, %get3A_762 : vector<16xf32>
      %add3A_764 = arith.constant 128 : i32
      %add3A_765 = arith.addi %add3A_764, %scan3A_747 : i32
      %add3A_766 = arith.constant 64 : i32
      %add3A_767 = arith.addi %add3A_765, %add3A_766 : i32
      %get3A_768 = arith.index_cast %add3A_767 : i32 to index
      %get3A_769 = arith.constant 0 : index
      %get3A_770 = tpu.vector_load %arg4[%get3A_768, %get3A_769] {strides = array<i32>} : memref<1023x16xf32, #tpu.memory_space<vmem>>, vector<1x16xf32>,
      %get3A_771 = vector.shape_cast %get3A_770 : vector<1x16xf32> to vector<16xf32>
      %add3A_772 = arith.addf %add3A_736, %get3A_771 : vector<16xf32>
      %add3A_773 = arith.constant 128 : i32
      %add3A_774 = arith.addi %add3A_773, %scan3A_747 : i32
      %add3A_775 = arith.constant 96 : i32
      %add3A_776 = arith.addi %add3A_774, %add3A_775 : i32
      %get3A_777 = arith.index_cast %add3A_776 : i32 to index
      %get3A_778 = arith.constant 0 : index
      %get3A_779 = tpu.vector_load %arg4[%get3A_777, %get3A_778] {strides = array<i32>} : memref<1023x16xf32, #tpu.memory_space<vmem>>, vector<1x16xf32>,
      %get3A_780 = vector.shape_cast %get3A_779 : vector<1x16xf32> to vector<16xf32>
      %add3A_781 = arith.addf %add3A_745, %get3A_780 : vector<16xf32>
      %scan3A_782 = arith.constant 5 : i32
      %scan3A_783 = arith.addi %scan3A_599, %scan3A_782 : i32
      %add3A_784 = arith.constant 128 : i32
      %add3A_785 = arith.addi %add3A_784, %scan3A_783 : i32
      %get3A_786 = arith.index_cast %add3A_785 : i32 to index
      %get3A_787 = arith.constant 0 : index
      %get3A_788 = tpu.vector_load %arg4[%get3A_786, %get3A_787] {strides = array<i32>} : memref<1023x16xf32, #tpu.memory_space<vmem>>, vector<1x16xf32>,
      %get3A_789 = vector.shape_cast %get3A_788 : vector<1x16xf32> to vector<16xf32>
      %add3A_790 = arith.addf %add3A_754, %get3A_789 : vector<16xf32>
      %add3A_791 = arith.constant 128 : i32
      %add3A_792 = arith.addi %add3A_791, %scan3A_783 : i32
      %add3A_793 = arith.constant 32 : i32
      %add3A_794 = arith.addi %add3A_792, %add3A_793 : i32
      %get3A_795 = arith.index_cast %add3A_794 : i32 to index
      %get3A_796 = arith.constant 0 : index
      %get3A_797 = tpu.vector_load %arg4[%get3A_795, %get3A_796] {strides = array<i32>} : memref<1023x16xf32, #tpu.memory_space<vmem>>, vector<1x16xf32>,
      %get3A_798 = vector.shape_cast %get3A_797 : vector<1x16xf32> to vector<16xf32>
      %add3A_799 = arith.addf %add3A_763, %get3A_798 : vector<16xf32>
      %add3A_800 = arith.constant 128 : i32
      %add3A_801 = arith.addi %add3A_800, %scan3A_783 : i32
      %add3A_802 = arith.constant 64 : i32
      %add3A_803 = arith.addi %add3A_801, %add3A_802 : i32
      %get3A_804 = arith.index_cast %add3A_803 : i32 to index
      %get3A_805 = arith.constant 0 : index
      %get3A_806 = tpu.vector_load %arg4[%get3A_804, %get3A_805] {strides = array<i32>} : memref<1023x16xf32, #tpu.memory_space<vmem>>, vector<1x16xf32>,
      %get3A_807 = vector.shape_cast %get3A_806 : vector<1x16xf32> to vector<16xf32>
      %add3A_808 = arith.addf %add3A_772, %get3A_807 : vector<16xf32>
      %add3A_809 = arith.constant 128 : i32
      %add3A_810 = arith.addi %add3A_809, %scan3A_783 : i32
      %add3A_811 = arith.constant 96 : i32
      %add3A_812 = arith.addi %add3A_810, %add3A_811 : i32
      %get3A_813 = arith.index_cast %add3A_812 : i32 to index
      %get3A_814 = arith.constant 0 : index
      %get3A_815 = tpu.vector_load %arg4[%get3A_813, %get3A_814] {strides = array<i32>} : memref<1023x16xf32, #tpu.memory_space<vmem>>, vector<1x16xf32>,
      %get3A_816 = vector.shape_cast %get3A_815 : vector<1x16xf32> to vector<16xf32>
      %add3A_817 = arith.addf %add3A_781, %get3A_816 : vector<16xf32>
      %scan3A_818 = arith.constant 6 : i32
      %scan3A_819 = arith.addi %scan3A_599, %scan3A_818 : i32
      %add3A_820 = arith.constant 128 : i32
      %add3A_821 = arith.addi %add3A_820, %scan3A_819 : i32
      %get3A_822 = arith.index_cast %add3A_821 : i32 to index
      %get3A_823 = arith.constant 0 : index
      %get3A_824 = tpu.vector_load %arg4[%get3A_822, %get3A_823] {strides = array<i32>} : memref<1023x16xf32, #tpu.memory_space<vmem>>, vector<1x16xf32>,
      %get3A_825 = vector.shape_cast %get3A_824 : vector<1x16xf32> to vector<16xf32>
      %add3A_826 = arith.addf %add3A_790, %get3A_825 : vector<16xf32>
      %add3A_827 = arith.constant 128 : i32
      %add3A_828 = arith.addi %add3A_827, %scan3A_819 : i32
      %add3A_829 = arith.constant 32 : i32
      %add3A_830 = arith.addi %add3A_828, %add3A_829 : i32
      %get3A_831 = arith.index_cast %add3A_830 : i32 to index
      %get3A_832 = arith.constant 0 : index
      %get3A_833 = tpu.vector_load %arg4[%get3A_831, %get3A_832] {strides = array<i32>} : memref<1023x16xf32, #tpu.memory_space<vmem>>, vector<1x16xf32>,
      %get3A_834 = vector.shape_cast %get3A_833 : vector<1x16xf32> to vector<16xf32>
      %add3A_835 = arith.addf %add3A_799, %get3A_834 : vector<16xf32>
      %add3A_836 = arith.constant 128 : i32
      %add3A_837 = arith.addi %add3A_836, %scan3A_819 : i32
      %add3A_838 = arith.constant 64 : i32
      %add3A_839 = arith.addi %add3A_837, %add3A_838 : i32
      %get3A_840 = arith.index_cast %add3A_839 : i32 to index
      %get3A_841 = arith.constant 0 : index
      %get3A_842 = tpu.vector_load %arg4[%get3A_840, %get3A_841] {strides = array<i32>} : memref<1023x16xf32, #tpu.memory_space<vmem>>, vector<1x16xf32>,
      %get3A_843 = vector.shape_cast %get3A_842 : vector<1x16xf32> to vector<16xf32>
      %add3A_844 = arith.addf %add3A_808, %get3A_843 : vector<16xf32>
      %add3A_845 = arith.constant 128 : i32
      %add3A_846 = arith.addi %add3A_845, %scan3A_819 : i32
      %add3A_847 = arith.constant 96 : i32
      %add3A_848 = arith.addi %add3A_846, %add3A_847 : i32
      %get3A_849 = arith.index_cast %add3A_848 : i32 to index
      %get3A_850 = arith.constant 0 : index
      %get3A_851 = tpu.vector_load %arg4[%get3A_849, %get3A_850] {strides = array<i32>} : memref<1023x16xf32, #tpu.memory_space<vmem>>, vector<1x16xf32>,
      %get3A_852 = vector.shape_cast %get3A_851 : vector<1x16xf32> to vector<16xf32>
      %add3A_853 = arith.addf %add3A_817, %get3A_852 : vector<16xf32>
      %scan3A_854 = arith.constant 7 : i32
      %scan3A_855 = arith.addi %scan3A_599, %scan3A_854 : i32
      %add3A_856 = arith.constant 128 : i32
      %add3A_857 = arith.addi %add3A_856, %scan3A_855 : i32
      %get3A_858 = arith.index_cast %add3A_857 : i32 to index
      %get3A_859 = arith.constant 0 : index
      %get3A_860 = tpu.vector_load %arg4[%get3A_858, %get3A_859] {strides = array<i32>} : memref<1023x16xf32, #tpu.memory_space<vmem>>, vector<1x16xf32>,
      %get3A_861 = vector.shape_cast %get3A_860 : vector<1x16xf32> to vector<16xf32>
      %add3A_862 = arith.addf %add3A_826, %get3A_861 : vector<16xf32>
      %add3A_863 = arith.constant 128 : i32
      %add3A_864 = arith.addi %add3A_863, %scan3A_855 : i32
      %add3A_865 = arith.constant 32 : i32
      %add3A_866 = arith.addi %add3A_864, %add3A_865 : i32
      %get3A_867 = arith.index_cast %add3A_866 : i32 to index
      %get3A_868 = arith.constant 0 : index
      %get3A_869 = tpu.vector_load %arg4[%get3A_867, %get3A_868] {strides = array<i32>} : memref<1023x16xf32, #tpu.memory_space<vmem>>, vector<1x16xf32>,
      %get3A_870 = vector.shape_cast %get3A_869 : vector<1x16xf32> to vector<16xf32>
      %add3A_871 = arith.addf %add3A_835, %get3A_870 : vector<16xf32>
      %add3A_872 = arith.constant 128 : i32
      %add3A_873 = arith.addi %add3A_872, %scan3A_855 : i32
      %add3A_874 = arith.constant 64 : i32
      %add3A_875 = arith.addi %add3A_873, %add3A_874 : i32
      %get3A_876 = arith.index_cast %add3A_875 : i32 to index
      %get3A_877 = arith.constant 0 : index
      %get3A_878 = tpu.vector_load %arg4[%get3A_876, %get3A_877] {strides = array<i32>} : memref<1023x16xf32, #tpu.memory_space<vmem>>, vector<1x16xf32>,
      %get3A_879 = vector.shape_cast %get3A_878 : vector<1x16xf32> to vector<16xf32>
      %add3A_880 = arith.addf %add3A_844, %get3A_879 : vector<16xf32>
      %add3A_881 = arith.constant 128 : i32
      %add3A_882 = arith.addi %add3A_881, %scan3A_855 : i32
      %add3A_883 = arith.constant 96 : i32
      %add3A_884 = arith.addi %add3A_882, %add3A_883 : i32
      %get3A_885 = arith.index_cast %add3A_884 : i32 to index
      %get3A_886 = arith.constant 0 : index
      %get3A_887 = tpu.vector_load %arg4[%get3A_885, %get3A_886] {strides = array<i32>} : memref<1023x16xf32, #tpu.memory_space<vmem>>, vector<1x16xf32>,
      %get3A_888 = vector.shape_cast %get3A_887 : vector<1x16xf32> to vector<16xf32>
      %add3A_889 = arith.addf %add3A_853, %get3A_888 : vector<16xf32>
      scf.yield %add3A_862, %add3A_871, %add3A_880, %add3A_889 : vector<16xf32>, vector<16xf32>, vector<16xf32>, vector<16xf32>
    }
    %scan3A_115 = arith.constant 32 : i32
    %add3A_116 = arith.addf %scan3A_114#0, %scan3A_114#1 : vector<16xf32>
    %add3A_117 = arith.addf %scan3A_114#2, %scan3A_114#3 : vector<16xf32>
    %add3A_118 = arith.addf %add3A_116, %add3A_117 : vector<16xf32>
    %dma_wait3A_119 = arith.constant 256 : i32
    %dma_wait3A_120 = arith.constant 0 : i32
    %dma_wait3A_121 = tpu.memref_slice %arg4[%dma_wait3A_119, %dma_wait3A_120] : memref<1023x16xf32, #tpu.memory_space<vmem>> -> memref<128x16xf32, #tpu.memory_space<vmem>>
    %dma_wait3A_122 = arith.constant 256 : i32
    %dma_wait3A_123 = tpu.memref_slice %arg2[%dma_wait3A_122, %mul3A_2] : memref<1023x512xf32, #tpu.memory_space<hbm>> -> memref<128x16xf32, #tpu.memory_space<hbm>>
    %dma_wait3A_124 = arith.constant 256 : i32
    %dma_wait3A_125 = arith.constant 0 : i32
    %dma_wait3A_126 = tpu.memref_slice %arg4[%dma_wait3A_124, %dma_wait3A_125] : memref<1023x16xf32, #tpu.memory_space<vmem>> -> memref<128x16xf32, #tpu.memory_space<vmem>>
    %dma_wait3A_127 = arith.constant 256 : i32
    %dma_wait3A_128 = tpu.memref_slice %arg2[%dma_wait3A_127, %mul3A_2] : memref<1023x512xf32, #tpu.memory_space<hbm>> -> memref<128x16xf32, #tpu.memory_space<hbm>>
    tpu.wait_dma2 semaphore(%arg6 : memref<!tpu.dma_semaphore, #tpu.memory_space<semaphore_mem>>) src(%dma_wait3A_128 : memref<128x16xf32, #tpu.memory_space<hbm>>) dst(%dma_wait3A_126 : memref<128x16xf32, #tpu.memory_space<vmem>>)
    %scan3A_129 = arith.constant 0 : i32
    %scan3A_130 = arith.constant 32 : i32
    %scan3A_131 = arith.addi %scan3A_129, %scan3A_130 : i32
    %scan3A_132 = arith.constant 8 : i32
    %scan3A_133:4 = scf.for %scan3A_599 = %scan3A_129 to %scan3A_131 step %scan3A_132 iter_args(%scan3A_600 = %broadcast_in_dim3A_82, %scan3A_601 = %broadcast_in_dim3A_82, %scan3A_602 = %broadcast_in_dim3A_82, %scan3A_603 = %broadcast_in_dim3A_82) -> (vector<16xf32>, vector<16xf32>, vector<16xf32>, vector<16xf32>)  : i32 {
      %add3A_604 = arith.constant 256 : i32
      %add3A_605 = arith.addi %add3A_604, %scan3A_599 : i32
      %get3A_606 = arith.index_cast %add3A_605 : i32 to index
      %get3A_607 = arith.constant 0 : index
      %get3A_608 = tpu.vector_load %arg4[%get3A_606, %get3A_607] {strides = array<i32>} : memref<1023x16xf32, #tpu.memory_space<vmem>>, vector<1x16xf32>,
      %get3A_609 = vector.shape_cast %get3A_608 : vector<1x16xf32> to vector<16xf32>
      %add3A_610 = arith.addf %scan3A_600, %get3A_609 : vector<16xf32>
      %add3A_611 = arith.constant 256 : i32
      %add3A_612 = arith.addi %add3A_611, %scan3A_599 : i32
      %add3A_613 = arith.constant 32 : i32
      %add3A_614 = arith.addi %add3A_612, %add3A_613 : i32
      %get3A_615 = arith.index_cast %add3A_614 : i32 to index
      %get3A_616 = arith.constant 0 : index
      %get3A_617 = tpu.vector_load %arg4[%get3A_615, %get3A_616] {strides = array<i32>} : memref<1023x16xf32, #tpu.memory_space<vmem>>, vector<1x16xf32>,
      %get3A_618 = vector.shape_cast %get3A_617 : vector<1x16xf32> to vector<16xf32>
      %add3A_619 = arith.addf %scan3A_601, %get3A_618 : vector<16xf32>
      %add3A_620 = arith.constant 256 : i32
      %add3A_621 = arith.addi %add3A_620, %scan3A_599 : i32
      %add3A_622 = arith.constant 64 : i32
      %add3A_623 = arith.addi %add3A_621, %add3A_622 : i32
      %get3A_624 = arith.index_cast %add3A_623 : i32 to index
      %get3A_625 = arith.constant 0 : index
      %get3A_626 = tpu.vector_load %arg4[%get3A_624, %get3A_625] {strides = array<i32>} : memref<1023x16xf32, #tpu.memory_space<vmem>>, vector<1x16xf32>,
      %get3A_627 = vector.shape_cast %get3A_626 : vector<1x16xf32> to vector<16xf32>
      %add3A_628 = arith.addf %scan3A_602, %get3A_627 : vector<16xf32>
      %add3A_629 = arith.constant 256 : i32
      %add3A_630 = arith.addi %add3A_629, %scan3A_599 : i32
      %add3A_631 = arith.constant 96 : i32
      %add3A_632 = arith.addi %add3A_630, %add3A_631 : i32
      %get3A_633 = arith.index_cast %add3A_632 : i32 to index
      %get3A_634 = arith.constant 0 : index
      %get3A_635 = tpu.vector_load %arg4[%get3A_633, %get3A_634] {strides = array<i32>} : memref<1023x16xf32, #tpu.memory_space<vmem>>, vector<1x16xf32>,
      %get3A_636 = vector.shape_cast %get3A_635 : vector<1x16xf32> to vector<16xf32>
      %add3A_637 = arith.addf %scan3A_603, %get3A_636 : vector<16xf32>
      %scan3A_638 = arith.constant 1 : i32
      %scan3A_639 = arith.addi %scan3A_599, %scan3A_638 : i32
      %add3A_640 = arith.constant 256 : i32
      %add3A_641 = arith.addi %add3A_640, %scan3A_639 : i32
      %get3A_642 = arith.index_cast %add3A_641 : i32 to index
      %get3A_643 = arith.constant 0 : index
      %get3A_644 = tpu.vector_load %arg4[%get3A_642, %get3A_643] {strides = array<i32>} : memref<1023x16xf32, #tpu.memory_space<vmem>>, vector<1x16xf32>,
      %get3A_645 = vector.shape_cast %get3A_644 : vector<1x16xf32> to vector<16xf32>
      %add3A_646 = arith.addf %add3A_610, %get3A_645 : vector<16xf32>
      %add3A_647 = arith.constant 256 : i32
      %add3A_648 = arith.addi %add3A_647, %scan3A_639 : i32
      %add3A_649 = arith.constant 32 : i32
      %add3A_650 = arith.addi %add3A_648, %add3A_649 : i32
      %get3A_651 = arith.index_cast %add3A_650 : i32 to index
      %get3A_652 = arith.constant 0 : index
      %get3A_653 = tpu.vector_load %arg4[%get3A_651, %get3A_652] {strides = array<i32>} : memref<1023x16xf32, #tpu.memory_space<vmem>>, vector<1x16xf32>,
      %get3A_654 = vector.shape_cast %get3A_653 : vector<1x16xf32> to vector<16xf32>
      %add3A_655 = arith.addf %add3A_619, %get3A_654 : vector<16xf32>
      %add3A_656 = arith.constant 256 : i32
      %add3A_657 = arith.addi %add3A_656, %scan3A_639 : i32
      %add3A_658 = arith.constant 64 : i32
      %add3A_659 = arith.addi %add3A_657, %add3A_658 : i32
      %get3A_660 = arith.index_cast %add3A_659 : i32 to index
      %get3A_661 = arith.constant 0 : index
      %get3A_662 = tpu.vector_load %arg4[%get3A_660, %get3A_661] {strides = array<i32>} : memref<1023x16xf32, #tpu.memory_space<vmem>>, vector<1x16xf32>,
      %get3A_663 = vector.shape_cast %get3A_662 : vector<1x16xf32> to vector<16xf32>
      %add3A_664 = arith.addf %add3A_628, %get3A_663 : vector<16xf32>
      %add3A_665 = arith.constant 256 : i32
      %add3A_666 = arith.addi %add3A_665, %scan3A_639 : i32
      %add3A_667 = arith.constant 96 : i32
      %add3A_668 = arith.addi %add3A_666, %add3A_667 : i32
      %get3A_669 = arith.index_cast %add3A_668 : i32 to index
      %get3A_670 = arith.constant 0 : index
      %get3A_671 = tpu.vector_load %arg4[%get3A_669, %get3A_670] {strides = array<i32>} : memref<1023x16xf32, #tpu.memory_space<vmem>>, vector<1x16xf32>,
      %get3A_672 = vector.shape_cast %get3A_671 : vector<1x16xf32> to vector<16xf32>
      %add3A_673 = arith.addf %add3A_637, %get3A_672 : vector<16xf32>
      %scan3A_674 = arith.constant 2 : i32
      %scan3A_675 = arith.addi %scan3A_599, %scan3A_674 : i32
      %add3A_676 = arith.constant 256 : i32
      %add3A_677 = arith.addi %add3A_676, %scan3A_675 : i32
      %get3A_678 = arith.index_cast %add3A_677 : i32 to index
      %get3A_679 = arith.constant 0 : index
      %get3A_680 = tpu.vector_load %arg4[%get3A_678, %get3A_679] {strides = array<i32>} : memref<1023x16xf32, #tpu.memory_space<vmem>>, vector<1x16xf32>,
      %get3A_681 = vector.shape_cast %get3A_680 : vector<1x16xf32> to vector<16xf32>
      %add3A_682 = arith.addf %add3A_646, %get3A_681 : vector<16xf32>
      %add3A_683 = arith.constant 256 : i32
      %add3A_684 = arith.addi %add3A_683, %scan3A_675 : i32
      %add3A_685 = arith.constant 32 : i32
      %add3A_686 = arith.addi %add3A_684, %add3A_685 : i32
      %get3A_687 = arith.index_cast %add3A_686 : i32 to index
      %get3A_688 = arith.constant 0 : index
      %get3A_689 = tpu.vector_load %arg4[%get3A_687, %get3A_688] {strides = array<i32>} : memref<1023x16xf32, #tpu.memory_space<vmem>>, vector<1x16xf32>,
      %get3A_690 = vector.shape_cast %get3A_689 : vector<1x16xf32> to vector<16xf32>
      %add3A_691 = arith.addf %add3A_655, %get3A_690 : vector<16xf32>
      %add3A_692 = arith.constant 256 : i32
      %add3A_693 = arith.addi %add3A_692, %scan3A_675 : i32
      %add3A_694 = arith.constant 64 : i32
      %add3A_695 = arith.addi %add3A_693, %add3A_694 : i32
      %get3A_696 = arith.index_cast %add3A_695 : i32 to index
      %get3A_697 = arith.constant 0 : index
      %get3A_698 = tpu.vector_load %arg4[%get3A_696, %get3A_697] {strides = array<i32>} : memref<1023x16xf32, #tpu.memory_space<vmem>>, vector<1x16xf32>,
      %get3A_699 = vector.shape_cast %get3A_698 : vector<1x16xf32> to vector<16xf32>
      %add3A_700 = arith.addf %add3A_664, %get3A_699 : vector<16xf32>
      %add3A_701 = arith.constant 256 : i32
      %add3A_702 = arith.addi %add3A_701, %scan3A_675 : i32
      %add3A_703 = arith.constant 96 : i32
      %add3A_704 = arith.addi %add3A_702, %add3A_703 : i32
      %get3A_705 = arith.index_cast %add3A_704 : i32 to index
      %get3A_706 = arith.constant 0 : index
      %get3A_707 = tpu.vector_load %arg4[%get3A_705, %get3A_706] {strides = array<i32>} : memref<1023x16xf32, #tpu.memory_space<vmem>>, vector<1x16xf32>,
      %get3A_708 = vector.shape_cast %get3A_707 : vector<1x16xf32> to vector<16xf32>
      %add3A_709 = arith.addf %add3A_673, %get3A_708 : vector<16xf32>
      %scan3A_710 = arith.constant 3 : i32
      %scan3A_711 = arith.addi %scan3A_599, %scan3A_710 : i32
      %add3A_712 = arith.constant 256 : i32
      %add3A_713 = arith.addi %add3A_712, %scan3A_711 : i32
      %get3A_714 = arith.index_cast %add3A_713 : i32 to index
      %get3A_715 = arith.constant 0 : index
      %get3A_716 = tpu.vector_load %arg4[%get3A_714, %get3A_715] {strides = array<i32>} : memref<1023x16xf32, #tpu.memory_space<vmem>>, vector<1x16xf32>,
      %get3A_717 = vector.shape_cast %get3A_716 : vector<1x16xf32> to vector<16xf32>
      %add3A_718 = arith.addf %add3A_682, %get3A_717 : vector<16xf32>
      %add3A_719 = arith.constant 256 : i32
      %add3A_720 = arith.addi %add3A_719, %scan3A_711 : i32
      %add3A_721 = arith.constant 32 : i32
      %add3A_722 = arith.addi %add3A_720, %add3A_721 : i32
      %get3A_723 = arith.index_cast %add3A_722 : i32 to index
      %get3A_724 = arith.constant 0 : index
      %get3A_725 = tpu.vector_load %arg4[%get3A_723, %get3A_724] {strides = array<i32>} : memref<1023x16xf32, #tpu.memory_space<vmem>>, vector<1x16xf32>,
      %get3A_726 = vector.shape_cast %get3A_725 : vector<1x16xf32> to vector<16xf32>
      %add3A_727 = arith.addf %add3A_691, %get3A_726 : vector<16xf32>
      %add3A_728 = arith.constant 256 : i32
      %add3A_729 = arith.addi %add3A_728, %scan3A_711 : i32
      %add3A_730 = arith.constant 64 : i32
      %add3A_731 = arith.addi %add3A_729, %add3A_730 : i32
      %get3A_732 = arith.index_cast %add3A_731 : i32 to index
      %get3A_733 = arith.constant 0 : index
      %get3A_734 = tpu.vector_load %arg4[%get3A_732, %get3A_733] {strides = array<i32>} : memref<1023x16xf32, #tpu.memory_space<vmem>>, vector<1x16xf32>,
      %get3A_735 = vector.shape_cast %get3A_734 : vector<1x16xf32> to vector<16xf32>
      %add3A_736 = arith.addf %add3A_700, %get3A_735 : vector<16xf32>
      %add3A_737 = arith.constant 256 : i32
      %add3A_738 = arith.addi %add3A_737, %scan3A_711 : i32
      %add3A_739 = arith.constant 96 : i32
      %add3A_740 = arith.addi %add3A_738, %add3A_739 : i32
      %get3A_741 = arith.index_cast %add3A_740 : i32 to index
      %get3A_742 = arith.constant 0 : index
      %get3A_743 = tpu.vector_load %arg4[%get3A_741, %get3A_742] {strides = array<i32>} : memref<1023x16xf32, #tpu.memory_space<vmem>>, vector<1x16xf32>,
      %get3A_744 = vector.shape_cast %get3A_743 : vector<1x16xf32> to vector<16xf32>
      %add3A_745 = arith.addf %add3A_709, %get3A_744 : vector<16xf32>
      %scan3A_746 = arith.constant 4 : i32
      %scan3A_747 = arith.addi %scan3A_599, %scan3A_746 : i32
      %add3A_748 = arith.constant 256 : i32
      %add3A_749 = arith.addi %add3A_748, %scan3A_747 : i32
      %get3A_750 = arith.index_cast %add3A_749 : i32 to index
      %get3A_751 = arith.constant 0 : index
      %get3A_752 = tpu.vector_load %arg4[%get3A_750, %get3A_751] {strides = array<i32>} : memref<1023x16xf32, #tpu.memory_space<vmem>>, vector<1x16xf32>,
      %get3A_753 = vector.shape_cast %get3A_752 : vector<1x16xf32> to vector<16xf32>
      %add3A_754 = arith.addf %add3A_718, %get3A_753 : vector<16xf32>
      %add3A_755 = arith.constant 256 : i32
      %add3A_756 = arith.addi %add3A_755, %scan3A_747 : i32
      %add3A_757 = arith.constant 32 : i32
      %add3A_758 = arith.addi %add3A_756, %add3A_757 : i32
      %get3A_759 = arith.index_cast %add3A_758 : i32 to index
      %get3A_760 = arith.constant 0 : index
      %get3A_761 = tpu.vector_load %arg4[%get3A_759, %get3A_760] {strides = array<i32>} : memref<1023x16xf32, #tpu.memory_space<vmem>>, vector<1x16xf32>,
      %get3A_762 = vector.shape_cast %get3A_761 : vector<1x16xf32> to vector<16xf32>
      %add3A_763 = arith.addf %add3A_727, %get3A_762 : vector<16xf32>
      %add3A_764 = arith.constant 256 : i32
      %add3A_765 = arith.addi %add3A_764, %scan3A_747 : i32
      %add3A_766 = arith.constant 64 : i32
      %add3A_767 = arith.addi %add3A_765, %add3A_766 : i32
      %get3A_768 = arith.index_cast %add3A_767 : i32 to index
      %get3A_769 = arith.constant 0 : index
      %get3A_770 = tpu.vector_load %arg4[%get3A_768, %get3A_769] {strides = array<i32>} : memref<1023x16xf32, #tpu.memory_space<vmem>>, vector<1x16xf32>,
      %get3A_771 = vector.shape_cast %get3A_770 : vector<1x16xf32> to vector<16xf32>
      %add3A_772 = arith.addf %add3A_736, %get3A_771 : vector<16xf32>
      %add3A_773 = arith.constant 256 : i32
      %add3A_774 = arith.addi %add3A_773, %scan3A_747 : i32
      %add3A_775 = arith.constant 96 : i32
      %add3A_776 = arith.addi %add3A_774, %add3A_775 : i32
      %get3A_777 = arith.index_cast %add3A_776 : i32 to index
      %get3A_778 = arith.constant 0 : index
      %get3A_779 = tpu.vector_load %arg4[%get3A_777, %get3A_778] {strides = array<i32>} : memref<1023x16xf32, #tpu.memory_space<vmem>>, vector<1x16xf32>,
      %get3A_780 = vector.shape_cast %get3A_779 : vector<1x16xf32> to vector<16xf32>
      %add3A_781 = arith.addf %add3A_745, %get3A_780 : vector<16xf32>
      %scan3A_782 = arith.constant 5 : i32
      %scan3A_783 = arith.addi %scan3A_599, %scan3A_782 : i32
      %add3A_784 = arith.constant 256 : i32
      %add3A_785 = arith.addi %add3A_784, %scan3A_783 : i32
      %get3A_786 = arith.index_cast %add3A_785 : i32 to index
      %get3A_787 = arith.constant 0 : index
      %get3A_788 = tpu.vector_load %arg4[%get3A_786, %get3A_787] {strides = array<i32>} : memref<1023x16xf32, #tpu.memory_space<vmem>>, vector<1x16xf32>,
      %get3A_789 = vector.shape_cast %get3A_788 : vector<1x16xf32> to vector<16xf32>
      %add3A_790 = arith.addf %add3A_754, %get3A_789 : vector<16xf32>
      %add3A_791 = arith.constant 256 : i32
      %add3A_792 = arith.addi %add3A_791, %scan3A_783 : i32
      %add3A_793 = arith.constant 32 : i32
      %add3A_794 = arith.addi %add3A_792, %add3A_793 : i32
      %get3A_795 = arith.index_cast %add3A_794 : i32 to index
      %get3A_796 = arith.constant 0 : index
      %get3A_797 = tpu.vector_load %arg4[%get3A_795, %get3A_796] {strides = array<i32>} : memref<1023x16xf32, #tpu.memory_space<vmem>>, vector<1x16xf32>,
      %get3A_798 = vector.shape_cast %get3A_797 : vector<1x16xf32> to vector<16xf32>
      %add3A_799 = arith.addf %add3A_763, %get3A_798 : vector<16xf32>
      %add3A_800 = arith.constant 256 : i32
      %add3A_801 = arith.addi %add3A_800, %scan3A_783 : i32
      %add3A_802 = arith.constant 64 : i32
      %add3A_803 = arith.addi %add3A_801, %add3A_802 : i32
      %get3A_804 = arith.index_cast %add3A_803 : i32 to index
      %get3A_805 = arith.constant 0 : index
      %get3A_806 = tpu.vector_load %arg4[%get3A_804, %get3A_805] {strides = array<i32>} : memref<1023x16xf32, #tpu.memory_space<vmem>>, vector<1x16xf32>,
      %get3A_807 = vector.shape_cast %get3A_806 : vector<1x16xf32> to vector<16xf32>
      %add3A_808 = arith.addf %add3A_772, %get3A_807 : vector<16xf32>
      %add3A_809 = arith.constant 256 : i32
      %add3A_810 = arith.addi %add3A_809, %scan3A_783 : i32
      %add3A_811 = arith.constant 96 : i32
      %add3A_812 = arith.addi %add3A_810, %add3A_811 : i32
      %get3A_813 = arith.index_cast %add3A_812 : i32 to index
      %get3A_814 = arith.constant 0 : index
      %get3A_815 = tpu.vector_load %arg4[%get3A_813, %get3A_814] {strides = array<i32>} : memref<1023x16xf32, #tpu.memory_space<vmem>>, vector<1x16xf32>,
      %get3A_816 = vector.shape_cast %get3A_815 : vector<1x16xf32> to vector<16xf32>
      %add3A_817 = arith.addf %add3A_781, %get3A_816 : vector<16xf32>
      %scan3A_818 = arith.constant 6 : i32
      %scan3A_819 = arith.addi %scan3A_599, %scan3A_818 : i32
      %add3A_820 = arith.constant 256 : i32
      %add3A_821 = arith.addi %add3A_820, %scan3A_819 : i32
      %get3A_822 = arith.index_cast %add3A_821 : i32 to index
      %get3A_823 = arith.constant 0 : index
      %get3A_824 = tpu.vector_load %arg4[%get3A_822, %get3A_823] {strides = array<i32>} : memref<1023x16xf32, #tpu.memory_space<vmem>>, vector<1x16xf32>,
      %get3A_825 = vector.shape_cast %get3A_824 : vector<1x16xf32> to vector<16xf32>
      %add3A_826 = arith.addf %add3A_790, %get3A_825 : vector<16xf32>
      %add3A_827 = arith.constant 256 : i32
      %add3A_828 = arith.addi %add3A_827, %scan3A_819 : i32
      %add3A_829 = arith.constant 32 : i32
      %add3A_830 = arith.addi %add3A_828, %add3A_829 : i32
      %get3A_831 = arith.index_cast %add3A_830 : i32 to index
      %get3A_832 = arith.constant 0 : index
      %get3A_833 = tpu.vector_load %arg4[%get3A_831, %get3A_832] {strides = array<i32>} : memref<1023x16xf32, #tpu.memory_space<vmem>>, vector<1x16xf32>,
      %get3A_834 = vector.shape_cast %get3A_833 : vector<1x16xf32> to vector<16xf32>
      %add3A_835 = arith.addf %add3A_799, %get3A_834 : vector<16xf32>
      %add3A_836 = arith.constant 256 : i32
      %add3A_837 = arith.addi %add3A_836, %scan3A_819 : i32
      %add3A_838 = arith.constant 64 : i32
      %add3A_839 = arith.addi %add3A_837, %add3A_838 : i32
      %get3A_840 = arith.index_cast %add3A_839 : i32 to index
      %get3A_841 = arith.constant 0 : index
      %get3A_842 = tpu.vector_load %arg4[%get3A_840, %get3A_841] {strides = array<i32>} : memref<1023x16xf32, #tpu.memory_space<vmem>>, vector<1x16xf32>,
      %get3A_843 = vector.shape_cast %get3A_842 : vector<1x16xf32> to vector<16xf32>
      %add3A_844 = arith.addf %add3A_808, %get3A_843 : vector<16xf32>
      %add3A_845 = arith.constant 256 : i32
      %add3A_846 = arith.addi %add3A_845, %scan3A_819 : i32
      %add3A_847 = arith.constant 96 : i32
      %add3A_848 = arith.addi %add3A_846, %add3A_847 : i32
      %get3A_849 = arith.index_cast %add3A_848 : i32 to index
      %get3A_850 = arith.constant 0 : index
      %get3A_851 = tpu.vector_load %arg4[%get3A_849, %get3A_850] {strides = array<i32>} : memref<1023x16xf32, #tpu.memory_space<vmem>>, vector<1x16xf32>,
      %get3A_852 = vector.shape_cast %get3A_851 : vector<1x16xf32> to vector<16xf32>
      %add3A_853 = arith.addf %add3A_817, %get3A_852 : vector<16xf32>
      %scan3A_854 = arith.constant 7 : i32
      %scan3A_855 = arith.addi %scan3A_599, %scan3A_854 : i32
      %add3A_856 = arith.constant 256 : i32
      %add3A_857 = arith.addi %add3A_856, %scan3A_855 : i32
      %get3A_858 = arith.index_cast %add3A_857 : i32 to index
      %get3A_859 = arith.constant 0 : index
      %get3A_860 = tpu.vector_load %arg4[%get3A_858, %get3A_859] {strides = array<i32>} : memref<1023x16xf32, #tpu.memory_space<vmem>>, vector<1x16xf32>,
      %get3A_861 = vector.shape_cast %get3A_860 : vector<1x16xf32> to vector<16xf32>
      %add3A_862 = arith.addf %add3A_826, %get3A_861 : vector<16xf32>
      %add3A_863 = arith.constant 256 : i32
      %add3A_864 = arith.addi %add3A_863, %scan3A_855 : i32
      %add3A_865 = arith.constant 32 : i32
      %add3A_866 = arith.addi %add3A_864, %add3A_865 : i32
      %get3A_867 = arith.index_cast %add3A_866 : i32 to index
      %get3A_868 = arith.constant 0 : index
      %get3A_869 = tpu.vector_load %arg4[%get3A_867, %get3A_868] {strides = array<i32>} : memref<1023x16xf32, #tpu.memory_space<vmem>>, vector<1x16xf32>,
      %get3A_870 = vector.shape_cast %get3A_869 : vector<1x16xf32> to vector<16xf32>
      %add3A_871 = arith.addf %add3A_835, %get3A_870 : vector<16xf32>
      %add3A_872 = arith.constant 256 : i32
      %add3A_873 = arith.addi %add3A_872, %scan3A_855 : i32
      %add3A_874 = arith.constant 64 : i32
      %add3A_875 = arith.addi %add3A_873, %add3A_874 : i32
      %get3A_876 = arith.index_cast %add3A_875 : i32 to index
      %get3A_877 = arith.constant 0 : index
      %get3A_878 = tpu.vector_load %arg4[%get3A_876, %get3A_877] {strides = array<i32>} : memref<1023x16xf32, #tpu.memory_space<vmem>>, vector<1x16xf32>,
      %get3A_879 = vector.shape_cast %get3A_878 : vector<1x16xf32> to vector<16xf32>
      %add3A_880 = arith.addf %add3A_844, %get3A_879 : vector<16xf32>
      %add3A_881 = arith.constant 256 : i32
      %add3A_882 = arith.addi %add3A_881, %scan3A_855 : i32
      %add3A_883 = arith.constant 96 : i32
      %add3A_884 = arith.addi %add3A_882, %add3A_883 : i32
      %get3A_885 = arith.index_cast %add3A_884 : i32 to index
      %get3A_886 = arith.constant 0 : index
      %get3A_887 = tpu.vector_load %arg4[%get3A_885, %get3A_886] {strides = array<i32>} : memref<1023x16xf32, #tpu.memory_space<vmem>>, vector<1x16xf32>,
      %get3A_888 = vector.shape_cast %get3A_887 : vector<1x16xf32> to vector<16xf32>
      %add3A_889 = arith.addf %add3A_853, %get3A_888 : vector<16xf32>
      scf.yield %add3A_862, %add3A_871, %add3A_880, %add3A_889 : vector<16xf32>, vector<16xf32>, vector<16xf32>, vector<16xf32>
    }
    %scan3A_134 = arith.constant 32 : i32
    %add3A_135 = arith.addf %scan3A_133#0, %scan3A_133#1 : vector<16xf32>
    %add3A_136 = arith.addf %scan3A_133#2, %scan3A_133#3 : vector<16xf32>
    %add3A_137 = arith.addf %add3A_135, %add3A_136 : vector<16xf32>
    %dma_wait3A_138 = arith.constant 384 : i32
    %dma_wait3A_139 = arith.constant 0 : i32
    %dma_wait3A_140 = tpu.memref_slice %arg4[%dma_wait3A_138, %dma_wait3A_139] : memref<1023x16xf32, #tpu.memory_space<vmem>> -> memref<128x16xf32, #tpu.memory_space<vmem>>
    %dma_wait3A_141 = arith.constant 384 : i32
    %dma_wait3A_142 = tpu.memref_slice %arg2[%dma_wait3A_141, %mul3A_2] : memref<1023x512xf32, #tpu.memory_space<hbm>> -> memref<128x16xf32, #tpu.memory_space<hbm>>
    %dma_wait3A_143 = arith.constant 384 : i32
    %dma_wait3A_144 = arith.constant 0 : i32
    %dma_wait3A_145 = tpu.memref_slice %arg4[%dma_wait3A_143, %dma_wait3A_144] : memref<1023x16xf32, #tpu.memory_space<vmem>> -> memref<128x16xf32, #tpu.memory_space<vmem>>
    %dma_wait3A_146 = arith.constant 384 : i32
    %dma_wait3A_147 = tpu.memref_slice %arg2[%dma_wait3A_146, %mul3A_2] : memref<1023x512xf32, #tpu.memory_space<hbm>> -> memref<128x16xf32, #tpu.memory_space<hbm>>
    tpu.wait_dma2 semaphore(%arg6 : memref<!tpu.dma_semaphore, #tpu.memory_space<semaphore_mem>>) src(%dma_wait3A_147 : memref<128x16xf32, #tpu.memory_space<hbm>>) dst(%dma_wait3A_145 : memref<128x16xf32, #tpu.memory_space<vmem>>)
    %scan3A_148 = arith.constant 0 : i32
    %scan3A_149 = arith.constant 32 : i32
    %scan3A_150 = arith.addi %scan3A_148, %scan3A_149 : i32
    %scan3A_151 = arith.constant 8 : i32
    %scan3A_152:4 = scf.for %scan3A_599 = %scan3A_148 to %scan3A_150 step %scan3A_151 iter_args(%scan3A_600 = %broadcast_in_dim3A_82, %scan3A_601 = %broadcast_in_dim3A_82, %scan3A_602 = %broadcast_in_dim3A_82, %scan3A_603 = %broadcast_in_dim3A_82) -> (vector<16xf32>, vector<16xf32>, vector<16xf32>, vector<16xf32>)  : i32 {
      %add3A_604 = arith.constant 384 : i32
      %add3A_605 = arith.addi %add3A_604, %scan3A_599 : i32
      %get3A_606 = arith.index_cast %add3A_605 : i32 to index
      %get3A_607 = arith.constant 0 : index
      %get3A_608 = tpu.vector_load %arg4[%get3A_606, %get3A_607] {strides = array<i32>} : memref<1023x16xf32, #tpu.memory_space<vmem>>, vector<1x16xf32>,
      %get3A_609 = vector.shape_cast %get3A_608 : vector<1x16xf32> to vector<16xf32>
      %add3A_610 = arith.addf %scan3A_600, %get3A_609 : vector<16xf32>
      %add3A_611 = arith.constant 384 : i32
      %add3A_612 = arith.addi %add3A_611, %scan3A_599 : i32
      %add3A_613 = arith.constant 32 : i32
      %add3A_614 = arith.addi %add3A_612, %add3A_613 : i32
      %get3A_615 = arith.index_cast %add3A_614 : i32 to index
      %get3A_616 = arith.constant 0 : index
      %get3A_617 = tpu.vector_load %arg4[%get3A_615, %get3A_616] {strides = array<i32>} : memref<1023x16xf32, #tpu.memory_space<vmem>>, vector<1x16xf32>,
      %get3A_618 = vector.shape_cast %get3A_617 : vector<1x16xf32> to vector<16xf32>
      %add3A_619 = arith.addf %scan3A_601, %get3A_618 : vector<16xf32>
      %add3A_620 = arith.constant 384 : i32
      %add3A_621 = arith.addi %add3A_620, %scan3A_599 : i32
      %add3A_622 = arith.constant 64 : i32
      %add3A_623 = arith.addi %add3A_621, %add3A_622 : i32
      %get3A_624 = arith.index_cast %add3A_623 : i32 to index
      %get3A_625 = arith.constant 0 : index
      %get3A_626 = tpu.vector_load %arg4[%get3A_624, %get3A_625] {strides = array<i32>} : memref<1023x16xf32, #tpu.memory_space<vmem>>, vector<1x16xf32>,
      %get3A_627 = vector.shape_cast %get3A_626 : vector<1x16xf32> to vector<16xf32>
      %add3A_628 = arith.addf %scan3A_602, %get3A_627 : vector<16xf32>
      %add3A_629 = arith.constant 384 : i32
      %add3A_630 = arith.addi %add3A_629, %scan3A_599 : i32
      %add3A_631 = arith.constant 96 : i32
      %add3A_632 = arith.addi %add3A_630, %add3A_631 : i32
      %get3A_633 = arith.index_cast %add3A_632 : i32 to index
      %get3A_634 = arith.constant 0 : index
      %get3A_635 = tpu.vector_load %arg4[%get3A_633, %get3A_634] {strides = array<i32>} : memref<1023x16xf32, #tpu.memory_space<vmem>>, vector<1x16xf32>,
      %get3A_636 = vector.shape_cast %get3A_635 : vector<1x16xf32> to vector<16xf32>
      %add3A_637 = arith.addf %scan3A_603, %get3A_636 : vector<16xf32>
      %scan3A_638 = arith.constant 1 : i32
      %scan3A_639 = arith.addi %scan3A_599, %scan3A_638 : i32
      %add3A_640 = arith.constant 384 : i32
      %add3A_641 = arith.addi %add3A_640, %scan3A_639 : i32
      %get3A_642 = arith.index_cast %add3A_641 : i32 to index
      %get3A_643 = arith.constant 0 : index
      %get3A_644 = tpu.vector_load %arg4[%get3A_642, %get3A_643] {strides = array<i32>} : memref<1023x16xf32, #tpu.memory_space<vmem>>, vector<1x16xf32>,
      %get3A_645 = vector.shape_cast %get3A_644 : vector<1x16xf32> to vector<16xf32>
      %add3A_646 = arith.addf %add3A_610, %get3A_645 : vector<16xf32>
      %add3A_647 = arith.constant 384 : i32
      %add3A_648 = arith.addi %add3A_647, %scan3A_639 : i32
      %add3A_649 = arith.constant 32 : i32
      %add3A_650 = arith.addi %add3A_648, %add3A_649 : i32
      %get3A_651 = arith.index_cast %add3A_650 : i32 to index
      %get3A_652 = arith.constant 0 : index
      %get3A_653 = tpu.vector_load %arg4[%get3A_651, %get3A_652] {strides = array<i32>} : memref<1023x16xf32, #tpu.memory_space<vmem>>, vector<1x16xf32>,
      %get3A_654 = vector.shape_cast %get3A_653 : vector<1x16xf32> to vector<16xf32>
      %add3A_655 = arith.addf %add3A_619, %get3A_654 : vector<16xf32>
      %add3A_656 = arith.constant 384 : i32
      %add3A_657 = arith.addi %add3A_656, %scan3A_639 : i32
      %add3A_658 = arith.constant 64 : i32
      %add3A_659 = arith.addi %add3A_657, %add3A_658 : i32
      %get3A_660 = arith.index_cast %add3A_659 : i32 to index
      %get3A_661 = arith.constant 0 : index
      %get3A_662 = tpu.vector_load %arg4[%get3A_660, %get3A_661] {strides = array<i32>} : memref<1023x16xf32, #tpu.memory_space<vmem>>, vector<1x16xf32>,
      %get3A_663 = vector.shape_cast %get3A_662 : vector<1x16xf32> to vector<16xf32>
      %add3A_664 = arith.addf %add3A_628, %get3A_663 : vector<16xf32>
      %add3A_665 = arith.constant 384 : i32
      %add3A_666 = arith.addi %add3A_665, %scan3A_639 : i32
      %add3A_667 = arith.constant 96 : i32
      %add3A_668 = arith.addi %add3A_666, %add3A_667 : i32
      %get3A_669 = arith.index_cast %add3A_668 : i32 to index
      %get3A_670 = arith.constant 0 : index
      %get3A_671 = tpu.vector_load %arg4[%get3A_669, %get3A_670] {strides = array<i32>} : memref<1023x16xf32, #tpu.memory_space<vmem>>, vector<1x16xf32>,
      %get3A_672 = vector.shape_cast %get3A_671 : vector<1x16xf32> to vector<16xf32>
      %add3A_673 = arith.addf %add3A_637, %get3A_672 : vector<16xf32>
      %scan3A_674 = arith.constant 2 : i32
      %scan3A_675 = arith.addi %scan3A_599, %scan3A_674 : i32
      %add3A_676 = arith.constant 384 : i32
      %add3A_677 = arith.addi %add3A_676, %scan3A_675 : i32
      %get3A_678 = arith.index_cast %add3A_677 : i32 to index
      %get3A_679 = arith.constant 0 : index
      %get3A_680 = tpu.vector_load %arg4[%get3A_678, %get3A_679] {strides = array<i32>} : memref<1023x16xf32, #tpu.memory_space<vmem>>, vector<1x16xf32>,
      %get3A_681 = vector.shape_cast %get3A_680 : vector<1x16xf32> to vector<16xf32>
      %add3A_682 = arith.addf %add3A_646, %get3A_681 : vector<16xf32>
      %add3A_683 = arith.constant 384 : i32
      %add3A_684 = arith.addi %add3A_683, %scan3A_675 : i32
      %add3A_685 = arith.constant 32 : i32
      %add3A_686 = arith.addi %add3A_684, %add3A_685 : i32
      %get3A_687 = arith.index_cast %add3A_686 : i32 to index
      %get3A_688 = arith.constant 0 : index
      %get3A_689 = tpu.vector_load %arg4[%get3A_687, %get3A_688] {strides = array<i32>} : memref<1023x16xf32, #tpu.memory_space<vmem>>, vector<1x16xf32>,
      %get3A_690 = vector.shape_cast %get3A_689 : vector<1x16xf32> to vector<16xf32>
      %add3A_691 = arith.addf %add3A_655, %get3A_690 : vector<16xf32>
      %add3A_692 = arith.constant 384 : i32
      %add3A_693 = arith.addi %add3A_692, %scan3A_675 : i32
      %add3A_694 = arith.constant 64 : i32
      %add3A_695 = arith.addi %add3A_693, %add3A_694 : i32
      %get3A_696 = arith.index_cast %add3A_695 : i32 to index
      %get3A_697 = arith.constant 0 : index
      %get3A_698 = tpu.vector_load %arg4[%get3A_696, %get3A_697] {strides = array<i32>} : memref<1023x16xf32, #tpu.memory_space<vmem>>, vector<1x16xf32>,
      %get3A_699 = vector.shape_cast %get3A_698 : vector<1x16xf32> to vector<16xf32>
      %add3A_700 = arith.addf %add3A_664, %get3A_699 : vector<16xf32>
      %add3A_701 = arith.constant 384 : i32
      %add3A_702 = arith.addi %add3A_701, %scan3A_675 : i32
      %add3A_703 = arith.constant 96 : i32
      %add3A_704 = arith.addi %add3A_702, %add3A_703 : i32
      %get3A_705 = arith.index_cast %add3A_704 : i32 to index
      %get3A_706 = arith.constant 0 : index
      %get3A_707 = tpu.vector_load %arg4[%get3A_705, %get3A_706] {strides = array<i32>} : memref<1023x16xf32, #tpu.memory_space<vmem>>, vector<1x16xf32>,
      %get3A_708 = vector.shape_cast %get3A_707 : vector<1x16xf32> to vector<16xf32>
      %add3A_709 = arith.addf %add3A_673, %get3A_708 : vector<16xf32>
      %scan3A_710 = arith.constant 3 : i32
      %scan3A_711 = arith.addi %scan3A_599, %scan3A_710 : i32
      %add3A_712 = arith.constant 384 : i32
      %add3A_713 = arith.addi %add3A_712, %scan3A_711 : i32
      %get3A_714 = arith.index_cast %add3A_713 : i32 to index
      %get3A_715 = arith.constant 0 : index
      %get3A_716 = tpu.vector_load %arg4[%get3A_714, %get3A_715] {strides = array<i32>} : memref<1023x16xf32, #tpu.memory_space<vmem>>, vector<1x16xf32>,
      %get3A_717 = vector.shape_cast %get3A_716 : vector<1x16xf32> to vector<16xf32>
      %add3A_718 = arith.addf %add3A_682, %get3A_717 : vector<16xf32>
      %add3A_719 = arith.constant 384 : i32
      %add3A_720 = arith.addi %add3A_719, %scan3A_711 : i32
      %add3A_721 = arith.constant 32 : i32
      %add3A_722 = arith.addi %add3A_720, %add3A_721 : i32
      %get3A_723 = arith.index_cast %add3A_722 : i32 to index
      %get3A_724 = arith.constant 0 : index
      %get3A_725 = tpu.vector_load %arg4[%get3A_723, %get3A_724] {strides = array<i32>} : memref<1023x16xf32, #tpu.memory_space<vmem>>, vector<1x16xf32>,
      %get3A_726 = vector.shape_cast %get3A_725 : vector<1x16xf32> to vector<16xf32>
      %add3A_727 = arith.addf %add3A_691, %get3A_726 : vector<16xf32>
      %add3A_728 = arith.constant 384 : i32
      %add3A_729 = arith.addi %add3A_728, %scan3A_711 : i32
      %add3A_730 = arith.constant 64 : i32
      %add3A_731 = arith.addi %add3A_729, %add3A_730 : i32
      %get3A_732 = arith.index_cast %add3A_731 : i32 to index
      %get3A_733 = arith.constant 0 : index
      %get3A_734 = tpu.vector_load %arg4[%get3A_732, %get3A_733] {strides = array<i32>} : memref<1023x16xf32, #tpu.memory_space<vmem>>, vector<1x16xf32>,
      %get3A_735 = vector.shape_cast %get3A_734 : vector<1x16xf32> to vector<16xf32>
      %add3A_736 = arith.addf %add3A_700, %get3A_735 : vector<16xf32>
      %add3A_737 = arith.constant 384 : i32
      %add3A_738 = arith.addi %add3A_737, %scan3A_711 : i32
      %add3A_739 = arith.constant 96 : i32
      %add3A_740 = arith.addi %add3A_738, %add3A_739 : i32
      %get3A_741 = arith.index_cast %add3A_740 : i32 to index
      %get3A_742 = arith.constant 0 : index
      %get3A_743 = tpu.vector_load %arg4[%get3A_741, %get3A_742] {strides = array<i32>} : memref<1023x16xf32, #tpu.memory_space<vmem>>, vector<1x16xf32>,
      %get3A_744 = vector.shape_cast %get3A_743 : vector<1x16xf32> to vector<16xf32>
      %add3A_745 = arith.addf %add3A_709, %get3A_744 : vector<16xf32>
      %scan3A_746 = arith.constant 4 : i32
      %scan3A_747 = arith.addi %scan3A_599, %scan3A_746 : i32
      %add3A_748 = arith.constant 384 : i32
      %add3A_749 = arith.addi %add3A_748, %scan3A_747 : i32
      %get3A_750 = arith.index_cast %add3A_749 : i32 to index
      %get3A_751 = arith.constant 0 : index
      %get3A_752 = tpu.vector_load %arg4[%get3A_750, %get3A_751] {strides = array<i32>} : memref<1023x16xf32, #tpu.memory_space<vmem>>, vector<1x16xf32>,
      %get3A_753 = vector.shape_cast %get3A_752 : vector<1x16xf32> to vector<16xf32>
      %add3A_754 = arith.addf %add3A_718, %get3A_753 : vector<16xf32>
      %add3A_755 = arith.constant 384 : i32
      %add3A_756 = arith.addi %add3A_755, %scan3A_747 : i32
      %add3A_757 = arith.constant 32 : i32
      %add3A_758 = arith.addi %add3A_756, %add3A_757 : i32
      %get3A_759 = arith.index_cast %add3A_758 : i32 to index
      %get3A_760 = arith.constant 0 : index
      %get3A_761 = tpu.vector_load %arg4[%get3A_759, %get3A_760] {strides = array<i32>} : memref<1023x16xf32, #tpu.memory_space<vmem>>, vector<1x16xf32>,
      %get3A_762 = vector.shape_cast %get3A_761 : vector<1x16xf32> to vector<16xf32>
      %add3A_763 = arith.addf %add3A_727, %get3A_762 : vector<16xf32>
      %add3A_764 = arith.constant 384 : i32
      %add3A_765 = arith.addi %add3A_764, %scan3A_747 : i32
      %add3A_766 = arith.constant 64 : i32
      %add3A_767 = arith.addi %add3A_765, %add3A_766 : i32
      %get3A_768 = arith.index_cast %add3A_767 : i32 to index
      %get3A_769 = arith.constant 0 : index
      %get3A_770 = tpu.vector_load %arg4[%get3A_768, %get3A_769] {strides = array<i32>} : memref<1023x16xf32, #tpu.memory_space<vmem>>, vector<1x16xf32>,
      %get3A_771 = vector.shape_cast %get3A_770 : vector<1x16xf32> to vector<16xf32>
      %add3A_772 = arith.addf %add3A_736, %get3A_771 : vector<16xf32>
      %add3A_773 = arith.constant 384 : i32
      %add3A_774 = arith.addi %add3A_773, %scan3A_747 : i32
      %add3A_775 = arith.constant 96 : i32
      %add3A_776 = arith.addi %add3A_774, %add3A_775 : i32
      %get3A_777 = arith.index_cast %add3A_776 : i32 to index
      %get3A_778 = arith.constant 0 : index
      %get3A_779 = tpu.vector_load %arg4[%get3A_777, %get3A_778] {strides = array<i32>} : memref<1023x16xf32, #tpu.memory_space<vmem>>, vector<1x16xf32>,
      %get3A_780 = vector.shape_cast %get3A_779 : vector<1x16xf32> to vector<16xf32>
      %add3A_781 = arith.addf %add3A_745, %get3A_780 : vector<16xf32>
      %scan3A_782 = arith.constant 5 : i32
      %scan3A_783 = arith.addi %scan3A_599, %scan3A_782 : i32
      %add3A_784 = arith.constant 384 : i32
      %add3A_785 = arith.addi %add3A_784, %scan3A_783 : i32
      %get3A_786 = arith.index_cast %add3A_785 : i32 to index
      %get3A_787 = arith.constant 0 : index
      %get3A_788 = tpu.vector_load %arg4[%get3A_786, %get3A_787] {strides = array<i32>} : memref<1023x16xf32, #tpu.memory_space<vmem>>, vector<1x16xf32>,
      %get3A_789 = vector.shape_cast %get3A_788 : vector<1x16xf32> to vector<16xf32>
      %add3A_790 = arith.addf %add3A_754, %get3A_789 : vector<16xf32>
      %add3A_791 = arith.constant 384 : i32
      %add3A_792 = arith.addi %add3A_791, %scan3A_783 : i32
      %add3A_793 = arith.constant 32 : i32
      %add3A_794 = arith.addi %add3A_792, %add3A_793 : i32
      %get3A_795 = arith.index_cast %add3A_794 : i32 to index
      %get3A_796 = arith.constant 0 : index
      %get3A_797 = tpu.vector_load %arg4[%get3A_795, %get3A_796] {strides = array<i32>} : memref<1023x16xf32, #tpu.memory_space<vmem>>, vector<1x16xf32>,
      %get3A_798 = vector.shape_cast %get3A_797 : vector<1x16xf32> to vector<16xf32>
      %add3A_799 = arith.addf %add3A_763, %get3A_798 : vector<16xf32>
      %add3A_800 = arith.constant 384 : i32
      %add3A_801 = arith.addi %add3A_800, %scan3A_783 : i32
      %add3A_802 = arith.constant 64 : i32
      %add3A_803 = arith.addi %add3A_801, %add3A_802 : i32
      %get3A_804 = arith.index_cast %add3A_803 : i32 to index
      %get3A_805 = arith.constant 0 : index
      %get3A_806 = tpu.vector_load %arg4[%get3A_804, %get3A_805] {strides = array<i32>} : memref<1023x16xf32, #tpu.memory_space<vmem>>, vector<1x16xf32>,
      %get3A_807 = vector.shape_cast %get3A_806 : vector<1x16xf32> to vector<16xf32>
      %add3A_808 = arith.addf %add3A_772, %get3A_807 : vector<16xf32>
      %add3A_809 = arith.constant 384 : i32
      %add3A_810 = arith.addi %add3A_809, %scan3A_783 : i32
      %add3A_811 = arith.constant 96 : i32
      %add3A_812 = arith.addi %add3A_810, %add3A_811 : i32
      %get3A_813 = arith.index_cast %add3A_812 : i32 to index
      %get3A_814 = arith.constant 0 : index
      %get3A_815 = tpu.vector_load %arg4[%get3A_813, %get3A_814] {strides = array<i32>} : memref<1023x16xf32, #tpu.memory_space<vmem>>, vector<1x16xf32>,
      %get3A_816 = vector.shape_cast %get3A_815 : vector<1x16xf32> to vector<16xf32>
      %add3A_817 = arith.addf %add3A_781, %get3A_816 : vector<16xf32>
      %scan3A_818 = arith.constant 6 : i32
      %scan3A_819 = arith.addi %scan3A_599, %scan3A_818 : i32
      %add3A_820 = arith.constant 384 : i32
      %add3A_821 = arith.addi %add3A_820, %scan3A_819 : i32
      %get3A_822 = arith.index_cast %add3A_821 : i32 to index
      %get3A_823 = arith.constant 0 : index
      %get3A_824 = tpu.vector_load %arg4[%get3A_822, %get3A_823] {strides = array<i32>} : memref<1023x16xf32, #tpu.memory_space<vmem>>, vector<1x16xf32>,
      %get3A_825 = vector.shape_cast %get3A_824 : vector<1x16xf32> to vector<16xf32>
      %add3A_826 = arith.addf %add3A_790, %get3A_825 : vector<16xf32>
      %add3A_827 = arith.constant 384 : i32
      %add3A_828 = arith.addi %add3A_827, %scan3A_819 : i32
      %add3A_829 = arith.constant 32 : i32
      %add3A_830 = arith.addi %add3A_828, %add3A_829 : i32
      %get3A_831 = arith.index_cast %add3A_830 : i32 to index
      %get3A_832 = arith.constant 0 : index
      %get3A_833 = tpu.vector_load %arg4[%get3A_831, %get3A_832] {strides = array<i32>} : memref<1023x16xf32, #tpu.memory_space<vmem>>, vector<1x16xf32>,
      %get3A_834 = vector.shape_cast %get3A_833 : vector<1x16xf32> to vector<16xf32>
      %add3A_835 = arith.addf %add3A_799, %get3A_834 : vector<16xf32>
      %add3A_836 = arith.constant 384 : i32
      %add3A_837 = arith.addi %add3A_836, %scan3A_819 : i32
      %add3A_838 = arith.constant 64 : i32
      %add3A_839 = arith.addi %add3A_837, %add3A_838 : i32
      %get3A_840 = arith.index_cast %add3A_839 : i32 to index
      %get3A_841 = arith.constant 0 : index
      %get3A_842 = tpu.vector_load %arg4[%get3A_840, %get3A_841] {strides = array<i32>} : memref<1023x16xf32, #tpu.memory_space<vmem>>, vector<1x16xf32>,
      %get3A_843 = vector.shape_cast %get3A_842 : vector<1x16xf32> to vector<16xf32>
      %add3A_844 = arith.addf %add3A_808, %get3A_843 : vector<16xf32>
      %add3A_845 = arith.constant 384 : i32
      %add3A_846 = arith.addi %add3A_845, %scan3A_819 : i32
      %add3A_847 = arith.constant 96 : i32
      %add3A_848 = arith.addi %add3A_846, %add3A_847 : i32
      %get3A_849 = arith.index_cast %add3A_848 : i32 to index
      %get3A_850 = arith.constant 0 : index
      %get3A_851 = tpu.vector_load %arg4[%get3A_849, %get3A_850] {strides = array<i32>} : memref<1023x16xf32, #tpu.memory_space<vmem>>, vector<1x16xf32>,
      %get3A_852 = vector.shape_cast %get3A_851 : vector<1x16xf32> to vector<16xf32>
      %add3A_853 = arith.addf %add3A_817, %get3A_852 : vector<16xf32>
      %scan3A_854 = arith.constant 7 : i32
      %scan3A_855 = arith.addi %scan3A_599, %scan3A_854 : i32
      %add3A_856 = arith.constant 384 : i32
      %add3A_857 = arith.addi %add3A_856, %scan3A_855 : i32
      %get3A_858 = arith.index_cast %add3A_857 : i32 to index
      %get3A_859 = arith.constant 0 : index
      %get3A_860 = tpu.vector_load %arg4[%get3A_858, %get3A_859] {strides = array<i32>} : memref<1023x16xf32, #tpu.memory_space<vmem>>, vector<1x16xf32>,
      %get3A_861 = vector.shape_cast %get3A_860 : vector<1x16xf32> to vector<16xf32>
      %add3A_862 = arith.addf %add3A_826, %get3A_861 : vector<16xf32>
      %add3A_863 = arith.constant 384 : i32
      %add3A_864 = arith.addi %add3A_863, %scan3A_855 : i32
      %add3A_865 = arith.constant 32 : i32
      %add3A_866 = arith.addi %add3A_864, %add3A_865 : i32
      %get3A_867 = arith.index_cast %add3A_866 : i32 to index
      %get3A_868 = arith.constant 0 : index
      %get3A_869 = tpu.vector_load %arg4[%get3A_867, %get3A_868] {strides = array<i32>} : memref<1023x16xf32, #tpu.memory_space<vmem>>, vector<1x16xf32>,
      %get3A_870 = vector.shape_cast %get3A_869 : vector<1x16xf32> to vector<16xf32>
      %add3A_871 = arith.addf %add3A_835, %get3A_870 : vector<16xf32>
      %add3A_872 = arith.constant 384 : i32
      %add3A_873 = arith.addi %add3A_872, %scan3A_855 : i32
      %add3A_874 = arith.constant 64 : i32
      %add3A_875 = arith.addi %add3A_873, %add3A_874 : i32
      %get3A_876 = arith.index_cast %add3A_875 : i32 to index
      %get3A_877 = arith.constant 0 : index
      %get3A_878 = tpu.vector_load %arg4[%get3A_876, %get3A_877] {strides = array<i32>} : memref<1023x16xf32, #tpu.memory_space<vmem>>, vector<1x16xf32>,
      %get3A_879 = vector.shape_cast %get3A_878 : vector<1x16xf32> to vector<16xf32>
      %add3A_880 = arith.addf %add3A_844, %get3A_879 : vector<16xf32>
      %add3A_881 = arith.constant 384 : i32
      %add3A_882 = arith.addi %add3A_881, %scan3A_855 : i32
      %add3A_883 = arith.constant 96 : i32
      %add3A_884 = arith.addi %add3A_882, %add3A_883 : i32
      %get3A_885 = arith.index_cast %add3A_884 : i32 to index
      %get3A_886 = arith.constant 0 : index
      %get3A_887 = tpu.vector_load %arg4[%get3A_885, %get3A_886] {strides = array<i32>} : memref<1023x16xf32, #tpu.memory_space<vmem>>, vector<1x16xf32>,
      %get3A_888 = vector.shape_cast %get3A_887 : vector<1x16xf32> to vector<16xf32>
      %add3A_889 = arith.addf %add3A_853, %get3A_888 : vector<16xf32>
      scf.yield %add3A_862, %add3A_871, %add3A_880, %add3A_889 : vector<16xf32>, vector<16xf32>, vector<16xf32>, vector<16xf32>
    }
    %scan3A_153 = arith.constant 32 : i32
    %add3A_154 = arith.addf %scan3A_152#0, %scan3A_152#1 : vector<16xf32>
    %add3A_155 = arith.addf %scan3A_152#2, %scan3A_152#3 : vector<16xf32>
    %add3A_156 = arith.addf %add3A_154, %add3A_155 : vector<16xf32>
    %dma_wait3A_157 = arith.constant 512 : i32
    %dma_wait3A_158 = arith.constant 0 : i32
    %dma_wait3A_159 = tpu.memref_slice %arg4[%dma_wait3A_157, %dma_wait3A_158] : memref<1023x16xf32, #tpu.memory_space<vmem>> -> memref<128x16xf32, #tpu.memory_space<vmem>>
    %dma_wait3A_160 = arith.constant 512 : i32
    %dma_wait3A_161 = tpu.memref_slice %arg2[%dma_wait3A_160, %mul3A_2] : memref<1023x512xf32, #tpu.memory_space<hbm>> -> memref<128x16xf32, #tpu.memory_space<hbm>>
    %dma_wait3A_162 = arith.constant 512 : i32
    %dma_wait3A_163 = arith.constant 0 : i32
    %dma_wait3A_164 = tpu.memref_slice %arg4[%dma_wait3A_162, %dma_wait3A_163] : memref<1023x16xf32, #tpu.memory_space<vmem>> -> memref<128x16xf32, #tpu.memory_space<vmem>>
    %dma_wait3A_165 = arith.constant 512 : i32
    %dma_wait3A_166 = tpu.memref_slice %arg2[%dma_wait3A_165, %mul3A_2] : memref<1023x512xf32, #tpu.memory_space<hbm>> -> memref<128x16xf32, #tpu.memory_space<hbm>>
    tpu.wait_dma2 semaphore(%arg6 : memref<!tpu.dma_semaphore, #tpu.memory_space<semaphore_mem>>) src(%dma_wait3A_166 : memref<128x16xf32, #tpu.memory_space<hbm>>) dst(%dma_wait3A_164 : memref<128x16xf32, #tpu.memory_space<vmem>>)
    %scan3A_167 = arith.constant 0 : i32
    %scan3A_168 = arith.constant 32 : i32
    %scan3A_169 = arith.addi %scan3A_167, %scan3A_168 : i32
    %scan3A_170 = arith.constant 8 : i32
    %scan3A_171:4 = scf.for %scan3A_599 = %scan3A_167 to %scan3A_169 step %scan3A_170 iter_args(%scan3A_600 = %broadcast_in_dim3A_82, %scan3A_601 = %broadcast_in_dim3A_82, %scan3A_602 = %broadcast_in_dim3A_82, %scan3A_603 = %broadcast_in_dim3A_82) -> (vector<16xf32>, vector<16xf32>, vector<16xf32>, vector<16xf32>)  : i32 {
      %add3A_604 = arith.constant 512 : i32
      %add3A_605 = arith.addi %add3A_604, %scan3A_599 : i32
      %get3A_606 = arith.index_cast %add3A_605 : i32 to index
      %get3A_607 = arith.constant 0 : index
      %get3A_608 = tpu.vector_load %arg4[%get3A_606, %get3A_607] {strides = array<i32>} : memref<1023x16xf32, #tpu.memory_space<vmem>>, vector<1x16xf32>,
      %get3A_609 = vector.shape_cast %get3A_608 : vector<1x16xf32> to vector<16xf32>
      %add3A_610 = arith.addf %scan3A_600, %get3A_609 : vector<16xf32>
      %add3A_611 = arith.constant 512 : i32
      %add3A_612 = arith.addi %add3A_611, %scan3A_599 : i32
      %add3A_613 = arith.constant 32 : i32
      %add3A_614 = arith.addi %add3A_612, %add3A_613 : i32
      %get3A_615 = arith.index_cast %add3A_614 : i32 to index
      %get3A_616 = arith.constant 0 : index
      %get3A_617 = tpu.vector_load %arg4[%get3A_615, %get3A_616] {strides = array<i32>} : memref<1023x16xf32, #tpu.memory_space<vmem>>, vector<1x16xf32>,
      %get3A_618 = vector.shape_cast %get3A_617 : vector<1x16xf32> to vector<16xf32>
      %add3A_619 = arith.addf %scan3A_601, %get3A_618 : vector<16xf32>
      %add3A_620 = arith.constant 512 : i32
      %add3A_621 = arith.addi %add3A_620, %scan3A_599 : i32
      %add3A_622 = arith.constant 64 : i32
      %add3A_623 = arith.addi %add3A_621, %add3A_622 : i32
      %get3A_624 = arith.index_cast %add3A_623 : i32 to index
      %get3A_625 = arith.constant 0 : index
      %get3A_626 = tpu.vector_load %arg4[%get3A_624, %get3A_625] {strides = array<i32>} : memref<1023x16xf32, #tpu.memory_space<vmem>>, vector<1x16xf32>,
      %get3A_627 = vector.shape_cast %get3A_626 : vector<1x16xf32> to vector<16xf32>
      %add3A_628 = arith.addf %scan3A_602, %get3A_627 : vector<16xf32>
      %add3A_629 = arith.constant 512 : i32
      %add3A_630 = arith.addi %add3A_629, %scan3A_599 : i32
      %add3A_631 = arith.constant 96 : i32
      %add3A_632 = arith.addi %add3A_630, %add3A_631 : i32
      %get3A_633 = arith.index_cast %add3A_632 : i32 to index
      %get3A_634 = arith.constant 0 : index
      %get3A_635 = tpu.vector_load %arg4[%get3A_633, %get3A_634] {strides = array<i32>} : memref<1023x16xf32, #tpu.memory_space<vmem>>, vector<1x16xf32>,
      %get3A_636 = vector.shape_cast %get3A_635 : vector<1x16xf32> to vector<16xf32>
      %add3A_637 = arith.addf %scan3A_603, %get3A_636 : vector<16xf32>
      %scan3A_638 = arith.constant 1 : i32
      %scan3A_639 = arith.addi %scan3A_599, %scan3A_638 : i32
      %add3A_640 = arith.constant 512 : i32
      %add3A_641 = arith.addi %add3A_640, %scan3A_639 : i32
      %get3A_642 = arith.index_cast %add3A_641 : i32 to index
      %get3A_643 = arith.constant 0 : index
      %get3A_644 = tpu.vector_load %arg4[%get3A_642, %get3A_643] {strides = array<i32>} : memref<1023x16xf32, #tpu.memory_space<vmem>>, vector<1x16xf32>,
      %get3A_645 = vector.shape_cast %get3A_644 : vector<1x16xf32> to vector<16xf32>
      %add3A_646 = arith.addf %add3A_610, %get3A_645 : vector<16xf32>
      %add3A_647 = arith.constant 512 : i32
      %add3A_648 = arith.addi %add3A_647, %scan3A_639 : i32
      %add3A_649 = arith.constant 32 : i32
      %add3A_650 = arith.addi %add3A_648, %add3A_649 : i32
      %get3A_651 = arith.index_cast %add3A_650 : i32 to index
      %get3A_652 = arith.constant 0 : index
      %get3A_653 = tpu.vector_load %arg4[%get3A_651, %get3A_652] {strides = array<i32>} : memref<1023x16xf32, #tpu.memory_space<vmem>>, vector<1x16xf32>,
      %get3A_654 = vector.shape_cast %get3A_653 : vector<1x16xf32> to vector<16xf32>
      %add3A_655 = arith.addf %add3A_619, %get3A_654 : vector<16xf32>
      %add3A_656 = arith.constant 512 : i32
      %add3A_657 = arith.addi %add3A_656, %scan3A_639 : i32
      %add3A_658 = arith.constant 64 : i32
      %add3A_659 = arith.addi %add3A_657, %add3A_658 : i32
      %get3A_660 = arith.index_cast %add3A_659 : i32 to index
      %get3A_661 = arith.constant 0 : index
      %get3A_662 = tpu.vector_load %arg4[%get3A_660, %get3A_661] {strides = array<i32>} : memref<1023x16xf32, #tpu.memory_space<vmem>>, vector<1x16xf32>,
      %get3A_663 = vector.shape_cast %get3A_662 : vector<1x16xf32> to vector<16xf32>
      %add3A_664 = arith.addf %add3A_628, %get3A_663 : vector<16xf32>
      %add3A_665 = arith.constant 512 : i32
      %add3A_666 = arith.addi %add3A_665, %scan3A_639 : i32
      %add3A_667 = arith.constant 96 : i32
      %add3A_668 = arith.addi %add3A_666, %add3A_667 : i32
      %get3A_669 = arith.index_cast %add3A_668 : i32 to index
      %get3A_670 = arith.constant 0 : index
      %get3A_671 = tpu.vector_load %arg4[%get3A_669, %get3A_670] {strides = array<i32>} : memref<1023x16xf32, #tpu.memory_space<vmem>>, vector<1x16xf32>,
      %get3A_672 = vector.shape_cast %get3A_671 : vector<1x16xf32> to vector<16xf32>
      %add3A_673 = arith.addf %add3A_637, %get3A_672 : vector<16xf32>
      %scan3A_674 = arith.constant 2 : i32
      %scan3A_675 = arith.addi %scan3A_599, %scan3A_674 : i32
      %add3A_676 = arith.constant 512 : i32
      %add3A_677 = arith.addi %add3A_676, %scan3A_675 : i32
      %get3A_678 = arith.index_cast %add3A_677 : i32 to index
      %get3A_679 = arith.constant 0 : index
      %get3A_680 = tpu.vector_load %arg4[%get3A_678, %get3A_679] {strides = array<i32>} : memref<1023x16xf32, #tpu.memory_space<vmem>>, vector<1x16xf32>,
      %get3A_681 = vector.shape_cast %get3A_680 : vector<1x16xf32> to vector<16xf32>
      %add3A_682 = arith.addf %add3A_646, %get3A_681 : vector<16xf32>
      %add3A_683 = arith.constant 512 : i32
      %add3A_684 = arith.addi %add3A_683, %scan3A_675 : i32
      %add3A_685 = arith.constant 32 : i32
      %add3A_686 = arith.addi %add3A_684, %add3A_685 : i32
      %get3A_687 = arith.index_cast %add3A_686 : i32 to index
      %get3A_688 = arith.constant 0 : index
      %get3A_689 = tpu.vector_load %arg4[%get3A_687, %get3A_688] {strides = array<i32>} : memref<1023x16xf32, #tpu.memory_space<vmem>>, vector<1x16xf32>,
      %get3A_690 = vector.shape_cast %get3A_689 : vector<1x16xf32> to vector<16xf32>
      %add3A_691 = arith.addf %add3A_655, %get3A_690 : vector<16xf32>
      %add3A_692 = arith.constant 512 : i32
      %add3A_693 = arith.addi %add3A_692, %scan3A_675 : i32
      %add3A_694 = arith.constant 64 : i32
      %add3A_695 = arith.addi %add3A_693, %add3A_694 : i32
      %get3A_696 = arith.index_cast %add3A_695 : i32 to index
      %get3A_697 = arith.constant 0 : index
      %get3A_698 = tpu.vector_load %arg4[%get3A_696, %get3A_697] {strides = array<i32>} : memref<1023x16xf32, #tpu.memory_space<vmem>>, vector<1x16xf32>,
      %get3A_699 = vector.shape_cast %get3A_698 : vector<1x16xf32> to vector<16xf32>
      %add3A_700 = arith.addf %add3A_664, %get3A_699 : vector<16xf32>
      %add3A_701 = arith.constant 512 : i32
      %add3A_702 = arith.addi %add3A_701, %scan3A_675 : i32
      %add3A_703 = arith.constant 96 : i32
      %add3A_704 = arith.addi %add3A_702, %add3A_703 : i32
      %get3A_705 = arith.index_cast %add3A_704 : i32 to index
      %get3A_706 = arith.constant 0 : index
      %get3A_707 = tpu.vector_load %arg4[%get3A_705, %get3A_706] {strides = array<i32>} : memref<1023x16xf32, #tpu.memory_space<vmem>>, vector<1x16xf32>,
      %get3A_708 = vector.shape_cast %get3A_707 : vector<1x16xf32> to vector<16xf32>
      %add3A_709 = arith.addf %add3A_673, %get3A_708 : vector<16xf32>
      %scan3A_710 = arith.constant 3 : i32
      %scan3A_711 = arith.addi %scan3A_599, %scan3A_710 : i32
      %add3A_712 = arith.constant 512 : i32
      %add3A_713 = arith.addi %add3A_712, %scan3A_711 : i32
      %get3A_714 = arith.index_cast %add3A_713 : i32 to index
      %get3A_715 = arith.constant 0 : index
      %get3A_716 = tpu.vector_load %arg4[%get3A_714, %get3A_715] {strides = array<i32>} : memref<1023x16xf32, #tpu.memory_space<vmem>>, vector<1x16xf32>,
      %get3A_717 = vector.shape_cast %get3A_716 : vector<1x16xf32> to vector<16xf32>
      %add3A_718 = arith.addf %add3A_682, %get3A_717 : vector<16xf32>
      %add3A_719 = arith.constant 512 : i32
      %add3A_720 = arith.addi %add3A_719, %scan3A_711 : i32
      %add3A_721 = arith.constant 32 : i32
      %add3A_722 = arith.addi %add3A_720, %add3A_721 : i32
      %get3A_723 = arith.index_cast %add3A_722 : i32 to index
      %get3A_724 = arith.constant 0 : index
      %get3A_725 = tpu.vector_load %arg4[%get3A_723, %get3A_724] {strides = array<i32>} : memref<1023x16xf32, #tpu.memory_space<vmem>>, vector<1x16xf32>,
      %get3A_726 = vector.shape_cast %get3A_725 : vector<1x16xf32> to vector<16xf32>
      %add3A_727 = arith.addf %add3A_691, %get3A_726 : vector<16xf32>
      %add3A_728 = arith.constant 512 : i32
      %add3A_729 = arith.addi %add3A_728, %scan3A_711 : i32
      %add3A_730 = arith.constant 64 : i32
      %add3A_731 = arith.addi %add3A_729, %add3A_730 : i32
      %get3A_732 = arith.index_cast %add3A_731 : i32 to index
      %get3A_733 = arith.constant 0 : index
      %get3A_734 = tpu.vector_load %arg4[%get3A_732, %get3A_733] {strides = array<i32>} : memref<1023x16xf32, #tpu.memory_space<vmem>>, vector<1x16xf32>,
      %get3A_735 = vector.shape_cast %get3A_734 : vector<1x16xf32> to vector<16xf32>
      %add3A_736 = arith.addf %add3A_700, %get3A_735 : vector<16xf32>
      %add3A_737 = arith.constant 512 : i32
      %add3A_738 = arith.addi %add3A_737, %scan3A_711 : i32
      %add3A_739 = arith.constant 96 : i32
      %add3A_740 = arith.addi %add3A_738, %add3A_739 : i32
      %get3A_741 = arith.index_cast %add3A_740 : i32 to index
      %get3A_742 = arith.constant 0 : index
      %get3A_743 = tpu.vector_load %arg4[%get3A_741, %get3A_742] {strides = array<i32>} : memref<1023x16xf32, #tpu.memory_space<vmem>>, vector<1x16xf32>,
      %get3A_744 = vector.shape_cast %get3A_743 : vector<1x16xf32> to vector<16xf32>
      %add3A_745 = arith.addf %add3A_709, %get3A_744 : vector<16xf32>
      %scan3A_746 = arith.constant 4 : i32
      %scan3A_747 = arith.addi %scan3A_599, %scan3A_746 : i32
      %add3A_748 = arith.constant 512 : i32
      %add3A_749 = arith.addi %add3A_748, %scan3A_747 : i32
      %get3A_750 = arith.index_cast %add3A_749 : i32 to index
      %get3A_751 = arith.constant 0 : index
      %get3A_752 = tpu.vector_load %arg4[%get3A_750, %get3A_751] {strides = array<i32>} : memref<1023x16xf32, #tpu.memory_space<vmem>>, vector<1x16xf32>,
      %get3A_753 = vector.shape_cast %get3A_752 : vector<1x16xf32> to vector<16xf32>
      %add3A_754 = arith.addf %add3A_718, %get3A_753 : vector<16xf32>
      %add3A_755 = arith.constant 512 : i32
      %add3A_756 = arith.addi %add3A_755, %scan3A_747 : i32
      %add3A_757 = arith.constant 32 : i32
      %add3A_758 = arith.addi %add3A_756, %add3A_757 : i32
      %get3A_759 = arith.index_cast %add3A_758 : i32 to index
      %get3A_760 = arith.constant 0 : index
      %get3A_761 = tpu.vector_load %arg4[%get3A_759, %get3A_760] {strides = array<i32>} : memref<1023x16xf32, #tpu.memory_space<vmem>>, vector<1x16xf32>,
      %get3A_762 = vector.shape_cast %get3A_761 : vector<1x16xf32> to vector<16xf32>
      %add3A_763 = arith.addf %add3A_727, %get3A_762 : vector<16xf32>
      %add3A_764 = arith.constant 512 : i32
      %add3A_765 = arith.addi %add3A_764, %scan3A_747 : i32
      %add3A_766 = arith.constant 64 : i32
      %add3A_767 = arith.addi %add3A_765, %add3A_766 : i32
      %get3A_768 = arith.index_cast %add3A_767 : i32 to index
      %get3A_769 = arith.constant 0 : index
      %get3A_770 = tpu.vector_load %arg4[%get3A_768, %get3A_769] {strides = array<i32>} : memref<1023x16xf32, #tpu.memory_space<vmem>>, vector<1x16xf32>,
      %get3A_771 = vector.shape_cast %get3A_770 : vector<1x16xf32> to vector<16xf32>
      %add3A_772 = arith.addf %add3A_736, %get3A_771 : vector<16xf32>
      %add3A_773 = arith.constant 512 : i32
      %add3A_774 = arith.addi %add3A_773, %scan3A_747 : i32
      %add3A_775 = arith.constant 96 : i32
      %add3A_776 = arith.addi %add3A_774, %add3A_775 : i32
      %get3A_777 = arith.index_cast %add3A_776 : i32 to index
      %get3A_778 = arith.constant 0 : index
      %get3A_779 = tpu.vector_load %arg4[%get3A_777, %get3A_778] {strides = array<i32>} : memref<1023x16xf32, #tpu.memory_space<vmem>>, vector<1x16xf32>,
      %get3A_780 = vector.shape_cast %get3A_779 : vector<1x16xf32> to vector<16xf32>
      %add3A_781 = arith.addf %add3A_745, %get3A_780 : vector<16xf32>
      %scan3A_782 = arith.constant 5 : i32
      %scan3A_783 = arith.addi %scan3A_599, %scan3A_782 : i32
      %add3A_784 = arith.constant 512 : i32
      %add3A_785 = arith.addi %add3A_784, %scan3A_783 : i32
      %get3A_786 = arith.index_cast %add3A_785 : i32 to index
      %get3A_787 = arith.constant 0 : index
      %get3A_788 = tpu.vector_load %arg4[%get3A_786, %get3A_787] {strides = array<i32>} : memref<1023x16xf32, #tpu.memory_space<vmem>>, vector<1x16xf32>,
      %get3A_789 = vector.shape_cast %get3A_788 : vector<1x16xf32> to vector<16xf32>
      %add3A_790 = arith.addf %add3A_754, %get3A_789 : vector<16xf32>
      %add3A_791 = arith.constant 512 : i32
      %add3A_792 = arith.addi %add3A_791, %scan3A_783 : i32
      %add3A_793 = arith.constant 32 : i32
      %add3A_794 = arith.addi %add3A_792, %add3A_793 : i32
      %get3A_795 = arith.index_cast %add3A_794 : i32 to index
      %get3A_796 = arith.constant 0 : index
      %get3A_797 = tpu.vector_load %arg4[%get3A_795, %get3A_796] {strides = array<i32>} : memref<1023x16xf32, #tpu.memory_space<vmem>>, vector<1x16xf32>,
      %get3A_798 = vector.shape_cast %get3A_797 : vector<1x16xf32> to vector<16xf32>
      %add3A_799 = arith.addf %add3A_763, %get3A_798 : vector<16xf32>
      %add3A_800 = arith.constant 512 : i32
      %add3A_801 = arith.addi %add3A_800, %scan3A_783 : i32
      %add3A_802 = arith.constant 64 : i32
      %add3A_803 = arith.addi %add3A_801, %add3A_802 : i32
      %get3A_804 = arith.index_cast %add3A_803 : i32 to index
      %get3A_805 = arith.constant 0 : index
      %get3A_806 = tpu.vector_load %arg4[%get3A_804, %get3A_805] {strides = array<i32>} : memref<1023x16xf32, #tpu.memory_space<vmem>>, vector<1x16xf32>,
      %get3A_807 = vector.shape_cast %get3A_806 : vector<1x16xf32> to vector<16xf32>
      %add3A_808 = arith.addf %add3A_772, %get3A_807 : vector<16xf32>
      %add3A_809 = arith.constant 512 : i32
      %add3A_810 = arith.addi %add3A_809, %scan3A_783 : i32
      %add3A_811 = arith.constant 96 : i32
      %add3A_812 = arith.addi %add3A_810, %add3A_811 : i32
      %get3A_813 = arith.index_cast %add3A_812 : i32 to index
      %get3A_814 = arith.constant 0 : index
      %get3A_815 = tpu.vector_load %arg4[%get3A_813, %get3A_814] {strides = array<i32>} : memref<1023x16xf32, #tpu.memory_space<vmem>>, vector<1x16xf32>,
      %get3A_816 = vector.shape_cast %get3A_815 : vector<1x16xf32> to vector<16xf32>
      %add3A_817 = arith.addf %add3A_781, %get3A_816 : vector<16xf32>
      %scan3A_818 = arith.constant 6 : i32
      %scan3A_819 = arith.addi %scan3A_599, %scan3A_818 : i32
      %add3A_820 = arith.constant 512 : i32
      %add3A_821 = arith.addi %add3A_820, %scan3A_819 : i32
      %get3A_822 = arith.index_cast %add3A_821 : i32 to index
      %get3A_823 = arith.constant 0 : index
      %get3A_824 = tpu.vector_load %arg4[%get3A_822, %get3A_823] {strides = array<i32>} : memref<1023x16xf32, #tpu.memory_space<vmem>>, vector<1x16xf32>,
      %get3A_825 = vector.shape_cast %get3A_824 : vector<1x16xf32> to vector<16xf32>
      %add3A_826 = arith.addf %add3A_790, %get3A_825 : vector<16xf32>
      %add3A_827 = arith.constant 512 : i32
      %add3A_828 = arith.addi %add3A_827, %scan3A_819 : i32
      %add3A_829 = arith.constant 32 : i32
      %add3A_830 = arith.addi %add3A_828, %add3A_829 : i32
      %get3A_831 = arith.index_cast %add3A_830 : i32 to index
      %get3A_832 = arith.constant 0 : index
      %get3A_833 = tpu.vector_load %arg4[%get3A_831, %get3A_832] {strides = array<i32>} : memref<1023x16xf32, #tpu.memory_space<vmem>>, vector<1x16xf32>,
      %get3A_834 = vector.shape_cast %get3A_833 : vector<1x16xf32> to vector<16xf32>
      %add3A_835 = arith.addf %add3A_799, %get3A_834 : vector<16xf32>
      %add3A_836 = arith.constant 512 : i32
      %add3A_837 = arith.addi %add3A_836, %scan3A_819 : i32
      %add3A_838 = arith.constant 64 : i32
      %add3A_839 = arith.addi %add3A_837, %add3A_838 : i32
      %get3A_840 = arith.index_cast %add3A_839 : i32 to index
      %get3A_841 = arith.constant 0 : index
      %get3A_842 = tpu.vector_load %arg4[%get3A_840, %get3A_841] {strides = array<i32>} : memref<1023x16xf32, #tpu.memory_space<vmem>>, vector<1x16xf32>,
      %get3A_843 = vector.shape_cast %get3A_842 : vector<1x16xf32> to vector<16xf32>
      %add3A_844 = arith.addf %add3A_808, %get3A_843 : vector<16xf32>
      %add3A_845 = arith.constant 512 : i32
      %add3A_846 = arith.addi %add3A_845, %scan3A_819 : i32
      %add3A_847 = arith.constant 96 : i32
      %add3A_848 = arith.addi %add3A_846, %add3A_847 : i32
      %get3A_849 = arith.index_cast %add3A_848 : i32 to index
      %get3A_850 = arith.constant 0 : index
      %get3A_851 = tpu.vector_load %arg4[%get3A_849, %get3A_850] {strides = array<i32>} : memref<1023x16xf32, #tpu.memory_space<vmem>>, vector<1x16xf32>,
      %get3A_852 = vector.shape_cast %get3A_851 : vector<1x16xf32> to vector<16xf32>
      %add3A_853 = arith.addf %add3A_817, %get3A_852 : vector<16xf32>
      %scan3A_854 = arith.constant 7 : i32
      %scan3A_855 = arith.addi %scan3A_599, %scan3A_854 : i32
      %add3A_856 = arith.constant 512 : i32
      %add3A_857 = arith.addi %add3A_856, %scan3A_855 : i32
      %get3A_858 = arith.index_cast %add3A_857 : i32 to index
      %get3A_859 = arith.constant 0 : index
      %get3A_860 = tpu.vector_load %arg4[%get3A_858, %get3A_859] {strides = array<i32>} : memref<1023x16xf32, #tpu.memory_space<vmem>>, vector<1x16xf32>,
      %get3A_861 = vector.shape_cast %get3A_860 : vector<1x16xf32> to vector<16xf32>
      %add3A_862 = arith.addf %add3A_826, %get3A_861 : vector<16xf32>
      %add3A_863 = arith.constant 512 : i32
      %add3A_864 = arith.addi %add3A_863, %scan3A_855 : i32
      %add3A_865 = arith.constant 32 : i32
      %add3A_866 = arith.addi %add3A_864, %add3A_865 : i32
      %get3A_867 = arith.index_cast %add3A_866 : i32 to index
      %get3A_868 = arith.constant 0 : index
      %get3A_869 = tpu.vector_load %arg4[%get3A_867, %get3A_868] {strides = array<i32>} : memref<1023x16xf32, #tpu.memory_space<vmem>>, vector<1x16xf32>,
      %get3A_870 = vector.shape_cast %get3A_869 : vector<1x16xf32> to vector<16xf32>
      %add3A_871 = arith.addf %add3A_835, %get3A_870 : vector<16xf32>
      %add3A_872 = arith.constant 512 : i32
      %add3A_873 = arith.addi %add3A_872, %scan3A_855 : i32
      %add3A_874 = arith.constant 64 : i32
      %add3A_875 = arith.addi %add3A_873, %add3A_874 : i32
      %get3A_876 = arith.index_cast %add3A_875 : i32 to index
      %get3A_877 = arith.constant 0 : index
      %get3A_878 = tpu.vector_load %arg4[%get3A_876, %get3A_877] {strides = array<i32>} : memref<1023x16xf32, #tpu.memory_space<vmem>>, vector<1x16xf32>,
      %get3A_879 = vector.shape_cast %get3A_878 : vector<1x16xf32> to vector<16xf32>
      %add3A_880 = arith.addf %add3A_844, %get3A_879 : vector<16xf32>
      %add3A_881 = arith.constant 512 : i32
      %add3A_882 = arith.addi %add3A_881, %scan3A_855 : i32
      %add3A_883 = arith.constant 96 : i32
      %add3A_884 = arith.addi %add3A_882, %add3A_883 : i32
      %get3A_885 = arith.index_cast %add3A_884 : i32 to index
      %get3A_886 = arith.constant 0 : index
      %get3A_887 = tpu.vector_load %arg4[%get3A_885, %get3A_886] {strides = array<i32>} : memref<1023x16xf32, #tpu.memory_space<vmem>>, vector<1x16xf32>,
      %get3A_888 = vector.shape_cast %get3A_887 : vector<1x16xf32> to vector<16xf32>
      %add3A_889 = arith.addf %add3A_853, %get3A_888 : vector<16xf32>
      scf.yield %add3A_862, %add3A_871, %add3A_880, %add3A_889 : vector<16xf32>, vector<16xf32>, vector<16xf32>, vector<16xf32>
    }
    %scan3A_172 = arith.constant 32 : i32
    %add3A_173 = arith.addf %scan3A_171#0, %scan3A_171#1 : vector<16xf32>
    %add3A_174 = arith.addf %scan3A_171#2, %scan3A_171#3 : vector<16xf32>
    %add3A_175 = arith.addf %add3A_173, %add3A_174 : vector<16xf32>
    %dma_wait3A_176 = arith.constant 640 : i32
    %dma_wait3A_177 = arith.constant 0 : i32
    %dma_wait3A_178 = tpu.memref_slice %arg4[%dma_wait3A_176, %dma_wait3A_177] : memref<1023x16xf32, #tpu.memory_space<vmem>> -> memref<128x16xf32, #tpu.memory_space<vmem>>
    %dma_wait3A_179 = arith.constant 640 : i32
    %dma_wait3A_180 = tpu.memref_slice %arg2[%dma_wait3A_179, %mul3A_2] : memref<1023x512xf32, #tpu.memory_space<hbm>> -> memref<128x16xf32, #tpu.memory_space<hbm>>
    %dma_wait3A_181 = arith.constant 640 : i32
    %dma_wait3A_182 = arith.constant 0 : i32
    %dma_wait3A_183 = tpu.memref_slice %arg4[%dma_wait3A_181, %dma_wait3A_182] : memref<1023x16xf32, #tpu.memory_space<vmem>> -> memref<128x16xf32, #tpu.memory_space<vmem>>
    %dma_wait3A_184 = arith.constant 640 : i32
    %dma_wait3A_185 = tpu.memref_slice %arg2[%dma_wait3A_184, %mul3A_2] : memref<1023x512xf32, #tpu.memory_space<hbm>> -> memref<128x16xf32, #tpu.memory_space<hbm>>
    tpu.wait_dma2 semaphore(%arg6 : memref<!tpu.dma_semaphore, #tpu.memory_space<semaphore_mem>>) src(%dma_wait3A_185 : memref<128x16xf32, #tpu.memory_space<hbm>>) dst(%dma_wait3A_183 : memref<128x16xf32, #tpu.memory_space<vmem>>)
    %scan3A_186 = arith.constant 0 : i32
    %scan3A_187 = arith.constant 32 : i32
    %scan3A_188 = arith.addi %scan3A_186, %scan3A_187 : i32
    %scan3A_189 = arith.constant 8 : i32
    %scan3A_190:4 = scf.for %scan3A_599 = %scan3A_186 to %scan3A_188 step %scan3A_189 iter_args(%scan3A_600 = %broadcast_in_dim3A_82, %scan3A_601 = %broadcast_in_dim3A_82, %scan3A_602 = %broadcast_in_dim3A_82, %scan3A_603 = %broadcast_in_dim3A_82) -> (vector<16xf32>, vector<16xf32>, vector<16xf32>, vector<16xf32>)  : i32 {
      %add3A_604 = arith.constant 640 : i32
      %add3A_605 = arith.addi %add3A_604, %scan3A_599 : i32
      %get3A_606 = arith.index_cast %add3A_605 : i32 to index
      %get3A_607 = arith.constant 0 : index
      %get3A_608 = tpu.vector_load %arg4[%get3A_606, %get3A_607] {strides = array<i32>} : memref<1023x16xf32, #tpu.memory_space<vmem>>, vector<1x16xf32>,
      %get3A_609 = vector.shape_cast %get3A_608 : vector<1x16xf32> to vector<16xf32>
      %add3A_610 = arith.addf %scan3A_600, %get3A_609 : vector<16xf32>
      %add3A_611 = arith.constant 640 : i32
      %add3A_612 = arith.addi %add3A_611, %scan3A_599 : i32
      %add3A_613 = arith.constant 32 : i32
      %add3A_614 = arith.addi %add3A_612, %add3A_613 : i32
      %get3A_615 = arith.index_cast %add3A_614 : i32 to index
      %get3A_616 = arith.constant 0 : index
      %get3A_617 = tpu.vector_load %arg4[%get3A_615, %get3A_616] {strides = array<i32>} : memref<1023x16xf32, #tpu.memory_space<vmem>>, vector<1x16xf32>,
      %get3A_618 = vector.shape_cast %get3A_617 : vector<1x16xf32> to vector<16xf32>
      %add3A_619 = arith.addf %scan3A_601, %get3A_618 : vector<16xf32>
      %add3A_620 = arith.constant 640 : i32
      %add3A_621 = arith.addi %add3A_620, %scan3A_599 : i32
      %add3A_622 = arith.constant 64 : i32
      %add3A_623 = arith.addi %add3A_621, %add3A_622 : i32
      %get3A_624 = arith.index_cast %add3A_623 : i32 to index
      %get3A_625 = arith.constant 0 : index
      %get3A_626 = tpu.vector_load %arg4[%get3A_624, %get3A_625] {strides = array<i32>} : memref<1023x16xf32, #tpu.memory_space<vmem>>, vector<1x16xf32>,
      %get3A_627 = vector.shape_cast %get3A_626 : vector<1x16xf32> to vector<16xf32>
      %add3A_628 = arith.addf %scan3A_602, %get3A_627 : vector<16xf32>
      %add3A_629 = arith.constant 640 : i32
      %add3A_630 = arith.addi %add3A_629, %scan3A_599 : i32
      %add3A_631 = arith.constant 96 : i32
      %add3A_632 = arith.addi %add3A_630, %add3A_631 : i32
      %get3A_633 = arith.index_cast %add3A_632 : i32 to index
      %get3A_634 = arith.constant 0 : index
      %get3A_635 = tpu.vector_load %arg4[%get3A_633, %get3A_634] {strides = array<i32>} : memref<1023x16xf32, #tpu.memory_space<vmem>>, vector<1x16xf32>,
      %get3A_636 = vector.shape_cast %get3A_635 : vector<1x16xf32> to vector<16xf32>
      %add3A_637 = arith.addf %scan3A_603, %get3A_636 : vector<16xf32>
      %scan3A_638 = arith.constant 1 : i32
      %scan3A_639 = arith.addi %scan3A_599, %scan3A_638 : i32
      %add3A_640 = arith.constant 640 : i32
      %add3A_641 = arith.addi %add3A_640, %scan3A_639 : i32
      %get3A_642 = arith.index_cast %add3A_641 : i32 to index
      %get3A_643 = arith.constant 0 : index
      %get3A_644 = tpu.vector_load %arg4[%get3A_642, %get3A_643] {strides = array<i32>} : memref<1023x16xf32, #tpu.memory_space<vmem>>, vector<1x16xf32>,
      %get3A_645 = vector.shape_cast %get3A_644 : vector<1x16xf32> to vector<16xf32>
      %add3A_646 = arith.addf %add3A_610, %get3A_645 : vector<16xf32>
      %add3A_647 = arith.constant 640 : i32
      %add3A_648 = arith.addi %add3A_647, %scan3A_639 : i32
      %add3A_649 = arith.constant 32 : i32
      %add3A_650 = arith.addi %add3A_648, %add3A_649 : i32
      %get3A_651 = arith.index_cast %add3A_650 : i32 to index
      %get3A_652 = arith.constant 0 : index
      %get3A_653 = tpu.vector_load %arg4[%get3A_651, %get3A_652] {strides = array<i32>} : memref<1023x16xf32, #tpu.memory_space<vmem>>, vector<1x16xf32>,
      %get3A_654 = vector.shape_cast %get3A_653 : vector<1x16xf32> to vector<16xf32>
      %add3A_655 = arith.addf %add3A_619, %get3A_654 : vector<16xf32>
      %add3A_656 = arith.constant 640 : i32
      %add3A_657 = arith.addi %add3A_656, %scan3A_639 : i32
      %add3A_658 = arith.constant 64 : i32
      %add3A_659 = arith.addi %add3A_657, %add3A_658 : i32
      %get3A_660 = arith.index_cast %add3A_659 : i32 to index
      %get3A_661 = arith.constant 0 : index
      %get3A_662 = tpu.vector_load %arg4[%get3A_660, %get3A_661] {strides = array<i32>} : memref<1023x16xf32, #tpu.memory_space<vmem>>, vector<1x16xf32>,
      %get3A_663 = vector.shape_cast %get3A_662 : vector<1x16xf32> to vector<16xf32>
      %add3A_664 = arith.addf %add3A_628, %get3A_663 : vector<16xf32>
      %add3A_665 = arith.constant 640 : i32
      %add3A_666 = arith.addi %add3A_665, %scan3A_639 : i32
      %add3A_667 = arith.constant 96 : i32
      %add3A_668 = arith.addi %add3A_666, %add3A_667 : i32
      %get3A_669 = arith.index_cast %add3A_668 : i32 to index
      %get3A_670 = arith.constant 0 : index
      %get3A_671 = tpu.vector_load %arg4[%get3A_669, %get3A_670] {strides = array<i32>} : memref<1023x16xf32, #tpu.memory_space<vmem>>, vector<1x16xf32>,
      %get3A_672 = vector.shape_cast %get3A_671 : vector<1x16xf32> to vector<16xf32>
      %add3A_673 = arith.addf %add3A_637, %get3A_672 : vector<16xf32>
      %scan3A_674 = arith.constant 2 : i32
      %scan3A_675 = arith.addi %scan3A_599, %scan3A_674 : i32
      %add3A_676 = arith.constant 640 : i32
      %add3A_677 = arith.addi %add3A_676, %scan3A_675 : i32
      %get3A_678 = arith.index_cast %add3A_677 : i32 to index
      %get3A_679 = arith.constant 0 : index
      %get3A_680 = tpu.vector_load %arg4[%get3A_678, %get3A_679] {strides = array<i32>} : memref<1023x16xf32, #tpu.memory_space<vmem>>, vector<1x16xf32>,
      %get3A_681 = vector.shape_cast %get3A_680 : vector<1x16xf32> to vector<16xf32>
      %add3A_682 = arith.addf %add3A_646, %get3A_681 : vector<16xf32>
      %add3A_683 = arith.constant 640 : i32
      %add3A_684 = arith.addi %add3A_683, %scan3A_675 : i32
      %add3A_685 = arith.constant 32 : i32
      %add3A_686 = arith.addi %add3A_684, %add3A_685 : i32
      %get3A_687 = arith.index_cast %add3A_686 : i32 to index
      %get3A_688 = arith.constant 0 : index
      %get3A_689 = tpu.vector_load %arg4[%get3A_687, %get3A_688] {strides = array<i32>} : memref<1023x16xf32, #tpu.memory_space<vmem>>, vector<1x16xf32>,
      %get3A_690 = vector.shape_cast %get3A_689 : vector<1x16xf32> to vector<16xf32>
      %add3A_691 = arith.addf %add3A_655, %get3A_690 : vector<16xf32>
      %add3A_692 = arith.constant 640 : i32
      %add3A_693 = arith.addi %add3A_692, %scan3A_675 : i32
      %add3A_694 = arith.constant 64 : i32
      %add3A_695 = arith.addi %add3A_693, %add3A_694 : i32
      %get3A_696 = arith.index_cast %add3A_695 : i32 to index
      %get3A_697 = arith.constant 0 : index
      %get3A_698 = tpu.vector_load %arg4[%get3A_696, %get3A_697] {strides = array<i32>} : memref<1023x16xf32, #tpu.memory_space<vmem>>, vector<1x16xf32>,
      %get3A_699 = vector.shape_cast %get3A_698 : vector<1x16xf32> to vector<16xf32>
      %add3A_700 = arith.addf %add3A_664, %get3A_699 : vector<16xf32>
      %add3A_701 = arith.constant 640 : i32
      %add3A_702 = arith.addi %add3A_701, %scan3A_675 : i32
      %add3A_703 = arith.constant 96 : i32
      %add3A_704 = arith.addi %add3A_702, %add3A_703 : i32
      %get3A_705 = arith.index_cast %add3A_704 : i32 to index
      %get3A_706 = arith.constant 0 : index
      %get3A_707 = tpu.vector_load %arg4[%get3A_705, %get3A_706] {strides = array<i32>} : memref<1023x16xf32, #tpu.memory_space<vmem>>, vector<1x16xf32>,
      %get3A_708 = vector.shape_cast %get3A_707 : vector<1x16xf32> to vector<16xf32>
      %add3A_709 = arith.addf %add3A_673, %get3A_708 : vector<16xf32>
      %scan3A_710 = arith.constant 3 : i32
      %scan3A_711 = arith.addi %scan3A_599, %scan3A_710 : i32
      %add3A_712 = arith.constant 640 : i32
      %add3A_713 = arith.addi %add3A_712, %scan3A_711 : i32
      %get3A_714 = arith.index_cast %add3A_713 : i32 to index
      %get3A_715 = arith.constant 0 : index
      %get3A_716 = tpu.vector_load %arg4[%get3A_714, %get3A_715] {strides = array<i32>} : memref<1023x16xf32, #tpu.memory_space<vmem>>, vector<1x16xf32>,
      %get3A_717 = vector.shape_cast %get3A_716 : vector<1x16xf32> to vector<16xf32>
      %add3A_718 = arith.addf %add3A_682, %get3A_717 : vector<16xf32>
      %add3A_719 = arith.constant 640 : i32
      %add3A_720 = arith.addi %add3A_719, %scan3A_711 : i32
      %add3A_721 = arith.constant 32 : i32
      %add3A_722 = arith.addi %add3A_720, %add3A_721 : i32
      %get3A_723 = arith.index_cast %add3A_722 : i32 to index
      %get3A_724 = arith.constant 0 : index
      %get3A_725 = tpu.vector_load %arg4[%get3A_723, %get3A_724] {strides = array<i32>} : memref<1023x16xf32, #tpu.memory_space<vmem>>, vector<1x16xf32>,
      %get3A_726 = vector.shape_cast %get3A_725 : vector<1x16xf32> to vector<16xf32>
      %add3A_727 = arith.addf %add3A_691, %get3A_726 : vector<16xf32>
      %add3A_728 = arith.constant 640 : i32
      %add3A_729 = arith.addi %add3A_728, %scan3A_711 : i32
      %add3A_730 = arith.constant 64 : i32
      %add3A_731 = arith.addi %add3A_729, %add3A_730 : i32
      %get3A_732 = arith.index_cast %add3A_731 : i32 to index
      %get3A_733 = arith.constant 0 : index
      %get3A_734 = tpu.vector_load %arg4[%get3A_732, %get3A_733] {strides = array<i32>} : memref<1023x16xf32, #tpu.memory_space<vmem>>, vector<1x16xf32>,
      %get3A_735 = vector.shape_cast %get3A_734 : vector<1x16xf32> to vector<16xf32>
      %add3A_736 = arith.addf %add3A_700, %get3A_735 : vector<16xf32>
      %add3A_737 = arith.constant 640 : i32
      %add3A_738 = arith.addi %add3A_737, %scan3A_711 : i32
      %add3A_739 = arith.constant 96 : i32
      %add3A_740 = arith.addi %add3A_738, %add3A_739 : i32
      %get3A_741 = arith.index_cast %add3A_740 : i32 to index
      %get3A_742 = arith.constant 0 : index
      %get3A_743 = tpu.vector_load %arg4[%get3A_741, %get3A_742] {strides = array<i32>} : memref<1023x16xf32, #tpu.memory_space<vmem>>, vector<1x16xf32>,
      %get3A_744 = vector.shape_cast %get3A_743 : vector<1x16xf32> to vector<16xf32>
      %add3A_745 = arith.addf %add3A_709, %get3A_744 : vector<16xf32>
      %scan3A_746 = arith.constant 4 : i32
      %scan3A_747 = arith.addi %scan3A_599, %scan3A_746 : i32
      %add3A_748 = arith.constant 640 : i32
      %add3A_749 = arith.addi %add3A_748, %scan3A_747 : i32
      %get3A_750 = arith.index_cast %add3A_749 : i32 to index
      %get3A_751 = arith.constant 0 : index
      %get3A_752 = tpu.vector_load %arg4[%get3A_750, %get3A_751] {strides = array<i32>} : memref<1023x16xf32, #tpu.memory_space<vmem>>, vector<1x16xf32>,
      %get3A_753 = vector.shape_cast %get3A_752 : vector<1x16xf32> to vector<16xf32>
      %add3A_754 = arith.addf %add3A_718, %get3A_753 : vector<16xf32>
      %add3A_755 = arith.constant 640 : i32
      %add3A_756 = arith.addi %add3A_755, %scan3A_747 : i32
      %add3A_757 = arith.constant 32 : i32
      %add3A_758 = arith.addi %add3A_756, %add3A_757 : i32
      %get3A_759 = arith.index_cast %add3A_758 : i32 to index
      %get3A_760 = arith.constant 0 : index
      %get3A_761 = tpu.vector_load %arg4[%get3A_759, %get3A_760] {strides = array<i32>} : memref<1023x16xf32, #tpu.memory_space<vmem>>, vector<1x16xf32>,
      %get3A_762 = vector.shape_cast %get3A_761 : vector<1x16xf32> to vector<16xf32>
      %add3A_763 = arith.addf %add3A_727, %get3A_762 : vector<16xf32>
      %add3A_764 = arith.constant 640 : i32
      %add3A_765 = arith.addi %add3A_764, %scan3A_747 : i32
      %add3A_766 = arith.constant 64 : i32
      %add3A_767 = arith.addi %add3A_765, %add3A_766 : i32
      %get3A_768 = arith.index_cast %add3A_767 : i32 to index
      %get3A_769 = arith.constant 0 : index
      %get3A_770 = tpu.vector_load %arg4[%get3A_768, %get3A_769] {strides = array<i32>} : memref<1023x16xf32, #tpu.memory_space<vmem>>, vector<1x16xf32>,
      %get3A_771 = vector.shape_cast %get3A_770 : vector<1x16xf32> to vector<16xf32>
      %add3A_772 = arith.addf %add3A_736, %get3A_771 : vector<16xf32>
      %add3A_773 = arith.constant 640 : i32
      %add3A_774 = arith.addi %add3A_773, %scan3A_747 : i32
      %add3A_775 = arith.constant 96 : i32
      %add3A_776 = arith.addi %add3A_774, %add3A_775 : i32
      %get3A_777 = arith.index_cast %add3A_776 : i32 to index
      %get3A_778 = arith.constant 0 : index
      %get3A_779 = tpu.vector_load %arg4[%get3A_777, %get3A_778] {strides = array<i32>} : memref<1023x16xf32, #tpu.memory_space<vmem>>, vector<1x16xf32>,
      %get3A_780 = vector.shape_cast %get3A_779 : vector<1x16xf32> to vector<16xf32>
      %add3A_781 = arith.addf %add3A_745, %get3A_780 : vector<16xf32>
      %scan3A_782 = arith.constant 5 : i32
      %scan3A_783 = arith.addi %scan3A_599, %scan3A_782 : i32
      %add3A_784 = arith.constant 640 : i32
      %add3A_785 = arith.addi %add3A_784, %scan3A_783 : i32
      %get3A_786 = arith.index_cast %add3A_785 : i32 to index
      %get3A_787 = arith.constant 0 : index
      %get3A_788 = tpu.vector_load %arg4[%get3A_786, %get3A_787] {strides = array<i32>} : memref<1023x16xf32, #tpu.memory_space<vmem>>, vector<1x16xf32>,
      %get3A_789 = vector.shape_cast %get3A_788 : vector<1x16xf32> to vector<16xf32>
      %add3A_790 = arith.addf %add3A_754, %get3A_789 : vector<16xf32>
      %add3A_791 = arith.constant 640 : i32
      %add3A_792 = arith.addi %add3A_791, %scan3A_783 : i32
      %add3A_793 = arith.constant 32 : i32
      %add3A_794 = arith.addi %add3A_792, %add3A_793 : i32
      %get3A_795 = arith.index_cast %add3A_794 : i32 to index
      %get3A_796 = arith.constant 0 : index
      %get3A_797 = tpu.vector_load %arg4[%get3A_795, %get3A_796] {strides = array<i32>} : memref<1023x16xf32, #tpu.memory_space<vmem>>, vector<1x16xf32>,
      %get3A_798 = vector.shape_cast %get3A_797 : vector<1x16xf32> to vector<16xf32>
      %add3A_799 = arith.addf %add3A_763, %get3A_798 : vector<16xf32>
      %add3A_800 = arith.constant 640 : i32
      %add3A_801 = arith.addi %add3A_800, %scan3A_783 : i32
      %add3A_802 = arith.constant 64 : i32
      %add3A_803 = arith.addi %add3A_801, %add3A_802 : i32
      %get3A_804 = arith.index_cast %add3A_803 : i32 to index
      %get3A_805 = arith.constant 0 : index
      %get3A_806 = tpu.vector_load %arg4[%get3A_804, %get3A_805] {strides = array<i32>} : memref<1023x16xf32, #tpu.memory_space<vmem>>, vector<1x16xf32>,
      %get3A_807 = vector.shape_cast %get3A_806 : vector<1x16xf32> to vector<16xf32>
      %add3A_808 = arith.addf %add3A_772, %get3A_807 : vector<16xf32>
      %add3A_809 = arith.constant 640 : i32
      %add3A_810 = arith.addi %add3A_809, %scan3A_783 : i32
      %add3A_811 = arith.constant 96 : i32
      %add3A_812 = arith.addi %add3A_810, %add3A_811 : i32
      %get3A_813 = arith.index_cast %add3A_812 : i32 to index
      %get3A_814 = arith.constant 0 : index
      %get3A_815 = tpu.vector_load %arg4[%get3A_813, %get3A_814] {strides = array<i32>} : memref<1023x16xf32, #tpu.memory_space<vmem>>, vector<1x16xf32>,
      %get3A_816 = vector.shape_cast %get3A_815 : vector<1x16xf32> to vector<16xf32>
      %add3A_817 = arith.addf %add3A_781, %get3A_816 : vector<16xf32>
      %scan3A_818 = arith.constant 6 : i32
      %scan3A_819 = arith.addi %scan3A_599, %scan3A_818 : i32
      %add3A_820 = arith.constant 640 : i32
      %add3A_821 = arith.addi %add3A_820, %scan3A_819 : i32
      %get3A_822 = arith.index_cast %add3A_821 : i32 to index
      %get3A_823 = arith.constant 0 : index
      %get3A_824 = tpu.vector_load %arg4[%get3A_822, %get3A_823] {strides = array<i32>} : memref<1023x16xf32, #tpu.memory_space<vmem>>, vector<1x16xf32>,
      %get3A_825 = vector.shape_cast %get3A_824 : vector<1x16xf32> to vector<16xf32>
      %add3A_826 = arith.addf %add3A_790, %get3A_825 : vector<16xf32>
      %add3A_827 = arith.constant 640 : i32
      %add3A_828 = arith.addi %add3A_827, %scan3A_819 : i32
      %add3A_829 = arith.constant 32 : i32
      %add3A_830 = arith.addi %add3A_828, %add3A_829 : i32
      %get3A_831 = arith.index_cast %add3A_830 : i32 to index
      %get3A_832 = arith.constant 0 : index
      %get3A_833 = tpu.vector_load %arg4[%get3A_831, %get3A_832] {strides = array<i32>} : memref<1023x16xf32, #tpu.memory_space<vmem>>, vector<1x16xf32>,
      %get3A_834 = vector.shape_cast %get3A_833 : vector<1x16xf32> to vector<16xf32>
      %add3A_835 = arith.addf %add3A_799, %get3A_834 : vector<16xf32>
      %add3A_836 = arith.constant 640 : i32
      %add3A_837 = arith.addi %add3A_836, %scan3A_819 : i32
      %add3A_838 = arith.constant 64 : i32
      %add3A_839 = arith.addi %add3A_837, %add3A_838 : i32
      %get3A_840 = arith.index_cast %add3A_839 : i32 to index
      %get3A_841 = arith.constant 0 : index
      %get3A_842 = tpu.vector_load %arg4[%get3A_840, %get3A_841] {strides = array<i32>} : memref<1023x16xf32, #tpu.memory_space<vmem>>, vector<1x16xf32>,
      %get3A_843 = vector.shape_cast %get3A_842 : vector<1x16xf32> to vector<16xf32>
      %add3A_844 = arith.addf %add3A_808, %get3A_843 : vector<16xf32>
      %add3A_845 = arith.constant 640 : i32
      %add3A_846 = arith.addi %add3A_845, %scan3A_819 : i32
      %add3A_847 = arith.constant 96 : i32
      %add3A_848 = arith.addi %add3A_846, %add3A_847 : i32
      %get3A_849 = arith.index_cast %add3A_848 : i32 to index
      %get3A_850 = arith.constant 0 : index
      %get3A_851 = tpu.vector_load %arg4[%get3A_849, %get3A_850] {strides = array<i32>} : memref<1023x16xf32, #tpu.memory_space<vmem>>, vector<1x16xf32>,
      %get3A_852 = vector.shape_cast %get3A_851 : vector<1x16xf32> to vector<16xf32>
      %add3A_853 = arith.addf %add3A_817, %get3A_852 : vector<16xf32>
      %scan3A_854 = arith.constant 7 : i32
      %scan3A_855 = arith.addi %scan3A_599, %scan3A_854 : i32
      %add3A_856 = arith.constant 640 : i32
      %add3A_857 = arith.addi %add3A_856, %scan3A_855 : i32
      %get3A_858 = arith.index_cast %add3A_857 : i32 to index
      %get3A_859 = arith.constant 0 : index
      %get3A_860 = tpu.vector_load %arg4[%get3A_858, %get3A_859] {strides = array<i32>} : memref<1023x16xf32, #tpu.memory_space<vmem>>, vector<1x16xf32>,
      %get3A_861 = vector.shape_cast %get3A_860 : vector<1x16xf32> to vector<16xf32>
      %add3A_862 = arith.addf %add3A_826, %get3A_861 : vector<16xf32>
      %add3A_863 = arith.constant 640 : i32
      %add3A_864 = arith.addi %add3A_863, %scan3A_855 : i32
      %add3A_865 = arith.constant 32 : i32
      %add3A_866 = arith.addi %add3A_864, %add3A_865 : i32
      %get3A_867 = arith.index_cast %add3A_866 : i32 to index
      %get3A_868 = arith.constant 0 : index
      %get3A_869 = tpu.vector_load %arg4[%get3A_867, %get3A_868] {strides = array<i32>} : memref<1023x16xf32, #tpu.memory_space<vmem>>, vector<1x16xf32>,
      %get3A_870 = vector.shape_cast %get3A_869 : vector<1x16xf32> to vector<16xf32>
      %add3A_871 = arith.addf %add3A_835, %get3A_870 : vector<16xf32>
      %add3A_872 = arith.constant 640 : i32
      %add3A_873 = arith.addi %add3A_872, %scan3A_855 : i32
      %add3A_874 = arith.constant 64 : i32
      %add3A_875 = arith.addi %add3A_873, %add3A_874 : i32
      %get3A_876 = arith.index_cast %add3A_875 : i32 to index
      %get3A_877 = arith.constant 0 : index
      %get3A_878 = tpu.vector_load %arg4[%get3A_876, %get3A_877] {strides = array<i32>} : memref<1023x16xf32, #tpu.memory_space<vmem>>, vector<1x16xf32>,
      %get3A_879 = vector.shape_cast %get3A_878 : vector<1x16xf32> to vector<16xf32>
      %add3A_880 = arith.addf %add3A_844, %get3A_879 : vector<16xf32>
      %add3A_881 = arith.constant 640 : i32
      %add3A_882 = arith.addi %add3A_881, %scan3A_855 : i32
      %add3A_883 = arith.constant 96 : i32
      %add3A_884 = arith.addi %add3A_882, %add3A_883 : i32
      %get3A_885 = arith.index_cast %add3A_884 : i32 to index
      %get3A_886 = arith.constant 0 : index
      %get3A_887 = tpu.vector_load %arg4[%get3A_885, %get3A_886] {strides = array<i32>} : memref<1023x16xf32, #tpu.memory_space<vmem>>, vector<1x16xf32>,
      %get3A_888 = vector.shape_cast %get3A_887 : vector<1x16xf32> to vector<16xf32>
      %add3A_889 = arith.addf %add3A_853, %get3A_888 : vector<16xf32>
      scf.yield %add3A_862, %add3A_871, %add3A_880, %add3A_889 : vector<16xf32>, vector<16xf32>, vector<16xf32>, vector<16xf32>
    }
    %scan3A_191 = arith.constant 32 : i32
    %add3A_192 = arith.addf %scan3A_190#0, %scan3A_190#1 : vector<16xf32>
    %add3A_193 = arith.addf %scan3A_190#2, %scan3A_190#3 : vector<16xf32>
    %add3A_194 = arith.addf %add3A_192, %add3A_193 : vector<16xf32>
    %dma_wait3A_195 = arith.constant 768 : i32
    %dma_wait3A_196 = arith.constant 0 : i32
    %dma_wait3A_197 = tpu.memref_slice %arg4[%dma_wait3A_195, %dma_wait3A_196] : memref<1023x16xf32, #tpu.memory_space<vmem>> -> memref<128x16xf32, #tpu.memory_space<vmem>>
    %dma_wait3A_198 = arith.constant 768 : i32
    %dma_wait3A_199 = tpu.memref_slice %arg2[%dma_wait3A_198, %mul3A_2] : memref<1023x512xf32, #tpu.memory_space<hbm>> -> memref<128x16xf32, #tpu.memory_space<hbm>>
    %dma_wait3A_200 = arith.constant 768 : i32
    %dma_wait3A_201 = arith.constant 0 : i32
    %dma_wait3A_202 = tpu.memref_slice %arg4[%dma_wait3A_200, %dma_wait3A_201] : memref<1023x16xf32, #tpu.memory_space<vmem>> -> memref<128x16xf32, #tpu.memory_space<vmem>>
    %dma_wait3A_203 = arith.constant 768 : i32
    %dma_wait3A_204 = tpu.memref_slice %arg2[%dma_wait3A_203, %mul3A_2] : memref<1023x512xf32, #tpu.memory_space<hbm>> -> memref<128x16xf32, #tpu.memory_space<hbm>>
    tpu.wait_dma2 semaphore(%arg6 : memref<!tpu.dma_semaphore, #tpu.memory_space<semaphore_mem>>) src(%dma_wait3A_204 : memref<128x16xf32, #tpu.memory_space<hbm>>) dst(%dma_wait3A_202 : memref<128x16xf32, #tpu.memory_space<vmem>>)
    %scan3A_205 = arith.constant 0 : i32
    %scan3A_206 = arith.constant 32 : i32
    %scan3A_207 = arith.addi %scan3A_205, %scan3A_206 : i32
    %scan3A_208 = arith.constant 8 : i32
    %scan3A_209:4 = scf.for %scan3A_599 = %scan3A_205 to %scan3A_207 step %scan3A_208 iter_args(%scan3A_600 = %broadcast_in_dim3A_82, %scan3A_601 = %broadcast_in_dim3A_82, %scan3A_602 = %broadcast_in_dim3A_82, %scan3A_603 = %broadcast_in_dim3A_82) -> (vector<16xf32>, vector<16xf32>, vector<16xf32>, vector<16xf32>)  : i32 {
      %add3A_604 = arith.constant 768 : i32
      %add3A_605 = arith.addi %add3A_604, %scan3A_599 : i32
      %get3A_606 = arith.index_cast %add3A_605 : i32 to index
      %get3A_607 = arith.constant 0 : index
      %get3A_608 = tpu.vector_load %arg4[%get3A_606, %get3A_607] {strides = array<i32>} : memref<1023x16xf32, #tpu.memory_space<vmem>>, vector<1x16xf32>,
      %get3A_609 = vector.shape_cast %get3A_608 : vector<1x16xf32> to vector<16xf32>
      %add3A_610 = arith.addf %scan3A_600, %get3A_609 : vector<16xf32>
      %add3A_611 = arith.constant 768 : i32
      %add3A_612 = arith.addi %add3A_611, %scan3A_599 : i32
      %add3A_613 = arith.constant 32 : i32
      %add3A_614 = arith.addi %add3A_612, %add3A_613 : i32
      %get3A_615 = arith.index_cast %add3A_614 : i32 to index
      %get3A_616 = arith.constant 0 : index
      %get3A_617 = tpu.vector_load %arg4[%get3A_615, %get3A_616] {strides = array<i32>} : memref<1023x16xf32, #tpu.memory_space<vmem>>, vector<1x16xf32>,
      %get3A_618 = vector.shape_cast %get3A_617 : vector<1x16xf32> to vector<16xf32>
      %add3A_619 = arith.addf %scan3A_601, %get3A_618 : vector<16xf32>
      %add3A_620 = arith.constant 768 : i32
      %add3A_621 = arith.addi %add3A_620, %scan3A_599 : i32
      %add3A_622 = arith.constant 64 : i32
      %add3A_623 = arith.addi %add3A_621, %add3A_622 : i32
      %get3A_624 = arith.index_cast %add3A_623 : i32 to index
      %get3A_625 = arith.constant 0 : index
      %get3A_626 = tpu.vector_load %arg4[%get3A_624, %get3A_625] {strides = array<i32>} : memref<1023x16xf32, #tpu.memory_space<vmem>>, vector<1x16xf32>,
      %get3A_627 = vector.shape_cast %get3A_626 : vector<1x16xf32> to vector<16xf32>
      %add3A_628 = arith.addf %scan3A_602, %get3A_627 : vector<16xf32>
      %add3A_629 = arith.constant 768 : i32
      %add3A_630 = arith.addi %add3A_629, %scan3A_599 : i32
      %add3A_631 = arith.constant 96 : i32
      %add3A_632 = arith.addi %add3A_630, %add3A_631 : i32
      %get3A_633 = arith.index_cast %add3A_632 : i32 to index
      %get3A_634 = arith.constant 0 : index
      %get3A_635 = tpu.vector_load %arg4[%get3A_633, %get3A_634] {strides = array<i32>} : memref<1023x16xf32, #tpu.memory_space<vmem>>, vector<1x16xf32>,
      %get3A_636 = vector.shape_cast %get3A_635 : vector<1x16xf32> to vector<16xf32>
      %add3A_637 = arith.addf %scan3A_603, %get3A_636 : vector<16xf32>
      %scan3A_638 = arith.constant 1 : i32
      %scan3A_639 = arith.addi %scan3A_599, %scan3A_638 : i32
      %add3A_640 = arith.constant 768 : i32
      %add3A_641 = arith.addi %add3A_640, %scan3A_639 : i32
      %get3A_642 = arith.index_cast %add3A_641 : i32 to index
      %get3A_643 = arith.constant 0 : index
      %get3A_644 = tpu.vector_load %arg4[%get3A_642, %get3A_643] {strides = array<i32>} : memref<1023x16xf32, #tpu.memory_space<vmem>>, vector<1x16xf32>,
      %get3A_645 = vector.shape_cast %get3A_644 : vector<1x16xf32> to vector<16xf32>
      %add3A_646 = arith.addf %add3A_610, %get3A_645 : vector<16xf32>
      %add3A_647 = arith.constant 768 : i32
      %add3A_648 = arith.addi %add3A_647, %scan3A_639 : i32
      %add3A_649 = arith.constant 32 : i32
      %add3A_650 = arith.addi %add3A_648, %add3A_649 : i32
      %get3A_651 = arith.index_cast %add3A_650 : i32 to index
      %get3A_652 = arith.constant 0 : index
      %get3A_653 = tpu.vector_load %arg4[%get3A_651, %get3A_652] {strides = array<i32>} : memref<1023x16xf32, #tpu.memory_space<vmem>>, vector<1x16xf32>,
      %get3A_654 = vector.shape_cast %get3A_653 : vector<1x16xf32> to vector<16xf32>
      %add3A_655 = arith.addf %add3A_619, %get3A_654 : vector<16xf32>
      %add3A_656 = arith.constant 768 : i32
      %add3A_657 = arith.addi %add3A_656, %scan3A_639 : i32
      %add3A_658 = arith.constant 64 : i32
      %add3A_659 = arith.addi %add3A_657, %add3A_658 : i32
      %get3A_660 = arith.index_cast %add3A_659 : i32 to index
      %get3A_661 = arith.constant 0 : index
      %get3A_662 = tpu.vector_load %arg4[%get3A_660, %get3A_661] {strides = array<i32>} : memref<1023x16xf32, #tpu.memory_space<vmem>>, vector<1x16xf32>,
      %get3A_663 = vector.shape_cast %get3A_662 : vector<1x16xf32> to vector<16xf32>
      %add3A_664 = arith.addf %add3A_628, %get3A_663 : vector<16xf32>
      %add3A_665 = arith.constant 768 : i32
      %add3A_666 = arith.addi %add3A_665, %scan3A_639 : i32
      %add3A_667 = arith.constant 96 : i32
      %add3A_668 = arith.addi %add3A_666, %add3A_667 : i32
      %get3A_669 = arith.index_cast %add3A_668 : i32 to index
      %get3A_670 = arith.constant 0 : index
      %get3A_671 = tpu.vector_load %arg4[%get3A_669, %get3A_670] {strides = array<i32>} : memref<1023x16xf32, #tpu.memory_space<vmem>>, vector<1x16xf32>,
      %get3A_672 = vector.shape_cast %get3A_671 : vector<1x16xf32> to vector<16xf32>
      %add3A_673 = arith.addf %add3A_637, %get3A_672 : vector<16xf32>
      %scan3A_674 = arith.constant 2 : i32
      %scan3A_675 = arith.addi %scan3A_599, %scan3A_674 : i32
      %add3A_676 = arith.constant 768 : i32
      %add3A_677 = arith.addi %add3A_676, %scan3A_675 : i32
      %get3A_678 = arith.index_cast %add3A_677 : i32 to index
      %get3A_679 = arith.constant 0 : index
      %get3A_680 = tpu.vector_load %arg4[%get3A_678, %get3A_679] {strides = array<i32>} : memref<1023x16xf32, #tpu.memory_space<vmem>>, vector<1x16xf32>,
      %get3A_681 = vector.shape_cast %get3A_680 : vector<1x16xf32> to vector<16xf32>
      %add3A_682 = arith.addf %add3A_646, %get3A_681 : vector<16xf32>
      %add3A_683 = arith.constant 768 : i32
      %add3A_684 = arith.addi %add3A_683, %scan3A_675 : i32
      %add3A_685 = arith.constant 32 : i32
      %add3A_686 = arith.addi %add3A_684, %add3A_685 : i32
      %get3A_687 = arith.index_cast %add3A_686 : i32 to index
      %get3A_688 = arith.constant 0 : index
      %get3A_689 = tpu.vector_load %arg4[%get3A_687, %get3A_688] {strides = array<i32>} : memref<1023x16xf32, #tpu.memory_space<vmem>>, vector<1x16xf32>,
      %get3A_690 = vector.shape_cast %get3A_689 : vector<1x16xf32> to vector<16xf32>
      %add3A_691 = arith.addf %add3A_655, %get3A_690 : vector<16xf32>
      %add3A_692 = arith.constant 768 : i32
      %add3A_693 = arith.addi %add3A_692, %scan3A_675 : i32
      %add3A_694 = arith.constant 64 : i32
      %add3A_695 = arith.addi %add3A_693, %add3A_694 : i32
      %get3A_696 = arith.index_cast %add3A_695 : i32 to index
      %get3A_697 = arith.constant 0 : index
      %get3A_698 = tpu.vector_load %arg4[%get3A_696, %get3A_697] {strides = array<i32>} : memref<1023x16xf32, #tpu.memory_space<vmem>>, vector<1x16xf32>,
      %get3A_699 = vector.shape_cast %get3A_698 : vector<1x16xf32> to vector<16xf32>
      %add3A_700 = arith.addf %add3A_664, %get3A_699 : vector<16xf32>
      %add3A_701 = arith.constant 768 : i32
      %add3A_702 = arith.addi %add3A_701, %scan3A_675 : i32
      %add3A_703 = arith.constant 96 : i32
      %add3A_704 = arith.addi %add3A_702, %add3A_703 : i32
      %get3A_705 = arith.index_cast %add3A_704 : i32 to index
      %get3A_706 = arith.constant 0 : index
      %get3A_707 = tpu.vector_load %arg4[%get3A_705, %get3A_706] {strides = array<i32>} : memref<1023x16xf32, #tpu.memory_space<vmem>>, vector<1x16xf32>,
      %get3A_708 = vector.shape_cast %get3A_707 : vector<1x16xf32> to vector<16xf32>
      %add3A_709 = arith.addf %add3A_673, %get3A_708 : vector<16xf32>
      %scan3A_710 = arith.constant 3 : i32
      %scan3A_711 = arith.addi %scan3A_599, %scan3A_710 : i32
      %add3A_712 = arith.constant 768 : i32
      %add3A_713 = arith.addi %add3A_712, %scan3A_711 : i32
      %get3A_714 = arith.index_cast %add3A_713 : i32 to index
      %get3A_715 = arith.constant 0 : index
      %get3A_716 = tpu.vector_load %arg4[%get3A_714, %get3A_715] {strides = array<i32>} : memref<1023x16xf32, #tpu.memory_space<vmem>>, vector<1x16xf32>,
      %get3A_717 = vector.shape_cast %get3A_716 : vector<1x16xf32> to vector<16xf32>
      %add3A_718 = arith.addf %add3A_682, %get3A_717 : vector<16xf32>
      %add3A_719 = arith.constant 768 : i32
      %add3A_720 = arith.addi %add3A_719, %scan3A_711 : i32
      %add3A_721 = arith.constant 32 : i32
      %add3A_722 = arith.addi %add3A_720, %add3A_721 : i32
      %get3A_723 = arith.index_cast %add3A_722 : i32 to index
      %get3A_724 = arith.constant 0 : index
      %get3A_725 = tpu.vector_load %arg4[%get3A_723, %get3A_724] {strides = array<i32>} : memref<1023x16xf32, #tpu.memory_space<vmem>>, vector<1x16xf32>,
      %get3A_726 = vector.shape_cast %get3A_725 : vector<1x16xf32> to vector<16xf32>
      %add3A_727 = arith.addf %add3A_691, %get3A_726 : vector<16xf32>
      %add3A_728 = arith.constant 768 : i32
      %add3A_729 = arith.addi %add3A_728, %scan3A_711 : i32
      %add3A_730 = arith.constant 64 : i32
      %add3A_731 = arith.addi %add3A_729, %add3A_730 : i32
      %get3A_732 = arith.index_cast %add3A_731 : i32 to index
      %get3A_733 = arith.constant 0 : index
      %get3A_734 = tpu.vector_load %arg4[%get3A_732, %get3A_733] {strides = array<i32>} : memref<1023x16xf32, #tpu.memory_space<vmem>>, vector<1x16xf32>,
      %get3A_735 = vector.shape_cast %get3A_734 : vector<1x16xf32> to vector<16xf32>
      %add3A_736 = arith.addf %add3A_700, %get3A_735 : vector<16xf32>
      %add3A_737 = arith.constant 768 : i32
      %add3A_738 = arith.addi %add3A_737, %scan3A_711 : i32
      %add3A_739 = arith.constant 96 : i32
      %add3A_740 = arith.addi %add3A_738, %add3A_739 : i32
      %get3A_741 = arith.index_cast %add3A_740 : i32 to index
      %get3A_742 = arith.constant 0 : index
      %get3A_743 = tpu.vector_load %arg4[%get3A_741, %get3A_742] {strides = array<i32>} : memref<1023x16xf32, #tpu.memory_space<vmem>>, vector<1x16xf32>,
      %get3A_744 = vector.shape_cast %get3A_743 : vector<1x16xf32> to vector<16xf32>
      %add3A_745 = arith.addf %add3A_709, %get3A_744 : vector<16xf32>
      %scan3A_746 = arith.constant 4 : i32
      %scan3A_747 = arith.addi %scan3A_599, %scan3A_746 : i32
      %add3A_748 = arith.constant 768 : i32
      %add3A_749 = arith.addi %add3A_748, %scan3A_747 : i32
      %get3A_750 = arith.index_cast %add3A_749 : i32 to index
      %get3A_751 = arith.constant 0 : index
      %get3A_752 = tpu.vector_load %arg4[%get3A_750, %get3A_751] {strides = array<i32>} : memref<1023x16xf32, #tpu.memory_space<vmem>>, vector<1x16xf32>,
      %get3A_753 = vector.shape_cast %get3A_752 : vector<1x16xf32> to vector<16xf32>
      %add3A_754 = arith.addf %add3A_718, %get3A_753 : vector<16xf32>
      %add3A_755 = arith.constant 768 : i32
      %add3A_756 = arith.addi %add3A_755, %scan3A_747 : i32
      %add3A_757 = arith.constant 32 : i32
      %add3A_758 = arith.addi %add3A_756, %add3A_757 : i32
      %get3A_759 = arith.index_cast %add3A_758 : i32 to index
      %get3A_760 = arith.constant 0 : index
      %get3A_761 = tpu.vector_load %arg4[%get3A_759, %get3A_760] {strides = array<i32>} : memref<1023x16xf32, #tpu.memory_space<vmem>>, vector<1x16xf32>,
      %get3A_762 = vector.shape_cast %get3A_761 : vector<1x16xf32> to vector<16xf32>
      %add3A_763 = arith.addf %add3A_727, %get3A_762 : vector<16xf32>
      %add3A_764 = arith.constant 768 : i32
      %add3A_765 = arith.addi %add3A_764, %scan3A_747 : i32
      %add3A_766 = arith.constant 64 : i32
      %add3A_767 = arith.addi %add3A_765, %add3A_766 : i32
      %get3A_768 = arith.index_cast %add3A_767 : i32 to index
      %get3A_769 = arith.constant 0 : index
      %get3A_770 = tpu.vector_load %arg4[%get3A_768, %get3A_769] {strides = array<i32>} : memref<1023x16xf32, #tpu.memory_space<vmem>>, vector<1x16xf32>,
      %get3A_771 = vector.shape_cast %get3A_770 : vector<1x16xf32> to vector<16xf32>
      %add3A_772 = arith.addf %add3A_736, %get3A_771 : vector<16xf32>
      %add3A_773 = arith.constant 768 : i32
      %add3A_774 = arith.addi %add3A_773, %scan3A_747 : i32
      %add3A_775 = arith.constant 96 : i32
      %add3A_776 = arith.addi %add3A_774, %add3A_775 : i32
      %get3A_777 = arith.index_cast %add3A_776 : i32 to index
      %get3A_778 = arith.constant 0 : index
      %get3A_779 = tpu.vector_load %arg4[%get3A_777, %get3A_778] {strides = array<i32>} : memref<1023x16xf32, #tpu.memory_space<vmem>>, vector<1x16xf32>,
      %get3A_780 = vector.shape_cast %get3A_779 : vector<1x16xf32> to vector<16xf32>
      %add3A_781 = arith.addf %add3A_745, %get3A_780 : vector<16xf32>
      %scan3A_782 = arith.constant 5 : i32
      %scan3A_783 = arith.addi %scan3A_599, %scan3A_782 : i32
      %add3A_784 = arith.constant 768 : i32
      %add3A_785 = arith.addi %add3A_784, %scan3A_783 : i32
      %get3A_786 = arith.index_cast %add3A_785 : i32 to index
      %get3A_787 = arith.constant 0 : index
      %get3A_788 = tpu.vector_load %arg4[%get3A_786, %get3A_787] {strides = array<i32>} : memref<1023x16xf32, #tpu.memory_space<vmem>>, vector<1x16xf32>,
      %get3A_789 = vector.shape_cast %get3A_788 : vector<1x16xf32> to vector<16xf32>
      %add3A_790 = arith.addf %add3A_754, %get3A_789 : vector<16xf32>
      %add3A_791 = arith.constant 768 : i32
      %add3A_792 = arith.addi %add3A_791, %scan3A_783 : i32
      %add3A_793 = arith.constant 32 : i32
      %add3A_794 = arith.addi %add3A_792, %add3A_793 : i32
      %get3A_795 = arith.index_cast %add3A_794 : i32 to index
      %get3A_796 = arith.constant 0 : index
      %get3A_797 = tpu.vector_load %arg4[%get3A_795, %get3A_796] {strides = array<i32>} : memref<1023x16xf32, #tpu.memory_space<vmem>>, vector<1x16xf32>,
      %get3A_798 = vector.shape_cast %get3A_797 : vector<1x16xf32> to vector<16xf32>
      %add3A_799 = arith.addf %add3A_763, %get3A_798 : vector<16xf32>
      %add3A_800 = arith.constant 768 : i32
      %add3A_801 = arith.addi %add3A_800, %scan3A_783 : i32
      %add3A_802 = arith.constant 64 : i32
      %add3A_803 = arith.addi %add3A_801, %add3A_802 : i32
      %get3A_804 = arith.index_cast %add3A_803 : i32 to index
      %get3A_805 = arith.constant 0 : index
      %get3A_806 = tpu.vector_load %arg4[%get3A_804, %get3A_805] {strides = array<i32>} : memref<1023x16xf32, #tpu.memory_space<vmem>>, vector<1x16xf32>,
      %get3A_807 = vector.shape_cast %get3A_806 : vector<1x16xf32> to vector<16xf32>
      %add3A_808 = arith.addf %add3A_772, %get3A_807 : vector<16xf32>
      %add3A_809 = arith.constant 768 : i32
      %add3A_810 = arith.addi %add3A_809, %scan3A_783 : i32
      %add3A_811 = arith.constant 96 : i32
      %add3A_812 = arith.addi %add3A_810, %add3A_811 : i32
      %get3A_813 = arith.index_cast %add3A_812 : i32 to index
      %get3A_814 = arith.constant 0 : index
      %get3A_815 = tpu.vector_load %arg4[%get3A_813, %get3A_814] {strides = array<i32>} : memref<1023x16xf32, #tpu.memory_space<vmem>>, vector<1x16xf32>,
      %get3A_816 = vector.shape_cast %get3A_815 : vector<1x16xf32> to vector<16xf32>
      %add3A_817 = arith.addf %add3A_781, %get3A_816 : vector<16xf32>
      %scan3A_818 = arith.constant 6 : i32
      %scan3A_819 = arith.addi %scan3A_599, %scan3A_818 : i32
      %add3A_820 = arith.constant 768 : i32
      %add3A_821 = arith.addi %add3A_820, %scan3A_819 : i32
      %get3A_822 = arith.index_cast %add3A_821 : i32 to index
      %get3A_823 = arith.constant 0 : index
      %get3A_824 = tpu.vector_load %arg4[%get3A_822, %get3A_823] {strides = array<i32>} : memref<1023x16xf32, #tpu.memory_space<vmem>>, vector<1x16xf32>,
      %get3A_825 = vector.shape_cast %get3A_824 : vector<1x16xf32> to vector<16xf32>
      %add3A_826 = arith.addf %add3A_790, %get3A_825 : vector<16xf32>
      %add3A_827 = arith.constant 768 : i32
      %add3A_828 = arith.addi %add3A_827, %scan3A_819 : i32
      %add3A_829 = arith.constant 32 : i32
      %add3A_830 = arith.addi %add3A_828, %add3A_829 : i32
      %get3A_831 = arith.index_cast %add3A_830 : i32 to index
      %get3A_832 = arith.constant 0 : index
      %get3A_833 = tpu.vector_load %arg4[%get3A_831, %get3A_832] {strides = array<i32>} : memref<1023x16xf32, #tpu.memory_space<vmem>>, vector<1x16xf32>,
      %get3A_834 = vector.shape_cast %get3A_833 : vector<1x16xf32> to vector<16xf32>
      %add3A_835 = arith.addf %add3A_799, %get3A_834 : vector<16xf32>
      %add3A_836 = arith.constant 768 : i32
      %add3A_837 = arith.addi %add3A_836, %scan3A_819 : i32
      %add3A_838 = arith.constant 64 : i32
      %add3A_839 = arith.addi %add3A_837, %add3A_838 : i32
      %get3A_840 = arith.index_cast %add3A_839 : i32 to index
      %get3A_841 = arith.constant 0 : index
      %get3A_842 = tpu.vector_load %arg4[%get3A_840, %get3A_841] {strides = array<i32>} : memref<1023x16xf32, #tpu.memory_space<vmem>>, vector<1x16xf32>,
      %get3A_843 = vector.shape_cast %get3A_842 : vector<1x16xf32> to vector<16xf32>
      %add3A_844 = arith.addf %add3A_808, %get3A_843 : vector<16xf32>
      %add3A_845 = arith.constant 768 : i32
      %add3A_846 = arith.addi %add3A_845, %scan3A_819 : i32
      %add3A_847 = arith.constant 96 : i32
      %add3A_848 = arith.addi %add3A_846, %add3A_847 : i32
      %get3A_849 = arith.index_cast %add3A_848 : i32 to index
      %get3A_850 = arith.constant 0 : index
      %get3A_851 = tpu.vector_load %arg4[%get3A_849, %get3A_850] {strides = array<i32>} : memref<1023x16xf32, #tpu.memory_space<vmem>>, vector<1x16xf32>,
      %get3A_852 = vector.shape_cast %get3A_851 : vector<1x16xf32> to vector<16xf32>
      %add3A_853 = arith.addf %add3A_817, %get3A_852 : vector<16xf32>
      %scan3A_854 = arith.constant 7 : i32
      %scan3A_855 = arith.addi %scan3A_599, %scan3A_854 : i32
      %add3A_856 = arith.constant 768 : i32
      %add3A_857 = arith.addi %add3A_856, %scan3A_855 : i32
      %get3A_858 = arith.index_cast %add3A_857 : i32 to index
      %get3A_859 = arith.constant 0 : index
      %get3A_860 = tpu.vector_load %arg4[%get3A_858, %get3A_859] {strides = array<i32>} : memref<1023x16xf32, #tpu.memory_space<vmem>>, vector<1x16xf32>,
      %get3A_861 = vector.shape_cast %get3A_860 : vector<1x16xf32> to vector<16xf32>
      %add3A_862 = arith.addf %add3A_826, %get3A_861 : vector<16xf32>
      %add3A_863 = arith.constant 768 : i32
      %add3A_864 = arith.addi %add3A_863, %scan3A_855 : i32
      %add3A_865 = arith.constant 32 : i32
      %add3A_866 = arith.addi %add3A_864, %add3A_865 : i32
      %get3A_867 = arith.index_cast %add3A_866 : i32 to index
      %get3A_868 = arith.constant 0 : index
      %get3A_869 = tpu.vector_load %arg4[%get3A_867, %get3A_868] {strides = array<i32>} : memref<1023x16xf32, #tpu.memory_space<vmem>>, vector<1x16xf32>,
      %get3A_870 = vector.shape_cast %get3A_869 : vector<1x16xf32> to vector<16xf32>
      %add3A_871 = arith.addf %add3A_835, %get3A_870 : vector<16xf32>
      %add3A_872 = arith.constant 768 : i32
      %add3A_873 = arith.addi %add3A_872, %scan3A_855 : i32
      %add3A_874 = arith.constant 64 : i32
      %add3A_875 = arith.addi %add3A_873, %add3A_874 : i32
      %get3A_876 = arith.index_cast %add3A_875 : i32 to index
      %get3A_877 = arith.constant 0 : index
      %get3A_878 = tpu.vector_load %arg4[%get3A_876, %get3A_877] {strides = array<i32>} : memref<1023x16xf32, #tpu.memory_space<vmem>>, vector<1x16xf32>,
      %get3A_879 = vector.shape_cast %get3A_878 : vector<1x16xf32> to vector<16xf32>
      %add3A_880 = arith.addf %add3A_844, %get3A_879 : vector<16xf32>
      %add3A_881 = arith.constant 768 : i32
      %add3A_882 = arith.addi %add3A_881, %scan3A_855 : i32
      %add3A_883 = arith.constant 96 : i32
      %add3A_884 = arith.addi %add3A_882, %add3A_883 : i32
      %get3A_885 = arith.index_cast %add3A_884 : i32 to index
      %get3A_886 = arith.constant 0 : index
      %get3A_887 = tpu.vector_load %arg4[%get3A_885, %get3A_886] {strides = array<i32>} : memref<1023x16xf32, #tpu.memory_space<vmem>>, vector<1x16xf32>,
      %get3A_888 = vector.shape_cast %get3A_887 : vector<1x16xf32> to vector<16xf32>
      %add3A_889 = arith.addf %add3A_853, %get3A_888 : vector<16xf32>
      scf.yield %add3A_862, %add3A_871, %add3A_880, %add3A_889 : vector<16xf32>, vector<16xf32>, vector<16xf32>, vector<16xf32>
    }
    %scan3A_210 = arith.constant 32 : i32
    %add3A_211 = arith.addf %scan3A_209#0, %scan3A_209#1 : vector<16xf32>
    %add3A_212 = arith.addf %scan3A_209#2, %scan3A_209#3 : vector<16xf32>
    %add3A_213 = arith.addf %add3A_211, %add3A_212 : vector<16xf32>
    %dma_wait3A_214 = arith.constant 896 : i32
    %dma_wait3A_215 = arith.constant 0 : i32
    %dma_wait3A_216 = tpu.memref_slice %arg4[%dma_wait3A_214, %dma_wait3A_215] : memref<1023x16xf32, #tpu.memory_space<vmem>> -> memref<127x16xf32, #tpu.memory_space<vmem>>
    %dma_wait3A_217 = arith.constant 896 : i32
    %dma_wait3A_218 = tpu.memref_slice %arg2[%dma_wait3A_217, %mul3A_2] : memref<1023x512xf32, #tpu.memory_space<hbm>> -> memref<127x16xf32, #tpu.memory_space<hbm>>
    %dma_wait3A_219 = arith.constant 896 : i32
    %dma_wait3A_220 = arith.constant 0 : i32
    %dma_wait3A_221 = tpu.memref_slice %arg4[%dma_wait3A_219, %dma_wait3A_220] : memref<1023x16xf32, #tpu.memory_space<vmem>> -> memref<127x16xf32, #tpu.memory_space<vmem>>
    %dma_wait3A_222 = arith.constant 896 : i32
    %dma_wait3A_223 = tpu.memref_slice %arg2[%dma_wait3A_222, %mul3A_2] : memref<1023x512xf32, #tpu.memory_space<hbm>> -> memref<127x16xf32, #tpu.memory_space<hbm>>
    tpu.wait_dma2 semaphore(%arg6 : memref<!tpu.dma_semaphore, #tpu.memory_space<semaphore_mem>>) src(%dma_wait3A_223 : memref<127x16xf32, #tpu.memory_space<hbm>>) dst(%dma_wait3A_221 : memref<127x16xf32, #tpu.memory_space<vmem>>)
    %add3A_224 = arith.addf %add3A_99, %add3A_118 : vector<16xf32>
    %add3A_225 = arith.addf %add3A_137, %add3A_156 : vector<16xf32>
    %add3A_226 = arith.addf %add3A_224, %add3A_225 : vector<16xf32>
    %sub3A = arith.subf %add3A_226, %add3A_99 : vector<16xf32>
    %add3A_227 = arith.addf %sub3A, %add3A_175 : vector<16xf32>
    %sub3A_228 = arith.subf %add3A_227, %add3A_118 : vector<16xf32>
    %add3A_229 = arith.addf %sub3A_228, %add3A_194 : vector<16xf32>
    %sub3A_230 = arith.subf %add3A_229, %add3A_137 : vector<16xf32>
    %add3A_231 = arith.addf %sub3A_230, %add3A_213 : vector<16xf32>
    %mul3A_232 = arith.constant 0.001953125 : f32
    %mul3A_233 = vector.broadcast %mul3A_232 : f32 to vector<16xf32>
    %mul3A_234 = arith.mulf %add3A_226, %mul3A_233 : vector<16xf32>
    %swap3A = arith.constant 0 : i32
    %swap3A_235 = arith.index_cast %swap3A : i32 to index
    %swap3A_236 = arith.constant 0 : index
    %swap3A_237 = tpu.vector_load %arg5[%swap3A_235, %swap3A_236] {strides = array<i32>} : memref<512x16xf32, #tpu.memory_space<vmem>>, vector<1x16xf32>,
    %swap3A_238 = vector.shape_cast %swap3A_237 : vector<1x16xf32> to vector<16xf32>
    %swap3A_239 = vector.shape_cast %mul3A_234 : vector<16xf32> to vector<1x16xf32>
    tpu.vector_store %arg5[%swap3A_235, %swap3A_236], %swap3A_239 {strides = array<i32>} : memref<512x16xf32, #tpu.memory_space<vmem>>, vector<1x16xf32>,
    %mul3A_240 = arith.constant 0.001953125 : f32
    %mul3A_241 = vector.broadcast %mul3A_240 : f32 to vector<16xf32>
    %mul3A_242 = arith.mulf %add3A_227, %mul3A_241 : vector<16xf32>
    %swap3A_243 = arith.constant 128 : i32
    %swap3A_244 = arith.index_cast %swap3A_243 : i32 to index
    %swap3A_245 = arith.constant 0 : index
    %swap3A_246 = tpu.vector_load %arg5[%swap3A_244, %swap3A_245] {strides = array<i32>} : memref<512x16xf32, #tpu.memory_space<vmem>>, vector<1x16xf32>,
    %swap3A_247 = vector.shape_cast %swap3A_246 : vector<1x16xf32> to vector<16xf32>
    %swap3A_248 = vector.shape_cast %mul3A_242 : vector<16xf32> to vector<1x16xf32>
    tpu.vector_store %arg5[%swap3A_244, %swap3A_245], %swap3A_248 {strides = array<i32>} : memref<512x16xf32, #tpu.memory_space<vmem>>, vector<1x16xf32>,
    %mul3A_249 = arith.constant 0.001953125 : f32
    %mul3A_250 = vector.broadcast %mul3A_249 : f32 to vector<16xf32>
    %mul3A_251 = arith.mulf %add3A_229, %mul3A_250 : vector<16xf32>
    %swap3A_252 = arith.constant 256 : i32
    %swap3A_253 = arith.index_cast %swap3A_252 : i32 to index
    %swap3A_254 = arith.constant 0 : index
    %swap3A_255 = tpu.vector_load %arg5[%swap3A_253, %swap3A_254] {strides = array<i32>} : memref<512x16xf32, #tpu.memory_space<vmem>>, vector<1x16xf32>,
    %swap3A_256 = vector.shape_cast %swap3A_255 : vector<1x16xf32> to vector<16xf32>
    %swap3A_257 = vector.shape_cast %mul3A_251 : vector<16xf32> to vector<1x16xf32>
    tpu.vector_store %arg5[%swap3A_253, %swap3A_254], %swap3A_257 {strides = array<i32>} : memref<512x16xf32, #tpu.memory_space<vmem>>, vector<1x16xf32>,
    %mul3A_258 = arith.constant 0.001953125 : f32
    %mul3A_259 = vector.broadcast %mul3A_258 : f32 to vector<16xf32>
    %mul3A_260 = arith.mulf %add3A_231, %mul3A_259 : vector<16xf32>
    %swap3A_261 = arith.constant 384 : i32
    %swap3A_262 = arith.index_cast %swap3A_261 : i32 to index
    %swap3A_263 = arith.constant 0 : index
    %swap3A_264 = tpu.vector_load %arg5[%swap3A_262, %swap3A_263] {strides = array<i32>} : memref<512x16xf32, #tpu.memory_space<vmem>>, vector<1x16xf32>,
    %swap3A_265 = vector.shape_cast %swap3A_264 : vector<1x16xf32> to vector<16xf32>
    %swap3A_266 = vector.shape_cast %mul3A_260 : vector<16xf32> to vector<1x16xf32>
    tpu.vector_store %arg5[%swap3A_262, %swap3A_263], %swap3A_266 {strides = array<i32>} : memref<512x16xf32, #tpu.memory_space<vmem>>, vector<1x16xf32>,
    %scan3A_267 = arith.constant 0.001953125 : f32
    %scan3A_268 = arith.constant 1 : i32
    %scan3A_269 = arith.constant 124 : i32
    %scan3A_270 = arith.addi %scan3A_268, %scan3A_269 : i32
    %scan3A_271 = arith.constant 4 : i32
    %scan3A_272:4 = scf.for %scan3A_599 = %scan3A_268 to %scan3A_270 step %scan3A_271 iter_args(%scan3A_600 = %add3A_226, %scan3A_601 = %add3A_227, %scan3A_602 = %add3A_229, %scan3A_603 = %add3A_231) -> (vector<16xf32>, vector<16xf32>, vector<16xf32>, vector<16xf32>)  : i32 {
      %add3A_604 = arith.constant 511 : i32
      %add3A_605 = arith.addi %scan3A_599, %add3A_604 : i32
      %get3A_606 = arith.index_cast %add3A_605 : i32 to index
      %get3A_607 = arith.constant 0 : index
      %get3A_608 = tpu.vector_load %arg4[%get3A_606, %get3A_607] {strides = array<i32>} : memref<1023x16xf32, #tpu.memory_space<vmem>>, vector<1x16xf32>,
      %get3A_609 = vector.shape_cast %get3A_608 : vector<1x16xf32> to vector<16xf32>
      %sub3A_610 = arith.constant 1 : i32
      %sub3A_611 = arith.subi %scan3A_599, %sub3A_610 : i32
      %get3A_612 = arith.index_cast %sub3A_611 : i32 to index
      %get3A_613 = arith.constant 0 : index
      %get3A_614 = tpu.vector_load %arg4[%get3A_612, %get3A_613] {strides = array<i32>} : memref<1023x16xf32, #tpu.memory_space<vmem>>, vector<1x16xf32>,
      %get3A_615 = vector.shape_cast %get3A_614 : vector<1x16xf32> to vector<16xf32>
      %sub3A_616 = arith.subf %get3A_609, %get3A_615 : vector<16xf32>
      %add3A_617 = arith.addf %scan3A_600, %sub3A_616 : vector<16xf32>
      %add3A_618 = arith.constant 128 : i32
      %add3A_619 = arith.addi %add3A_618, %scan3A_599 : i32
      %add3A_620 = arith.constant 511 : i32
      %add3A_621 = arith.addi %add3A_619, %add3A_620 : i32
      %get3A_622 = arith.index_cast %add3A_621 : i32 to index
      %get3A_623 = arith.constant 0 : index
      %get3A_624 = tpu.vector_load %arg4[%get3A_622, %get3A_623] {strides = array<i32>} : memref<1023x16xf32, #tpu.memory_space<vmem>>, vector<1x16xf32>,
      %get3A_625 = vector.shape_cast %get3A_624 : vector<1x16xf32> to vector<16xf32>
      %add3A_626 = arith.constant 128 : i32
      %add3A_627 = arith.addi %add3A_626, %scan3A_599 : i32
      %sub3A_628 = arith.constant 1 : i32
      %sub3A_629 = arith.subi %add3A_627, %sub3A_628 : i32
      %get3A_630 = arith.index_cast %sub3A_629 : i32 to index
      %get3A_631 = arith.constant 0 : index
      %get3A_632 = tpu.vector_load %arg4[%get3A_630, %get3A_631] {strides = array<i32>} : memref<1023x16xf32, #tpu.memory_space<vmem>>, vector<1x16xf32>,
      %get3A_633 = vector.shape_cast %get3A_632 : vector<1x16xf32> to vector<16xf32>
      %sub3A_634 = arith.subf %get3A_625, %get3A_633 : vector<16xf32>
      %add3A_635 = arith.addf %scan3A_601, %sub3A_634 : vector<16xf32>
      %add3A_636 = arith.constant 256 : i32
      %add3A_637 = arith.addi %add3A_636, %scan3A_599 : i32
      %add3A_638 = arith.constant 511 : i32
      %add3A_639 = arith.addi %add3A_637, %add3A_638 : i32
      %get3A_640 = arith.index_cast %add3A_639 : i32 to index
      %get3A_641 = arith.constant 0 : index
      %get3A_642 = tpu.vector_load %arg4[%get3A_640, %get3A_641] {strides = array<i32>} : memref<1023x16xf32, #tpu.memory_space<vmem>>, vector<1x16xf32>,
      %get3A_643 = vector.shape_cast %get3A_642 : vector<1x16xf32> to vector<16xf32>
      %add3A_644 = arith.constant 256 : i32
      %add3A_645 = arith.addi %add3A_644, %scan3A_599 : i32
      %sub3A_646 = arith.constant 1 : i32
      %sub3A_647 = arith.subi %add3A_645, %sub3A_646 : i32
      %get3A_648 = arith.index_cast %sub3A_647 : i32 to index
      %get3A_649 = arith.constant 0 : index
      %get3A_650 = tpu.vector_load %arg4[%get3A_648, %get3A_649] {strides = array<i32>} : memref<1023x16xf32, #tpu.memory_space<vmem>>, vector<1x16xf32>,
      %get3A_651 = vector.shape_cast %get3A_650 : vector<1x16xf32> to vector<16xf32>
      %sub3A_652 = arith.subf %get3A_643, %get3A_651 : vector<16xf32>
      %add3A_653 = arith.addf %scan3A_602, %sub3A_652 : vector<16xf32>
      %add3A_654 = arith.constant 384 : i32
      %add3A_655 = arith.addi %add3A_654, %scan3A_599 : i32
      %add3A_656 = arith.constant 511 : i32
      %add3A_657 = arith.addi %add3A_655, %add3A_656 : i32
      %get3A_658 = arith.index_cast %add3A_657 : i32 to index
      %get3A_659 = arith.constant 0 : index
      %get3A_660 = tpu.vector_load %arg4[%get3A_658, %get3A_659] {strides = array<i32>} : memref<1023x16xf32, #tpu.memory_space<vmem>>, vector<1x16xf32>,
      %get3A_661 = vector.shape_cast %get3A_660 : vector<1x16xf32> to vector<16xf32>
      %add3A_662 = arith.constant 384 : i32
      %add3A_663 = arith.addi %add3A_662, %scan3A_599 : i32
      %sub3A_664 = arith.constant 1 : i32
      %sub3A_665 = arith.subi %add3A_663, %sub3A_664 : i32
      %get3A_666 = arith.index_cast %sub3A_665 : i32 to index
      %get3A_667 = arith.constant 0 : index
      %get3A_668 = tpu.vector_load %arg4[%get3A_666, %get3A_667] {strides = array<i32>} : memref<1023x16xf32, #tpu.memory_space<vmem>>, vector<1x16xf32>,
      %get3A_669 = vector.shape_cast %get3A_668 : vector<1x16xf32> to vector<16xf32>
      %sub3A_670 = arith.subf %get3A_661, %get3A_669 : vector<16xf32>
      %add3A_671 = arith.addf %scan3A_603, %sub3A_670 : vector<16xf32>
      %mul3A_672 = vector.broadcast %scan3A_267 : f32 to vector<16xf32>
      %mul3A_673 = arith.mulf %add3A_617, %mul3A_672 : vector<16xf32>
      %swap3A_674 = arith.index_cast %scan3A_599 : i32 to index
      %swap3A_675 = arith.constant 0 : index
      %swap3A_676 = tpu.vector_load %arg5[%swap3A_674, %swap3A_675] {strides = array<i32>} : memref<512x16xf32, #tpu.memory_space<vmem>>, vector<1x16xf32>,
      %swap3A_677 = vector.shape_cast %swap3A_676 : vector<1x16xf32> to vector<16xf32>
      %swap3A_678 = vector.shape_cast %mul3A_673 : vector<16xf32> to vector<1x16xf32>
      tpu.vector_store %arg5[%swap3A_674, %swap3A_675], %swap3A_678 {strides = array<i32>} : memref<512x16xf32, #tpu.memory_space<vmem>>, vector<1x16xf32>,
      %mul3A_679 = vector.broadcast %scan3A_267 : f32 to vector<16xf32>
      %mul3A_680 = arith.mulf %add3A_635, %mul3A_679 : vector<16xf32>
      %add3A_681 = arith.constant 128 : i32
      %add3A_682 = arith.addi %add3A_681, %scan3A_599 : i32
      %swap3A_683 = arith.index_cast %add3A_682 : i32 to index
      %swap3A_684 = arith.constant 0 : index
      %swap3A_685 = tpu.vector_load %arg5[%swap3A_683, %swap3A_684] {strides = array<i32>} : memref<512x16xf32, #tpu.memory_space<vmem>>, vector<1x16xf32>,
      %swap3A_686 = vector.shape_cast %swap3A_685 : vector<1x16xf32> to vector<16xf32>
      %swap3A_687 = vector.shape_cast %mul3A_680 : vector<16xf32> to vector<1x16xf32>
      tpu.vector_store %arg5[%swap3A_683, %swap3A_684], %swap3A_687 {strides = array<i32>} : memref<512x16xf32, #tpu.memory_space<vmem>>, vector<1x16xf32>,
      %mul3A_688 = vector.broadcast %scan3A_267 : f32 to vector<16xf32>
      %mul3A_689 = arith.mulf %add3A_653, %mul3A_688 : vector<16xf32>
      %add3A_690 = arith.constant 256 : i32
      %add3A_691 = arith.addi %add3A_690, %scan3A_599 : i32
      %swap3A_692 = arith.index_cast %add3A_691 : i32 to index
      %swap3A_693 = arith.constant 0 : index
      %swap3A_694 = tpu.vector_load %arg5[%swap3A_692, %swap3A_693] {strides = array<i32>} : memref<512x16xf32, #tpu.memory_space<vmem>>, vector<1x16xf32>,
      %swap3A_695 = vector.shape_cast %swap3A_694 : vector<1x16xf32> to vector<16xf32>
      %swap3A_696 = vector.shape_cast %mul3A_689 : vector<16xf32> to vector<1x16xf32>
      tpu.vector_store %arg5[%swap3A_692, %swap3A_693], %swap3A_696 {strides = array<i32>} : memref<512x16xf32, #tpu.memory_space<vmem>>, vector<1x16xf32>,
      %mul3A_697 = vector.broadcast %scan3A_267 : f32 to vector<16xf32>
      %mul3A_698 = arith.mulf %add3A_671, %mul3A_697 : vector<16xf32>
      %add3A_699 = arith.constant 384 : i32
      %add3A_700 = arith.addi %add3A_699, %scan3A_599 : i32
      %swap3A_701 = arith.index_cast %add3A_700 : i32 to index
      %swap3A_702 = arith.constant 0 : index
      %swap3A_703 = tpu.vector_load %arg5[%swap3A_701, %swap3A_702] {strides = array<i32>} : memref<512x16xf32, #tpu.memory_space<vmem>>, vector<1x16xf32>,
      %swap3A_704 = vector.shape_cast %swap3A_703 : vector<1x16xf32> to vector<16xf32>
      %swap3A_705 = vector.shape_cast %mul3A_698 : vector<16xf32> to vector<1x16xf32>
      tpu.vector_store %arg5[%swap3A_701, %swap3A_702], %swap3A_705 {strides = array<i32>} : memref<512x16xf32, #tpu.memory_space<vmem>>, vector<1x16xf32>,
      %scan3A_706 = arith.constant 1 : i32
      %scan3A_707 = arith.addi %scan3A_599, %scan3A_706 : i32
      %add3A_708 = arith.constant 511 : i32
      %add3A_709 = arith.addi %scan3A_707, %add3A_708 : i32
      %get3A_710 = arith.index_cast %add3A_709 : i32 to index
      %get3A_711 = arith.constant 0 : index
      %get3A_712 = tpu.vector_load %arg4[%get3A_710, %get3A_711] {strides = array<i32>} : memref<1023x16xf32, #tpu.memory_space<vmem>>, vector<1x16xf32>,
      %get3A_713 = vector.shape_cast %get3A_712 : vector<1x16xf32> to vector<16xf32>
      %sub3A_714 = arith.constant 1 : i32
      %sub3A_715 = arith.subi %scan3A_707, %sub3A_714 : i32
      %get3A_716 = arith.index_cast %sub3A_715 : i32 to index
      %get3A_717 = arith.constant 0 : index
      %get3A_718 = tpu.vector_load %arg4[%get3A_716, %get3A_717] {strides = array<i32>} : memref<1023x16xf32, #tpu.memory_space<vmem>>, vector<1x16xf32>,
      %get3A_719 = vector.shape_cast %get3A_718 : vector<1x16xf32> to vector<16xf32>
      %sub3A_720 = arith.subf %get3A_713, %get3A_719 : vector<16xf32>
      %add3A_721 = arith.addf %add3A_617, %sub3A_720 : vector<16xf32>
      %add3A_722 = arith.constant 128 : i32
      %add3A_723 = arith.addi %add3A_722, %scan3A_707 : i32
      %add3A_724 = arith.constant 511 : i32
      %add3A_725 = arith.addi %add3A_723, %add3A_724 : i32
      %get3A_726 = arith.index_cast %add3A_725 : i32 to index
      %get3A_727 = arith.constant 0 : index
      %get3A_728 = tpu.vector_load %arg4[%get3A_726, %get3A_727] {strides = array<i32>} : memref<1023x16xf32, #tpu.memory_space<vmem>>, vector<1x16xf32>,
      %get3A_729 = vector.shape_cast %get3A_728 : vector<1x16xf32> to vector<16xf32>
      %add3A_730 = arith.constant 128 : i32
      %add3A_731 = arith.addi %add3A_730, %scan3A_707 : i32
      %sub3A_732 = arith.constant 1 : i32
      %sub3A_733 = arith.subi %add3A_731, %sub3A_732 : i32
      %get3A_734 = arith.index_cast %sub3A_733 : i32 to index
      %get3A_735 = arith.constant 0 : index
      %get3A_736 = tpu.vector_load %arg4[%get3A_734, %get3A_735] {strides = array<i32>} : memref<1023x16xf32, #tpu.memory_space<vmem>>, vector<1x16xf32>,
      %get3A_737 = vector.shape_cast %get3A_736 : vector<1x16xf32> to vector<16xf32>
      %sub3A_738 = arith.subf %get3A_729, %get3A_737 : vector<16xf32>
      %add3A_739 = arith.addf %add3A_635, %sub3A_738 : vector<16xf32>
      %add3A_740 = arith.constant 256 : i32
      %add3A_741 = arith.addi %add3A_740, %scan3A_707 : i32
      %add3A_742 = arith.constant 511 : i32
      %add3A_743 = arith.addi %add3A_741, %add3A_742 : i32
      %get3A_744 = arith.index_cast %add3A_743 : i32 to index
      %get3A_745 = arith.constant 0 : index
      %get3A_746 = tpu.vector_load %arg4[%get3A_744, %get3A_745] {strides = array<i32>} : memref<1023x16xf32, #tpu.memory_space<vmem>>, vector<1x16xf32>,
      %get3A_747 = vector.shape_cast %get3A_746 : vector<1x16xf32> to vector<16xf32>
      %add3A_748 = arith.constant 256 : i32
      %add3A_749 = arith.addi %add3A_748, %scan3A_707 : i32
      %sub3A_750 = arith.constant 1 : i32
      %sub3A_751 = arith.subi %add3A_749, %sub3A_750 : i32
      %get3A_752 = arith.index_cast %sub3A_751 : i32 to index
      %get3A_753 = arith.constant 0 : index
      %get3A_754 = tpu.vector_load %arg4[%get3A_752, %get3A_753] {strides = array<i32>} : memref<1023x16xf32, #tpu.memory_space<vmem>>, vector<1x16xf32>,
      %get3A_755 = vector.shape_cast %get3A_754 : vector<1x16xf32> to vector<16xf32>
      %sub3A_756 = arith.subf %get3A_747, %get3A_755 : vector<16xf32>
      %add3A_757 = arith.addf %add3A_653, %sub3A_756 : vector<16xf32>
      %add3A_758 = arith.constant 384 : i32
      %add3A_759 = arith.addi %add3A_758, %scan3A_707 : i32
      %add3A_760 = arith.constant 511 : i32
      %add3A_761 = arith.addi %add3A_759, %add3A_760 : i32
      %get3A_762 = arith.index_cast %add3A_761 : i32 to index
      %get3A_763 = arith.constant 0 : index
      %get3A_764 = tpu.vector_load %arg4[%get3A_762, %get3A_763] {strides = array<i32>} : memref<1023x16xf32, #tpu.memory_space<vmem>>, vector<1x16xf32>,
      %get3A_765 = vector.shape_cast %get3A_764 : vector<1x16xf32> to vector<16xf32>
      %add3A_766 = arith.constant 384 : i32
      %add3A_767 = arith.addi %add3A_766, %scan3A_707 : i32
      %sub3A_768 = arith.constant 1 : i32
      %sub3A_769 = arith.subi %add3A_767, %sub3A_768 : i32
      %get3A_770 = arith.index_cast %sub3A_769 : i32 to index
      %get3A_771 = arith.constant 0 : index
      %get3A_772 = tpu.vector_load %arg4[%get3A_770, %get3A_771] {strides = array<i32>} : memref<1023x16xf32, #tpu.memory_space<vmem>>, vector<1x16xf32>,
      %get3A_773 = vector.shape_cast %get3A_772 : vector<1x16xf32> to vector<16xf32>
      %sub3A_774 = arith.subf %get3A_765, %get3A_773 : vector<16xf32>
      %add3A_775 = arith.addf %add3A_671, %sub3A_774 : vector<16xf32>
      %mul3A_776 = vector.broadcast %scan3A_267 : f32 to vector<16xf32>
      %mul3A_777 = arith.mulf %add3A_721, %mul3A_776 : vector<16xf32>
      %swap3A_778 = arith.index_cast %scan3A_707 : i32 to index
      %swap3A_779 = arith.constant 0 : index
      %swap3A_780 = tpu.vector_load %arg5[%swap3A_778, %swap3A_779] {strides = array<i32>} : memref<512x16xf32, #tpu.memory_space<vmem>>, vector<1x16xf32>,
      %swap3A_781 = vector.shape_cast %swap3A_780 : vector<1x16xf32> to vector<16xf32>
      %swap3A_782 = vector.shape_cast %mul3A_777 : vector<16xf32> to vector<1x16xf32>
      tpu.vector_store %arg5[%swap3A_778, %swap3A_779], %swap3A_782 {strides = array<i32>} : memref<512x16xf32, #tpu.memory_space<vmem>>, vector<1x16xf32>,
      %mul3A_783 = vector.broadcast %scan3A_267 : f32 to vector<16xf32>
      %mul3A_784 = arith.mulf %add3A_739, %mul3A_783 : vector<16xf32>
      %add3A_785 = arith.constant 128 : i32
      %add3A_786 = arith.addi %add3A_785, %scan3A_707 : i32
      %swap3A_787 = arith.index_cast %add3A_786 : i32 to index
      %swap3A_788 = arith.constant 0 : index
      %swap3A_789 = tpu.vector_load %arg5[%swap3A_787, %swap3A_788] {strides = array<i32>} : memref<512x16xf32, #tpu.memory_space<vmem>>, vector<1x16xf32>,
      %swap3A_790 = vector.shape_cast %swap3A_789 : vector<1x16xf32> to vector<16xf32>
      %swap3A_791 = vector.shape_cast %mul3A_784 : vector<16xf32> to vector<1x16xf32>
      tpu.vector_store %arg5[%swap3A_787, %swap3A_788], %swap3A_791 {strides = array<i32>} : memref<512x16xf32, #tpu.memory_space<vmem>>, vector<1x16xf32>,
      %mul3A_792 = vector.broadcast %scan3A_267 : f32 to vector<16xf32>
      %mul3A_793 = arith.mulf %add3A_757, %mul3A_792 : vector<16xf32>
      %add3A_794 = arith.constant 256 : i32
      %add3A_795 = arith.addi %add3A_794, %scan3A_707 : i32
      %swap3A_796 = arith.index_cast %add3A_795 : i32 to index
      %swap3A_797 = arith.constant 0 : index
      %swap3A_798 = tpu.vector_load %arg5[%swap3A_796, %swap3A_797] {strides = array<i32>} : memref<512x16xf32, #tpu.memory_space<vmem>>, vector<1x16xf32>,
      %swap3A_799 = vector.shape_cast %swap3A_798 : vector<1x16xf32> to vector<16xf32>
      %swap3A_800 = vector.shape_cast %mul3A_793 : vector<16xf32> to vector<1x16xf32>
      tpu.vector_store %arg5[%swap3A_796, %swap3A_797], %swap3A_800 {strides = array<i32>} : memref<512x16xf32, #tpu.memory_space<vmem>>, vector<1x16xf32>,
      %mul3A_801 = vector.broadcast %scan3A_267 : f32 to vector<16xf32>
      %mul3A_802 = arith.mulf %add3A_775, %mul3A_801 : vector<16xf32>
      %add3A_803 = arith.constant 384 : i32
      %add3A_804 = arith.addi %add3A_803, %scan3A_707 : i32
      %swap3A_805 = arith.index_cast %add3A_804 : i32 to index
      %swap3A_806 = arith.constant 0 : index
      %swap3A_807 = tpu.vector_load %arg5[%swap3A_805, %swap3A_806] {strides = array<i32>} : memref<512x16xf32, #tpu.memory_space<vmem>>, vector<1x16xf32>,
      %swap3A_808 = vector.shape_cast %swap3A_807 : vector<1x16xf32> to vector<16xf32>
      %swap3A_809 = vector.shape_cast %mul3A_802 : vector<16xf32> to vector<1x16xf32>
      tpu.vector_store %arg5[%swap3A_805, %swap3A_806], %swap3A_809 {strides = array<i32>} : memref<512x16xf32, #tpu.memory_space<vmem>>, vector<1x16xf32>,
      %scan3A_810 = arith.constant 2 : i32
      %scan3A_811 = arith.addi %scan3A_599, %scan3A_810 : i32
      %add3A_812 = arith.constant 511 : i32
      %add3A_813 = arith.addi %scan3A_811, %add3A_812 : i32
      %get3A_814 = arith.index_cast %add3A_813 : i32 to index
      %get3A_815 = arith.constant 0 : index
      %get3A_816 = tpu.vector_load %arg4[%get3A_814, %get3A_815] {strides = array<i32>} : memref<1023x16xf32, #tpu.memory_space<vmem>>, vector<1x16xf32>,
      %get3A_817 = vector.shape_cast %get3A_816 : vector<1x16xf32> to vector<16xf32>
      %sub3A_818 = arith.constant 1 : i32
      %sub3A_819 = arith.subi %scan3A_811, %sub3A_818 : i32
      %get3A_820 = arith.index_cast %sub3A_819 : i32 to index
      %get3A_821 = arith.constant 0 : index
      %get3A_822 = tpu.vector_load %arg4[%get3A_820, %get3A_821] {strides = array<i32>} : memref<1023x16xf32, #tpu.memory_space<vmem>>, vector<1x16xf32>,
      %get3A_823 = vector.shape_cast %get3A_822 : vector<1x16xf32> to vector<16xf32>
      %sub3A_824 = arith.subf %get3A_817, %get3A_823 : vector<16xf32>
      %add3A_825 = arith.addf %add3A_721, %sub3A_824 : vector<16xf32>
      %add3A_826 = arith.constant 128 : i32
      %add3A_827 = arith.addi %add3A_826, %scan3A_811 : i32
      %add3A_828 = arith.constant 511 : i32
      %add3A_829 = arith.addi %add3A_827, %add3A_828 : i32
      %get3A_830 = arith.index_cast %add3A_829 : i32 to index
      %get3A_831 = arith.constant 0 : index
      %get3A_832 = tpu.vector_load %arg4[%get3A_830, %get3A_831] {strides = array<i32>} : memref<1023x16xf32, #tpu.memory_space<vmem>>, vector<1x16xf32>,
      %get3A_833 = vector.shape_cast %get3A_832 : vector<1x16xf32> to vector<16xf32>
      %add3A_834 = arith.constant 128 : i32
      %add3A_835 = arith.addi %add3A_834, %scan3A_811 : i32
      %sub3A_836 = arith.constant 1 : i32
      %sub3A_837 = arith.subi %add3A_835, %sub3A_836 : i32
      %get3A_838 = arith.index_cast %sub3A_837 : i32 to index
      %get3A_839 = arith.constant 0 : index
      %get3A_840 = tpu.vector_load %arg4[%get3A_838, %get3A_839] {strides = array<i32>} : memref<1023x16xf32, #tpu.memory_space<vmem>>, vector<1x16xf32>,
      %get3A_841 = vector.shape_cast %get3A_840 : vector<1x16xf32> to vector<16xf32>
      %sub3A_842 = arith.subf %get3A_833, %get3A_841 : vector<16xf32>
      %add3A_843 = arith.addf %add3A_739, %sub3A_842 : vector<16xf32>
      %add3A_844 = arith.constant 256 : i32
      %add3A_845 = arith.addi %add3A_844, %scan3A_811 : i32
      %add3A_846 = arith.constant 511 : i32
      %add3A_847 = arith.addi %add3A_845, %add3A_846 : i32
      %get3A_848 = arith.index_cast %add3A_847 : i32 to index
      %get3A_849 = arith.constant 0 : index
      %get3A_850 = tpu.vector_load %arg4[%get3A_848, %get3A_849] {strides = array<i32>} : memref<1023x16xf32, #tpu.memory_space<vmem>>, vector<1x16xf32>,
      %get3A_851 = vector.shape_cast %get3A_850 : vector<1x16xf32> to vector<16xf32>
      %add3A_852 = arith.constant 256 : i32
      %add3A_853 = arith.addi %add3A_852, %scan3A_811 : i32
      %sub3A_854 = arith.constant 1 : i32
      %sub3A_855 = arith.subi %add3A_853, %sub3A_854 : i32
      %get3A_856 = arith.index_cast %sub3A_855 : i32 to index
      %get3A_857 = arith.constant 0 : index
      %get3A_858 = tpu.vector_load %arg4[%get3A_856, %get3A_857] {strides = array<i32>} : memref<1023x16xf32, #tpu.memory_space<vmem>>, vector<1x16xf32>,
      %get3A_859 = vector.shape_cast %get3A_858 : vector<1x16xf32> to vector<16xf32>
      %sub3A_860 = arith.subf %get3A_851, %get3A_859 : vector<16xf32>
      %add3A_861 = arith.addf %add3A_757, %sub3A_860 : vector<16xf32>
      %add3A_862 = arith.constant 384 : i32
      %add3A_863 = arith.addi %add3A_862, %scan3A_811 : i32
      %add3A_864 = arith.constant 511 : i32
      %add3A_865 = arith.addi %add3A_863, %add3A_864 : i32
      %get3A_866 = arith.index_cast %add3A_865 : i32 to index
      %get3A_867 = arith.constant 0 : index
      %get3A_868 = tpu.vector_load %arg4[%get3A_866, %get3A_867] {strides = array<i32>} : memref<1023x16xf32, #tpu.memory_space<vmem>>, vector<1x16xf32>,
      %get3A_869 = vector.shape_cast %get3A_868 : vector<1x16xf32> to vector<16xf32>
      %add3A_870 = arith.constant 384 : i32
      %add3A_871 = arith.addi %add3A_870, %scan3A_811 : i32
      %sub3A_872 = arith.constant 1 : i32
      %sub3A_873 = arith.subi %add3A_871, %sub3A_872 : i32
      %get3A_874 = arith.index_cast %sub3A_873 : i32 to index
      %get3A_875 = arith.constant 0 : index
      %get3A_876 = tpu.vector_load %arg4[%get3A_874, %get3A_875] {strides = array<i32>} : memref<1023x16xf32, #tpu.memory_space<vmem>>, vector<1x16xf32>,
      %get3A_877 = vector.shape_cast %get3A_876 : vector<1x16xf32> to vector<16xf32>
      %sub3A_878 = arith.subf %get3A_869, %get3A_877 : vector<16xf32>
      %add3A_879 = arith.addf %add3A_775, %sub3A_878 : vector<16xf32>
      %mul3A_880 = vector.broadcast %scan3A_267 : f32 to vector<16xf32>
      %mul3A_881 = arith.mulf %add3A_825, %mul3A_880 : vector<16xf32>
      %swap3A_882 = arith.index_cast %scan3A_811 : i32 to index
      %swap3A_883 = arith.constant 0 : index
      %swap3A_884 = tpu.vector_load %arg5[%swap3A_882, %swap3A_883] {strides = array<i32>} : memref<512x16xf32, #tpu.memory_space<vmem>>, vector<1x16xf32>,
      %swap3A_885 = vector.shape_cast %swap3A_884 : vector<1x16xf32> to vector<16xf32>
      %swap3A_886 = vector.shape_cast %mul3A_881 : vector<16xf32> to vector<1x16xf32>
      tpu.vector_store %arg5[%swap3A_882, %swap3A_883], %swap3A_886 {strides = array<i32>} : memref<512x16xf32, #tpu.memory_space<vmem>>, vector<1x16xf32>,
      %mul3A_887 = vector.broadcast %scan3A_267 : f32 to vector<16xf32>
      %mul3A_888 = arith.mulf %add3A_843, %mul3A_887 : vector<16xf32>
      %add3A_889 = arith.constant 128 : i32
      %add3A_890 = arith.addi %add3A_889, %scan3A_811 : i32
      %swap3A_891 = arith.index_cast %add3A_890 : i32 to index
      %swap3A_892 = arith.constant 0 : index
      %swap3A_893 = tpu.vector_load %arg5[%swap3A_891, %swap3A_892] {strides = array<i32>} : memref<512x16xf32, #tpu.memory_space<vmem>>, vector<1x16xf32>,
      %swap3A_894 = vector.shape_cast %swap3A_893 : vector<1x16xf32> to vector<16xf32>
      %swap3A_895 = vector.shape_cast %mul3A_888 : vector<16xf32> to vector<1x16xf32>
      tpu.vector_store %arg5[%swap3A_891, %swap3A_892], %swap3A_895 {strides = array<i32>} : memref<512x16xf32, #tpu.memory_space<vmem>>, vector<1x16xf32>,
      %mul3A_896 = vector.broadcast %scan3A_267 : f32 to vector<16xf32>
      %mul3A_897 = arith.mulf %add3A_861, %mul3A_896 : vector<16xf32>
      %add3A_898 = arith.constant 256 : i32
      %add3A_899 = arith.addi %add3A_898, %scan3A_811 : i32
      %swap3A_900 = arith.index_cast %add3A_899 : i32 to index
      %swap3A_901 = arith.constant 0 : index
      %swap3A_902 = tpu.vector_load %arg5[%swap3A_900, %swap3A_901] {strides = array<i32>} : memref<512x16xf32, #tpu.memory_space<vmem>>, vector<1x16xf32>,
      %swap3A_903 = vector.shape_cast %swap3A_902 : vector<1x16xf32> to vector<16xf32>
      %swap3A_904 = vector.shape_cast %mul3A_897 : vector<16xf32> to vector<1x16xf32>
      tpu.vector_store %arg5[%swap3A_900, %swap3A_901], %swap3A_904 {strides = array<i32>} : memref<512x16xf32, #tpu.memory_space<vmem>>, vector<1x16xf32>,
      %mul3A_905 = vector.broadcast %scan3A_267 : f32 to vector<16xf32>
      %mul3A_906 = arith.mulf %add3A_879, %mul3A_905 : vector<16xf32>
      %add3A_907 = arith.constant 384 : i32
      %add3A_908 = arith.addi %add3A_907, %scan3A_811 : i32
      %swap3A_909 = arith.index_cast %add3A_908 : i32 to index
      %swap3A_910 = arith.constant 0 : index
      %swap3A_911 = tpu.vector_load %arg5[%swap3A_909, %swap3A_910] {strides = array<i32>} : memref<512x16xf32, #tpu.memory_space<vmem>>, vector<1x16xf32>,
      %swap3A_912 = vector.shape_cast %swap3A_911 : vector<1x16xf32> to vector<16xf32>
      %swap3A_913 = vector.shape_cast %mul3A_906 : vector<16xf32> to vector<1x16xf32>
      tpu.vector_store %arg5[%swap3A_909, %swap3A_910], %swap3A_913 {strides = array<i32>} : memref<512x16xf32, #tpu.memory_space<vmem>>, vector<1x16xf32>,
      %scan3A_914 = arith.constant 3 : i32
      %scan3A_915 = arith.addi %scan3A_599, %scan3A_914 : i32
      %add3A_916 = arith.constant 511 : i32
      %add3A_917 = arith.addi %scan3A_915, %add3A_916 : i32
      %get3A_918 = arith.index_cast %add3A_917 : i32 to index
      %get3A_919 = arith.constant 0 : index
      %get3A_920 = tpu.vector_load %arg4[%get3A_918, %get3A_919] {strides = array<i32>} : memref<1023x16xf32, #tpu.memory_space<vmem>>, vector<1x16xf32>,
      %get3A_921 = vector.shape_cast %get3A_920 : vector<1x16xf32> to vector<16xf32>
      %sub3A_922 = arith.constant 1 : i32
      %sub3A_923 = arith.subi %scan3A_915, %sub3A_922 : i32
      %get3A_924 = arith.index_cast %sub3A_923 : i32 to index
      %get3A_925 = arith.constant 0 : index
      %get3A_926 = tpu.vector_load %arg4[%get3A_924, %get3A_925] {strides = array<i32>} : memref<1023x16xf32, #tpu.memory_space<vmem>>, vector<1x16xf32>,
      %get3A_927 = vector.shape_cast %get3A_926 : vector<1x16xf32> to vector<16xf32>
      %sub3A_928 = arith.subf %get3A_921, %get3A_927 : vector<16xf32>
      %add3A_929 = arith.addf %add3A_825, %sub3A_928 : vector<16xf32>
      %add3A_930 = arith.constant 128 : i32
      %add3A_931 = arith.addi %add3A_930, %scan3A_915 : i32
      %add3A_932 = arith.constant 511 : i32
      %add3A_933 = arith.addi %add3A_931, %add3A_932 : i32
      %get3A_934 = arith.index_cast %add3A_933 : i32 to index
      %get3A_935 = arith.constant 0 : index
      %get3A_936 = tpu.vector_load %arg4[%get3A_934, %get3A_935] {strides = array<i32>} : memref<1023x16xf32, #tpu.memory_space<vmem>>, vector<1x16xf32>,
      %get3A_937 = vector.shape_cast %get3A_936 : vector<1x16xf32> to vector<16xf32>
      %add3A_938 = arith.constant 128 : i32
      %add3A_939 = arith.addi %add3A_938, %scan3A_915 : i32
      %sub3A_940 = arith.constant 1 : i32
      %sub3A_941 = arith.subi %add3A_939, %sub3A_940 : i32
      %get3A_942 = arith.index_cast %sub3A_941 : i32 to index
      %get3A_943 = arith.constant 0 : index
      %get3A_944 = tpu.vector_load %arg4[%get3A_942, %get3A_943] {strides = array<i32>} : memref<1023x16xf32, #tpu.memory_space<vmem>>, vector<1x16xf32>,
      %get3A_945 = vector.shape_cast %get3A_944 : vector<1x16xf32> to vector<16xf32>
      %sub3A_946 = arith.subf %get3A_937, %get3A_945 : vector<16xf32>
      %add3A_947 = arith.addf %add3A_843, %sub3A_946 : vector<16xf32>
      %add3A_948 = arith.constant 256 : i32
      %add3A_949 = arith.addi %add3A_948, %scan3A_915 : i32
      %add3A_950 = arith.constant 511 : i32
      %add3A_951 = arith.addi %add3A_949, %add3A_950 : i32
      %get3A_952 = arith.index_cast %add3A_951 : i32 to index
      %get3A_953 = arith.constant 0 : index
      %get3A_954 = tpu.vector_load %arg4[%get3A_952, %get3A_953] {strides = array<i32>} : memref<1023x16xf32, #tpu.memory_space<vmem>>, vector<1x16xf32>,
      %get3A_955 = vector.shape_cast %get3A_954 : vector<1x16xf32> to vector<16xf32>
      %add3A_956 = arith.constant 256 : i32
      %add3A_957 = arith.addi %add3A_956, %scan3A_915 : i32
      %sub3A_958 = arith.constant 1 : i32
      %sub3A_959 = arith.subi %add3A_957, %sub3A_958 : i32
      %get3A_960 = arith.index_cast %sub3A_959 : i32 to index
      %get3A_961 = arith.constant 0 : index
      %get3A_962 = tpu.vector_load %arg4[%get3A_960, %get3A_961] {strides = array<i32>} : memref<1023x16xf32, #tpu.memory_space<vmem>>, vector<1x16xf32>,
      %get3A_963 = vector.shape_cast %get3A_962 : vector<1x16xf32> to vector<16xf32>
      %sub3A_964 = arith.subf %get3A_955, %get3A_963 : vector<16xf32>
      %add3A_965 = arith.addf %add3A_861, %sub3A_964 : vector<16xf32>
      %add3A_966 = arith.constant 384 : i32
      %add3A_967 = arith.addi %add3A_966, %scan3A_915 : i32
      %add3A_968 = arith.constant 511 : i32
      %add3A_969 = arith.addi %add3A_967, %add3A_968 : i32
      %get3A_970 = arith.index_cast %add3A_969 : i32 to index
      %get3A_971 = arith.constant 0 : index
      %get3A_972 = tpu.vector_load %arg4[%get3A_970, %get3A_971] {strides = array<i32>} : memref<1023x16xf32, #tpu.memory_space<vmem>>, vector<1x16xf32>,
      %get3A_973 = vector.shape_cast %get3A_972 : vector<1x16xf32> to vector<16xf32>
      %add3A_974 = arith.constant 384 : i32
      %add3A_975 = arith.addi %add3A_974, %scan3A_915 : i32
      %sub3A_976 = arith.constant 1 : i32
      %sub3A_977 = arith.subi %add3A_975, %sub3A_976 : i32
      %get3A_978 = arith.index_cast %sub3A_977 : i32 to index
      %get3A_979 = arith.constant 0 : index
      %get3A_980 = tpu.vector_load %arg4[%get3A_978, %get3A_979] {strides = array<i32>} : memref<1023x16xf32, #tpu.memory_space<vmem>>, vector<1x16xf32>,
      %get3A_981 = vector.shape_cast %get3A_980 : vector<1x16xf32> to vector<16xf32>
      %sub3A_982 = arith.subf %get3A_973, %get3A_981 : vector<16xf32>
      %add3A_983 = arith.addf %add3A_879, %sub3A_982 : vector<16xf32>
      %mul3A_984 = vector.broadcast %scan3A_267 : f32 to vector<16xf32>
      %mul3A_985 = arith.mulf %add3A_929, %mul3A_984 : vector<16xf32>
      %swap3A_986 = arith.index_cast %scan3A_915 : i32 to index
      %swap3A_987 = arith.constant 0 : index
      %swap3A_988 = tpu.vector_load %arg5[%swap3A_986, %swap3A_987] {strides = array<i32>} : memref<512x16xf32, #tpu.memory_space<vmem>>, vector<1x16xf32>,
      %swap3A_989 = vector.shape_cast %swap3A_988 : vector<1x16xf32> to vector<16xf32>
      %swap3A_990 = vector.shape_cast %mul3A_985 : vector<16xf32> to vector<1x16xf32>
      tpu.vector_store %arg5[%swap3A_986, %swap3A_987], %swap3A_990 {strides = array<i32>} : memref<512x16xf32, #tpu.memory_space<vmem>>, vector<1x16xf32>,
      %mul3A_991 = vector.broadcast %scan3A_267 : f32 to vector<16xf32>
      %mul3A_992 = arith.mulf %add3A_947, %mul3A_991 : vector<16xf32>
      %add3A_993 = arith.constant 128 : i32
      %add3A_994 = arith.addi %add3A_993, %scan3A_915 : i32
      %swap3A_995 = arith.index_cast %add3A_994 : i32 to index
      %swap3A_996 = arith.constant 0 : index
      %swap3A_997 = tpu.vector_load %arg5[%swap3A_995, %swap3A_996] {strides = array<i32>} : memref<512x16xf32, #tpu.memory_space<vmem>>, vector<1x16xf32>,
      %swap3A_998 = vector.shape_cast %swap3A_997 : vector<1x16xf32> to vector<16xf32>
      %swap3A_999 = vector.shape_cast %mul3A_992 : vector<16xf32> to vector<1x16xf32>
      tpu.vector_store %arg5[%swap3A_995, %swap3A_996], %swap3A_999 {strides = array<i32>} : memref<512x16xf32, #tpu.memory_space<vmem>>, vector<1x16xf32>,
      %mul3A_1000 = vector.broadcast %scan3A_267 : f32 to vector<16xf32>
      %mul3A_1001 = arith.mulf %add3A_965, %mul3A_1000 : vector<16xf32>
      %add3A_1002 = arith.constant 256 : i32
      %add3A_1003 = arith.addi %add3A_1002, %scan3A_915 : i32
      %swap3A_1004 = arith.index_cast %add3A_1003 : i32 to index
      %swap3A_1005 = arith.constant 0 : index
      %swap3A_1006 = tpu.vector_load %arg5[%swap3A_1004, %swap3A_1005] {strides = array<i32>} : memref<512x16xf32, #tpu.memory_space<vmem>>, vector<1x16xf32>,
      %swap3A_1007 = vector.shape_cast %swap3A_1006 : vector<1x16xf32> to vector<16xf32>
      %swap3A_1008 = vector.shape_cast %mul3A_1001 : vector<16xf32> to vector<1x16xf32>
      tpu.vector_store %arg5[%swap3A_1004, %swap3A_1005], %swap3A_1008 {strides = array<i32>} : memref<512x16xf32, #tpu.memory_space<vmem>>, vector<1x16xf32>,
      %mul3A_1009 = vector.broadcast %scan3A_267 : f32 to vector<16xf32>
      %mul3A_1010 = arith.mulf %add3A_983, %mul3A_1009 : vector<16xf32>
      %add3A_1011 = arith.constant 384 : i32
      %add3A_1012 = arith.addi %add3A_1011, %scan3A_915 : i32
      %swap3A_1013 = arith.index_cast %add3A_1012 : i32 to index
      %swap3A_1014 = arith.constant 0 : index
      %swap3A_1015 = tpu.vector_load %arg5[%swap3A_1013, %swap3A_1014] {strides = array<i32>} : memref<512x16xf32, #tpu.memory_space<vmem>>, vector<1x16xf32>,
      %swap3A_1016 = vector.shape_cast %swap3A_1015 : vector<1x16xf32> to vector<16xf32>
      %swap3A_1017 = vector.shape_cast %mul3A_1010 : vector<16xf32> to vector<1x16xf32>
      tpu.vector_store %arg5[%swap3A_1013, %swap3A_1014], %swap3A_1017 {strides = array<i32>} : memref<512x16xf32, #tpu.memory_space<vmem>>, vector<1x16xf32>,
      scf.yield %add3A_929, %add3A_947, %add3A_965, %add3A_983 : vector<16xf32>, vector<16xf32>, vector<16xf32>, vector<16xf32>
    }
    %scan3A_273 = arith.constant 124 : i32
    %scan3A_274 = arith.addi %scan3A_268, %scan3A_273 : i32
    %add3A_275 = arith.constant 511 : i32
    %add3A_276 = arith.addi %scan3A_274, %add3A_275 : i32
    %get3A = arith.index_cast %add3A_276 : i32 to index
    %get3A_277 = arith.constant 0 : index
    %get3A_278 = tpu.vector_load %arg4[%get3A, %get3A_277] {strides = array<i32>} : memref<1023x16xf32, #tpu.memory_space<vmem>>, vector<1x16xf32>,
    %get3A_279 = vector.shape_cast %get3A_278 : vector<1x16xf32> to vector<16xf32>
    %sub3A_280 = arith.constant 1 : i32
    %sub3A_281 = arith.subi %scan3A_274, %sub3A_280 : i32
    %get3A_282 = arith.index_cast %sub3A_281 : i32 to index
    %get3A_283 = arith.constant 0 : index
    %get3A_284 = tpu.vector_load %arg4[%get3A_282, %get3A_283] {strides = array<i32>} : memref<1023x16xf32, #tpu.memory_space<vmem>>, vector<1x16xf32>,
    %get3A_285 = vector.shape_cast %get3A_284 : vector<1x16xf32> to vector<16xf32>
    %sub3A_286 = arith.subf %get3A_279, %get3A_285 : vector<16xf32>
    %add3A_287 = arith.addf %scan3A_272#0, %sub3A_286 : vector<16xf32>
    %add3A_288 = arith.constant 128 : i32
    %add3A_289 = arith.addi %add3A_288, %scan3A_274 : i32
    %add3A_290 = arith.constant 511 : i32
    %add3A_291 = arith.addi %add3A_289, %add3A_290 : i32
    %get3A_292 = arith.index_cast %add3A_291 : i32 to index
    %get3A_293 = arith.constant 0 : index
    %get3A_294 = tpu.vector_load %arg4[%get3A_292, %get3A_293] {strides = array<i32>} : memref<1023x16xf32, #tpu.memory_space<vmem>>, vector<1x16xf32>,
    %get3A_295 = vector.shape_cast %get3A_294 : vector<1x16xf32> to vector<16xf32>
    %add3A_296 = arith.constant 128 : i32
    %add3A_297 = arith.addi %add3A_296, %scan3A_274 : i32
    %sub3A_298 = arith.constant 1 : i32
    %sub3A_299 = arith.subi %add3A_297, %sub3A_298 : i32
    %get3A_300 = arith.index_cast %sub3A_299 : i32 to index
    %get3A_301 = arith.constant 0 : index
    %get3A_302 = tpu.vector_load %arg4[%get3A_300, %get3A_301] {strides = array<i32>} : memref<1023x16xf32, #tpu.memory_space<vmem>>, vector<1x16xf32>,
    %get3A_303 = vector.shape_cast %get3A_302 : vector<1x16xf32> to vector<16xf32>
    %sub3A_304 = arith.subf %get3A_295, %get3A_303 : vector<16xf32>
    %add3A_305 = arith.addf %scan3A_272#1, %sub3A_304 : vector<16xf32>
    %add3A_306 = arith.constant 256 : i32
    %add3A_307 = arith.addi %add3A_306, %scan3A_274 : i32
    %add3A_308 = arith.constant 511 : i32
    %add3A_309 = arith.addi %add3A_307, %add3A_308 : i32
    %get3A_310 = arith.index_cast %add3A_309 : i32 to index
    %get3A_311 = arith.constant 0 : index
    %get3A_312 = tpu.vector_load %arg4[%get3A_310, %get3A_311] {strides = array<i32>} : memref<1023x16xf32, #tpu.memory_space<vmem>>, vector<1x16xf32>,
    %get3A_313 = vector.shape_cast %get3A_312 : vector<1x16xf32> to vector<16xf32>
    %add3A_314 = arith.constant 256 : i32
    %add3A_315 = arith.addi %add3A_314, %scan3A_274 : i32
    %sub3A_316 = arith.constant 1 : i32
    %sub3A_317 = arith.subi %add3A_315, %sub3A_316 : i32
    %get3A_318 = arith.index_cast %sub3A_317 : i32 to index
    %get3A_319 = arith.constant 0 : index
    %get3A_320 = tpu.vector_load %arg4[%get3A_318, %get3A_319] {strides = array<i32>} : memref<1023x16xf32, #tpu.memory_space<vmem>>, vector<1x16xf32>,
    %get3A_321 = vector.shape_cast %get3A_320 : vector<1x16xf32> to vector<16xf32>
    %sub3A_322 = arith.subf %get3A_313, %get3A_321 : vector<16xf32>
    %add3A_323 = arith.addf %scan3A_272#2, %sub3A_322 : vector<16xf32>
    %add3A_324 = arith.constant 384 : i32
    %add3A_325 = arith.addi %add3A_324, %scan3A_274 : i32
    %add3A_326 = arith.constant 511 : i32
    %add3A_327 = arith.addi %add3A_325, %add3A_326 : i32
    %get3A_328 = arith.index_cast %add3A_327 : i32 to index
    %get3A_329 = arith.constant 0 : index
    %get3A_330 = tpu.vector_load %arg4[%get3A_328, %get3A_329] {strides = array<i32>} : memref<1023x16xf32, #tpu.memory_space<vmem>>, vector<1x16xf32>,
    %get3A_331 = vector.shape_cast %get3A_330 : vector<1x16xf32> to vector<16xf32>
    %add3A_332 = arith.constant 384 : i32
    %add3A_333 = arith.addi %add3A_332, %scan3A_274 : i32
    %sub3A_334 = arith.constant 1 : i32
    %sub3A_335 = arith.subi %add3A_333, %sub3A_334 : i32
    %get3A_336 = arith.index_cast %sub3A_335 : i32 to index
    %get3A_337 = arith.constant 0 : index
    %get3A_338 = tpu.vector_load %arg4[%get3A_336, %get3A_337] {strides = array<i32>} : memref<1023x16xf32, #tpu.memory_space<vmem>>, vector<1x16xf32>,
    %get3A_339 = vector.shape_cast %get3A_338 : vector<1x16xf32> to vector<16xf32>
    %sub3A_340 = arith.subf %get3A_331, %get3A_339 : vector<16xf32>
    %add3A_341 = arith.addf %scan3A_272#3, %sub3A_340 : vector<16xf32>
    %mul3A_342 = vector.broadcast %scan3A_267 : f32 to vector<16xf32>
    %mul3A_343 = arith.mulf %add3A_287, %mul3A_342 : vector<16xf32>
    %swap3A_344 = arith.index_cast %scan3A_274 : i32 to index
    %swap3A_345 = arith.constant 0 : index
    %swap3A_346 = tpu.vector_load %arg5[%swap3A_344, %swap3A_345] {strides = array<i32>} : memref<512x16xf32, #tpu.memory_space<vmem>>, vector<1x16xf32>,
    %swap3A_347 = vector.shape_cast %swap3A_346 : vector<1x16xf32> to vector<16xf32>
    %swap3A_348 = vector.shape_cast %mul3A_343 : vector<16xf32> to vector<1x16xf32>
    tpu.vector_store %arg5[%swap3A_344, %swap3A_345], %swap3A_348 {strides = array<i32>} : memref<512x16xf32, #tpu.memory_space<vmem>>, vector<1x16xf32>,
    %mul3A_349 = vector.broadcast %scan3A_267 : f32 to vector<16xf32>
    %mul3A_350 = arith.mulf %add3A_305, %mul3A_349 : vector<16xf32>
    %add3A_351 = arith.constant 128 : i32
    %add3A_352 = arith.addi %add3A_351, %scan3A_274 : i32
    %swap3A_353 = arith.index_cast %add3A_352 : i32 to index
    %swap3A_354 = arith.constant 0 : index
    %swap3A_355 = tpu.vector_load %arg5[%swap3A_353, %swap3A_354] {strides = array<i32>} : memref<512x16xf32, #tpu.memory_space<vmem>>, vector<1x16xf32>,
    %swap3A_356 = vector.shape_cast %swap3A_355 : vector<1x16xf32> to vector<16xf32>
    %swap3A_357 = vector.shape_cast %mul3A_350 : vector<16xf32> to vector<1x16xf32>
    tpu.vector_store %arg5[%swap3A_353, %swap3A_354], %swap3A_357 {strides = array<i32>} : memref<512x16xf32, #tpu.memory_space<vmem>>, vector<1x16xf32>,
    %mul3A_358 = vector.broadcast %scan3A_267 : f32 to vector<16xf32>
    %mul3A_359 = arith.mulf %add3A_323, %mul3A_358 : vector<16xf32>
    %add3A_360 = arith.constant 256 : i32
    %add3A_361 = arith.addi %add3A_360, %scan3A_274 : i32
    %swap3A_362 = arith.index_cast %add3A_361 : i32 to index
    %swap3A_363 = arith.constant 0 : index
    %swap3A_364 = tpu.vector_load %arg5[%swap3A_362, %swap3A_363] {strides = array<i32>} : memref<512x16xf32, #tpu.memory_space<vmem>>, vector<1x16xf32>,
    %swap3A_365 = vector.shape_cast %swap3A_364 : vector<1x16xf32> to vector<16xf32>
    %swap3A_366 = vector.shape_cast %mul3A_359 : vector<16xf32> to vector<1x16xf32>
    tpu.vector_store %arg5[%swap3A_362, %swap3A_363], %swap3A_366 {strides = array<i32>} : memref<512x16xf32, #tpu.memory_space<vmem>>, vector<1x16xf32>,
    %mul3A_367 = vector.broadcast %scan3A_267 : f32 to vector<16xf32>
    %mul3A_368 = arith.mulf %add3A_341, %mul3A_367 : vector<16xf32>
    %add3A_369 = arith.constant 384 : i32
    %add3A_370 = arith.addi %add3A_369, %scan3A_274 : i32
    %swap3A_371 = arith.index_cast %add3A_370 : i32 to index
    %swap3A_372 = arith.constant 0 : index
    %swap3A_373 = tpu.vector_load %arg5[%swap3A_371, %swap3A_372] {strides = array<i32>} : memref<512x16xf32, #tpu.memory_space<vmem>>, vector<1x16xf32>,
    %swap3A_374 = vector.shape_cast %swap3A_373 : vector<1x16xf32> to vector<16xf32>
    %swap3A_375 = vector.shape_cast %mul3A_368 : vector<16xf32> to vector<1x16xf32>
    tpu.vector_store %arg5[%swap3A_371, %swap3A_372], %swap3A_375 {strides = array<i32>} : memref<512x16xf32, #tpu.memory_space<vmem>>, vector<1x16xf32>,
    %scan3A_376 = arith.constant 125 : i32
    %scan3A_377 = arith.addi %scan3A_268, %scan3A_376 : i32
    %add3A_378 = arith.constant 511 : i32
    %add3A_379 = arith.addi %scan3A_377, %add3A_378 : i32
    %get3A_380 = arith.index_cast %add3A_379 : i32 to index
    %get3A_381 = arith.constant 0 : index
    %get3A_382 = tpu.vector_load %arg4[%get3A_380, %get3A_381] {strides = array<i32>} : memref<1023x16xf32, #tpu.memory_space<vmem>>, vector<1x16xf32>,
    %get3A_383 = vector.shape_cast %get3A_382 : vector<1x16xf32> to vector<16xf32>
    %sub3A_384 = arith.constant 1 : i32
    %sub3A_385 = arith.subi %scan3A_377, %sub3A_384 : i32
    %get3A_386 = arith.index_cast %sub3A_385 : i32 to index
    %get3A_387 = arith.constant 0 : index
    %get3A_388 = tpu.vector_load %arg4[%get3A_386, %get3A_387] {strides = array<i32>} : memref<1023x16xf32, #tpu.memory_space<vmem>>, vector<1x16xf32>,
    %get3A_389 = vector.shape_cast %get3A_388 : vector<1x16xf32> to vector<16xf32>
    %sub3A_390 = arith.subf %get3A_383, %get3A_389 : vector<16xf32>
    %add3A_391 = arith.addf %add3A_287, %sub3A_390 : vector<16xf32>
    %add3A_392 = arith.constant 128 : i32
    %add3A_393 = arith.addi %add3A_392, %scan3A_377 : i32
    %add3A_394 = arith.constant 511 : i32
    %add3A_395 = arith.addi %add3A_393, %add3A_394 : i32
    %get3A_396 = arith.index_cast %add3A_395 : i32 to index
    %get3A_397 = arith.constant 0 : index
    %get3A_398 = tpu.vector_load %arg4[%get3A_396, %get3A_397] {strides = array<i32>} : memref<1023x16xf32, #tpu.memory_space<vmem>>, vector<1x16xf32>,
    %get3A_399 = vector.shape_cast %get3A_398 : vector<1x16xf32> to vector<16xf32>
    %add3A_400 = arith.constant 128 : i32
    %add3A_401 = arith.addi %add3A_400, %scan3A_377 : i32
    %sub3A_402 = arith.constant 1 : i32
    %sub3A_403 = arith.subi %add3A_401, %sub3A_402 : i32
    %get3A_404 = arith.index_cast %sub3A_403 : i32 to index
    %get3A_405 = arith.constant 0 : index
    %get3A_406 = tpu.vector_load %arg4[%get3A_404, %get3A_405] {strides = array<i32>} : memref<1023x16xf32, #tpu.memory_space<vmem>>, vector<1x16xf32>,
    %get3A_407 = vector.shape_cast %get3A_406 : vector<1x16xf32> to vector<16xf32>
    %sub3A_408 = arith.subf %get3A_399, %get3A_407 : vector<16xf32>
    %add3A_409 = arith.addf %add3A_305, %sub3A_408 : vector<16xf32>
    %add3A_410 = arith.constant 256 : i32
    %add3A_411 = arith.addi %add3A_410, %scan3A_377 : i32
    %add3A_412 = arith.constant 511 : i32
    %add3A_413 = arith.addi %add3A_411, %add3A_412 : i32
    %get3A_414 = arith.index_cast %add3A_413 : i32 to index
    %get3A_415 = arith.constant 0 : index
    %get3A_416 = tpu.vector_load %arg4[%get3A_414, %get3A_415] {strides = array<i32>} : memref<1023x16xf32, #tpu.memory_space<vmem>>, vector<1x16xf32>,
    %get3A_417 = vector.shape_cast %get3A_416 : vector<1x16xf32> to vector<16xf32>
    %add3A_418 = arith.constant 256 : i32
    %add3A_419 = arith.addi %add3A_418, %scan3A_377 : i32
    %sub3A_420 = arith.constant 1 : i32
    %sub3A_421 = arith.subi %add3A_419, %sub3A_420 : i32
    %get3A_422 = arith.index_cast %sub3A_421 : i32 to index
    %get3A_423 = arith.constant 0 : index
    %get3A_424 = tpu.vector_load %arg4[%get3A_422, %get3A_423] {strides = array<i32>} : memref<1023x16xf32, #tpu.memory_space<vmem>>, vector<1x16xf32>,
    %get3A_425 = vector.shape_cast %get3A_424 : vector<1x16xf32> to vector<16xf32>
    %sub3A_426 = arith.subf %get3A_417, %get3A_425 : vector<16xf32>
    %add3A_427 = arith.addf %add3A_323, %sub3A_426 : vector<16xf32>
    %add3A_428 = arith.constant 384 : i32
    %add3A_429 = arith.addi %add3A_428, %scan3A_377 : i32
    %add3A_430 = arith.constant 511 : i32
    %add3A_431 = arith.addi %add3A_429, %add3A_430 : i32
    %get3A_432 = arith.index_cast %add3A_431 : i32 to index
    %get3A_433 = arith.constant 0 : index
    %get3A_434 = tpu.vector_load %arg4[%get3A_432, %get3A_433] {strides = array<i32>} : memref<1023x16xf32, #tpu.memory_space<vmem>>, vector<1x16xf32>,
    %get3A_435 = vector.shape_cast %get3A_434 : vector<1x16xf32> to vector<16xf32>
    %add3A_436 = arith.constant 384 : i32
    %add3A_437 = arith.addi %add3A_436, %scan3A_377 : i32
    %sub3A_438 = arith.constant 1 : i32
    %sub3A_439 = arith.subi %add3A_437, %sub3A_438 : i32
    %get3A_440 = arith.index_cast %sub3A_439 : i32 to index
    %get3A_441 = arith.constant 0 : index
    %get3A_442 = tpu.vector_load %arg4[%get3A_440, %get3A_441] {strides = array<i32>} : memref<1023x16xf32, #tpu.memory_space<vmem>>, vector<1x16xf32>,
    %get3A_443 = vector.shape_cast %get3A_442 : vector<1x16xf32> to vector<16xf32>
    %sub3A_444 = arith.subf %get3A_435, %get3A_443 : vector<16xf32>
    %add3A_445 = arith.addf %add3A_341, %sub3A_444 : vector<16xf32>
    %mul3A_446 = vector.broadcast %scan3A_267 : f32 to vector<16xf32>
    %mul3A_447 = arith.mulf %add3A_391, %mul3A_446 : vector<16xf32>
    %swap3A_448 = arith.index_cast %scan3A_377 : i32 to index
    %swap3A_449 = arith.constant 0 : index
    %swap3A_450 = tpu.vector_load %arg5[%swap3A_448, %swap3A_449] {strides = array<i32>} : memref<512x16xf32, #tpu.memory_space<vmem>>, vector<1x16xf32>,
    %swap3A_451 = vector.shape_cast %swap3A_450 : vector<1x16xf32> to vector<16xf32>
    %swap3A_452 = vector.shape_cast %mul3A_447 : vector<16xf32> to vector<1x16xf32>
    tpu.vector_store %arg5[%swap3A_448, %swap3A_449], %swap3A_452 {strides = array<i32>} : memref<512x16xf32, #tpu.memory_space<vmem>>, vector<1x16xf32>,
    %mul3A_453 = vector.broadcast %scan3A_267 : f32 to vector<16xf32>
    %mul3A_454 = arith.mulf %add3A_409, %mul3A_453 : vector<16xf32>
    %add3A_455 = arith.constant 128 : i32
    %add3A_456 = arith.addi %add3A_455, %scan3A_377 : i32
    %swap3A_457 = arith.index_cast %add3A_456 : i32 to index
    %swap3A_458 = arith.constant 0 : index
    %swap3A_459 = tpu.vector_load %arg5[%swap3A_457, %swap3A_458] {strides = array<i32>} : memref<512x16xf32, #tpu.memory_space<vmem>>, vector<1x16xf32>,
    %swap3A_460 = vector.shape_cast %swap3A_459 : vector<1x16xf32> to vector<16xf32>
    %swap3A_461 = vector.shape_cast %mul3A_454 : vector<16xf32> to vector<1x16xf32>
    tpu.vector_store %arg5[%swap3A_457, %swap3A_458], %swap3A_461 {strides = array<i32>} : memref<512x16xf32, #tpu.memory_space<vmem>>, vector<1x16xf32>,
    %mul3A_462 = vector.broadcast %scan3A_267 : f32 to vector<16xf32>
    %mul3A_463 = arith.mulf %add3A_427, %mul3A_462 : vector<16xf32>
    %add3A_464 = arith.constant 256 : i32
    %add3A_465 = arith.addi %add3A_464, %scan3A_377 : i32
    %swap3A_466 = arith.index_cast %add3A_465 : i32 to index
    %swap3A_467 = arith.constant 0 : index
    %swap3A_468 = tpu.vector_load %arg5[%swap3A_466, %swap3A_467] {strides = array<i32>} : memref<512x16xf32, #tpu.memory_space<vmem>>, vector<1x16xf32>,
    %swap3A_469 = vector.shape_cast %swap3A_468 : vector<1x16xf32> to vector<16xf32>
    %swap3A_470 = vector.shape_cast %mul3A_463 : vector<16xf32> to vector<1x16xf32>
    tpu.vector_store %arg5[%swap3A_466, %swap3A_467], %swap3A_470 {strides = array<i32>} : memref<512x16xf32, #tpu.memory_space<vmem>>, vector<1x16xf32>,
    %mul3A_471 = vector.broadcast %scan3A_267 : f32 to vector<16xf32>
    %mul3A_472 = arith.mulf %add3A_445, %mul3A_471 : vector<16xf32>
    %add3A_473 = arith.constant 384 : i32
    %add3A_474 = arith.addi %add3A_473, %scan3A_377 : i32
    %swap3A_475 = arith.index_cast %add3A_474 : i32 to index
    %swap3A_476 = arith.constant 0 : index
    %swap3A_477 = tpu.vector_load %arg5[%swap3A_475, %swap3A_476] {strides = array<i32>} : memref<512x16xf32, #tpu.memory_space<vmem>>, vector<1x16xf32>,
    %swap3A_478 = vector.shape_cast %swap3A_477 : vector<1x16xf32> to vector<16xf32>
    %swap3A_479 = vector.shape_cast %mul3A_472 : vector<16xf32> to vector<1x16xf32>
    tpu.vector_store %arg5[%swap3A_475, %swap3A_476], %swap3A_479 {strides = array<i32>} : memref<512x16xf32, #tpu.memory_space<vmem>>, vector<1x16xf32>,
    %scan3A_480 = arith.constant 126 : i32
    %scan3A_481 = arith.addi %scan3A_268, %scan3A_480 : i32
    %add3A_482 = arith.constant 511 : i32
    %add3A_483 = arith.addi %scan3A_481, %add3A_482 : i32
    %get3A_484 = arith.index_cast %add3A_483 : i32 to index
    %get3A_485 = arith.constant 0 : index
    %get3A_486 = tpu.vector_load %arg4[%get3A_484, %get3A_485] {strides = array<i32>} : memref<1023x16xf32, #tpu.memory_space<vmem>>, vector<1x16xf32>,
    %get3A_487 = vector.shape_cast %get3A_486 : vector<1x16xf32> to vector<16xf32>
    %sub3A_488 = arith.constant 1 : i32
    %sub3A_489 = arith.subi %scan3A_481, %sub3A_488 : i32
    %get3A_490 = arith.index_cast %sub3A_489 : i32 to index
    %get3A_491 = arith.constant 0 : index
    %get3A_492 = tpu.vector_load %arg4[%get3A_490, %get3A_491] {strides = array<i32>} : memref<1023x16xf32, #tpu.memory_space<vmem>>, vector<1x16xf32>,
    %get3A_493 = vector.shape_cast %get3A_492 : vector<1x16xf32> to vector<16xf32>
    %sub3A_494 = arith.subf %get3A_487, %get3A_493 : vector<16xf32>
    %add3A_495 = arith.addf %add3A_391, %sub3A_494 : vector<16xf32>
    %add3A_496 = arith.constant 128 : i32
    %add3A_497 = arith.addi %add3A_496, %scan3A_481 : i32
    %add3A_498 = arith.constant 511 : i32
    %add3A_499 = arith.addi %add3A_497, %add3A_498 : i32
    %get3A_500 = arith.index_cast %add3A_499 : i32 to index
    %get3A_501 = arith.constant 0 : index
    %get3A_502 = tpu.vector_load %arg4[%get3A_500, %get3A_501] {strides = array<i32>} : memref<1023x16xf32, #tpu.memory_space<vmem>>, vector<1x16xf32>,
    %get3A_503 = vector.shape_cast %get3A_502 : vector<1x16xf32> to vector<16xf32>
    %add3A_504 = arith.constant 128 : i32
    %add3A_505 = arith.addi %add3A_504, %scan3A_481 : i32
    %sub3A_506 = arith.constant 1 : i32
    %sub3A_507 = arith.subi %add3A_505, %sub3A_506 : i32
    %get3A_508 = arith.index_cast %sub3A_507 : i32 to index
    %get3A_509 = arith.constant 0 : index
    %get3A_510 = tpu.vector_load %arg4[%get3A_508, %get3A_509] {strides = array<i32>} : memref<1023x16xf32, #tpu.memory_space<vmem>>, vector<1x16xf32>,
    %get3A_511 = vector.shape_cast %get3A_510 : vector<1x16xf32> to vector<16xf32>
    %sub3A_512 = arith.subf %get3A_503, %get3A_511 : vector<16xf32>
    %add3A_513 = arith.addf %add3A_409, %sub3A_512 : vector<16xf32>
    %add3A_514 = arith.constant 256 : i32
    %add3A_515 = arith.addi %add3A_514, %scan3A_481 : i32
    %add3A_516 = arith.constant 511 : i32
    %add3A_517 = arith.addi %add3A_515, %add3A_516 : i32
    %get3A_518 = arith.index_cast %add3A_517 : i32 to index
    %get3A_519 = arith.constant 0 : index
    %get3A_520 = tpu.vector_load %arg4[%get3A_518, %get3A_519] {strides = array<i32>} : memref<1023x16xf32, #tpu.memory_space<vmem>>, vector<1x16xf32>,
    %get3A_521 = vector.shape_cast %get3A_520 : vector<1x16xf32> to vector<16xf32>
    %add3A_522 = arith.constant 256 : i32
    %add3A_523 = arith.addi %add3A_522, %scan3A_481 : i32
    %sub3A_524 = arith.constant 1 : i32
    %sub3A_525 = arith.subi %add3A_523, %sub3A_524 : i32
    %get3A_526 = arith.index_cast %sub3A_525 : i32 to index
    %get3A_527 = arith.constant 0 : index
    %get3A_528 = tpu.vector_load %arg4[%get3A_526, %get3A_527] {strides = array<i32>} : memref<1023x16xf32, #tpu.memory_space<vmem>>, vector<1x16xf32>,
    %get3A_529 = vector.shape_cast %get3A_528 : vector<1x16xf32> to vector<16xf32>
    %sub3A_530 = arith.subf %get3A_521, %get3A_529 : vector<16xf32>
    %add3A_531 = arith.addf %add3A_427, %sub3A_530 : vector<16xf32>
    %add3A_532 = arith.constant 384 : i32
    %add3A_533 = arith.addi %add3A_532, %scan3A_481 : i32
    %add3A_534 = arith.constant 511 : i32
    %add3A_535 = arith.addi %add3A_533, %add3A_534 : i32
    %get3A_536 = arith.index_cast %add3A_535 : i32 to index
    %get3A_537 = arith.constant 0 : index
    %get3A_538 = tpu.vector_load %arg4[%get3A_536, %get3A_537] {strides = array<i32>} : memref<1023x16xf32, #tpu.memory_space<vmem>>, vector<1x16xf32>,
    %get3A_539 = vector.shape_cast %get3A_538 : vector<1x16xf32> to vector<16xf32>
    %add3A_540 = arith.constant 384 : i32
    %add3A_541 = arith.addi %add3A_540, %scan3A_481 : i32
    %sub3A_542 = arith.constant 1 : i32
    %sub3A_543 = arith.subi %add3A_541, %sub3A_542 : i32
    %get3A_544 = arith.index_cast %sub3A_543 : i32 to index
    %get3A_545 = arith.constant 0 : index
    %get3A_546 = tpu.vector_load %arg4[%get3A_544, %get3A_545] {strides = array<i32>} : memref<1023x16xf32, #tpu.memory_space<vmem>>, vector<1x16xf32>,
    %get3A_547 = vector.shape_cast %get3A_546 : vector<1x16xf32> to vector<16xf32>
    %sub3A_548 = arith.subf %get3A_539, %get3A_547 : vector<16xf32>
    %add3A_549 = arith.addf %add3A_445, %sub3A_548 : vector<16xf32>
    %mul3A_550 = vector.broadcast %scan3A_267 : f32 to vector<16xf32>
    %mul3A_551 = arith.mulf %add3A_495, %mul3A_550 : vector<16xf32>
    %swap3A_552 = arith.index_cast %scan3A_481 : i32 to index
    %swap3A_553 = arith.constant 0 : index
    %swap3A_554 = tpu.vector_load %arg5[%swap3A_552, %swap3A_553] {strides = array<i32>} : memref<512x16xf32, #tpu.memory_space<vmem>>, vector<1x16xf32>,
    %swap3A_555 = vector.shape_cast %swap3A_554 : vector<1x16xf32> to vector<16xf32>
    %swap3A_556 = vector.shape_cast %mul3A_551 : vector<16xf32> to vector<1x16xf32>
    tpu.vector_store %arg5[%swap3A_552, %swap3A_553], %swap3A_556 {strides = array<i32>} : memref<512x16xf32, #tpu.memory_space<vmem>>, vector<1x16xf32>,
    %mul3A_557 = vector.broadcast %scan3A_267 : f32 to vector<16xf32>
    %mul3A_558 = arith.mulf %add3A_513, %mul3A_557 : vector<16xf32>
    %add3A_559 = arith.constant 128 : i32
    %add3A_560 = arith.addi %add3A_559, %scan3A_481 : i32
    %swap3A_561 = arith.index_cast %add3A_560 : i32 to index
    %swap3A_562 = arith.constant 0 : index
    %swap3A_563 = tpu.vector_load %arg5[%swap3A_561, %swap3A_562] {strides = array<i32>} : memref<512x16xf32, #tpu.memory_space<vmem>>, vector<1x16xf32>,
    %swap3A_564 = vector.shape_cast %swap3A_563 : vector<1x16xf32> to vector<16xf32>
    %swap3A_565 = vector.shape_cast %mul3A_558 : vector<16xf32> to vector<1x16xf32>
    tpu.vector_store %arg5[%swap3A_561, %swap3A_562], %swap3A_565 {strides = array<i32>} : memref<512x16xf32, #tpu.memory_space<vmem>>, vector<1x16xf32>,
    %mul3A_566 = vector.broadcast %scan3A_267 : f32 to vector<16xf32>
    %mul3A_567 = arith.mulf %add3A_531, %mul3A_566 : vector<16xf32>
    %add3A_568 = arith.constant 256 : i32
    %add3A_569 = arith.addi %add3A_568, %scan3A_481 : i32
    %swap3A_570 = arith.index_cast %add3A_569 : i32 to index
    %swap3A_571 = arith.constant 0 : index
    %swap3A_572 = tpu.vector_load %arg5[%swap3A_570, %swap3A_571] {strides = array<i32>} : memref<512x16xf32, #tpu.memory_space<vmem>>, vector<1x16xf32>,
    %swap3A_573 = vector.shape_cast %swap3A_572 : vector<1x16xf32> to vector<16xf32>
    %swap3A_574 = vector.shape_cast %mul3A_567 : vector<16xf32> to vector<1x16xf32>
    tpu.vector_store %arg5[%swap3A_570, %swap3A_571], %swap3A_574 {strides = array<i32>} : memref<512x16xf32, #tpu.memory_space<vmem>>, vector<1x16xf32>,
    %mul3A_575 = vector.broadcast %scan3A_267 : f32 to vector<16xf32>
    %mul3A_576 = arith.mulf %add3A_549, %mul3A_575 : vector<16xf32>
    %add3A_577 = arith.constant 384 : i32
    %add3A_578 = arith.addi %add3A_577, %scan3A_481 : i32
    %swap3A_579 = arith.index_cast %add3A_578 : i32 to index
    %swap3A_580 = arith.constant 0 : index
    %swap3A_581 = tpu.vector_load %arg5[%swap3A_579, %swap3A_580] {strides = array<i32>} : memref<512x16xf32, #tpu.memory_space<vmem>>, vector<1x16xf32>,
    %swap3A_582 = vector.shape_cast %swap3A_581 : vector<1x16xf32> to vector<16xf32>
    %swap3A_583 = vector.shape_cast %mul3A_576 : vector<16xf32> to vector<1x16xf32>
    tpu.vector_store %arg5[%swap3A_579, %swap3A_580], %swap3A_583 {strides = array<i32>} : memref<512x16xf32, #tpu.memory_space<vmem>>, vector<1x16xf32>,
    %scan3A_584 = arith.constant 127 : i32
    %dma_start3A_585 = arith.constant 0 : i32
    %dma_start3A_586 = arith.constant 0 : i32
    %dma_start3A_587 = tpu.memref_slice %arg3[%dma_start3A_585, %dma_start3A_586, %mul3A_2] : memref<4x512x512xf32, #tpu.memory_space<hbm>> -> memref<1x512x16xf32, #tpu.memory_space<hbm>>
    %dma_start3A_588 = tpu.memref_squeeze %dma_start3A_587 : memref<1x512x16xf32, #tpu.memory_space<hbm>> -> memref<512x16xf32, #tpu.memory_space<hbm>>
    %dma_start3A_589 = arith.constant 0 : i32
    %dma_start3A_590 = tpu.memref_slice %arg3[%dma_start3A_585, %dma_start3A_589, %mul3A_2] : memref<4x512x512xf32, #tpu.memory_space<hbm>> -> memref<1x512x16xf32, #tpu.memory_space<hbm>>
    %dma_start3A_591 = tpu.memref_squeeze %dma_start3A_590 : memref<1x512x16xf32, #tpu.memory_space<hbm>> -> memref<512x16xf32, #tpu.memory_space<hbm>>
    tpu.enqueue_dma source(%arg5 : memref<512x16xf32, #tpu.memory_space<vmem>>) target(%dma_start3A_591 : memref<512x16xf32, #tpu.memory_space<hbm>>) target_semaphore(%arg7 : memref<!tpu.dma_semaphore, #tpu.memory_space<semaphore_mem>>)
    %dma_wait3A_592 = arith.constant 0 : i32
    %dma_wait3A_593 = arith.constant 0 : i32
    %dma_wait3A_594 = tpu.memref_slice %arg3[%dma_wait3A_592, %dma_wait3A_593, %mul3A_2] : memref<4x512x512xf32, #tpu.memory_space<hbm>> -> memref<1x512x16xf32, #tpu.memory_space<hbm>>
    %dma_wait3A_595 = tpu.memref_squeeze %dma_wait3A_594 : memref<1x512x16xf32, #tpu.memory_space<hbm>> -> memref<512x16xf32, #tpu.memory_space<hbm>>
    %dma_wait3A_596 = arith.constant 0 : i32
    %dma_wait3A_597 = tpu.memref_slice %arg3[%dma_wait3A_592, %dma_wait3A_596, %mul3A_2] : memref<4x512x512xf32, #tpu.memory_space<hbm>> -> memref<1x512x16xf32, #tpu.memory_space<hbm>>
    %dma_wait3A_598 = tpu.memref_squeeze %dma_wait3A_597 : memref<1x512x16xf32, #tpu.memory_space<hbm>> -> memref<512x16xf32, #tpu.memory_space<hbm>>
    tpu.wait_dma2 semaphore(%arg7 : memref<!tpu.dma_semaphore, #tpu.memory_space<semaphore_mem>>) src(%arg5 : memref<512x16xf32, #tpu.memory_space<vmem>>) dst(%dma_wait3A_598 : memref<512x16xf32, #tpu.memory_space<hbm>>)
    return
  }
}

</mosaic_0001>

<sc_bundles>
// kernel: kernel.3.cloned.1.call-start
scs
__scs_entry_jumppad:
0x0: {  	(pc) =	sbr.rel $0x88, $3  }
0x1: {  	(tag) =	ssettag $0x0;
	lr =	simm.s32 $0x1  }
0x2: {  	[smem:$0x3FA0] =	sst lr;
	_ =	strace $0xD0000000  }
0x3: {  	_ = 	snop  }
0x4: {  	_ = 	snop  }
0x5: {  	_ = 	snop  }
0x6: {  	_ = 	snop  }
0x7: {  	_ = 	snop  }
__scs_overlays_trampoline_lowered:
0x8: {  	[smem:$0x3FAF] =	sst s0  }
0x9: {  	[smem:$0x3FB0] =	sst s1  }
0xa: {  	[smem:$0x3FB1] =	sst s2  }
0xb: {  	[smem:$0x3FB2] =	sst s3  }
0xc: {  	[smem:$0x3FB3] =	sst s4  }
0xd: {  	[smem:$0x3FB4] =	sst s5  }
0xe: {  	[smem:$0x3FB5] =	sst s6  }
0xf: {  	[smem:$0x3FB6] =	sst s7  }
0x10: {  	[smem:$0x3FB7] =	sst s8  }
0x11: {  	[smem:$0x3FB8] =	sst s9;
	s0 =	simm.s32 @!p0 $0x0  }
0x12: {  	s1 =	sld [smem:$0x3F9E];
	s0 =	simm.s32 @p0 $0x1  }
0x13: {  	[smem:$0x3FB9] =	sst s0;
	s0 =	simm.s32 @!p1 $0x0  }
0x14: {  	s2 =	sld [smem:$0x3F9D];
	s0 =	simm.s32 @p1 $0x1  }
0x15: {  	[smem:$0x3FBA] =	sst s0;
	s0 =	simm.s32 @!p2 $0x0  }
0x16: {  	s3 =	sld [smem:$0x3FDB];
	s0 =	simm.s32 @p2 $0x1  }
0x17: {  	s4 =	simm.s32 $0x1BF5;
	[smem:$0x3FBC] =	sst s0  }
0x18: {  	s0 =	sld [smem:$0x3F9F];
	_ =	swait.ge [sflag:s4], $0x0  }
0x19: {  	s7 =	sld [smem:$0x3FA0]  }
0x1a: {  	s8 =	sadd.s32 $0xFFFFE003, lr  }
0x1b: {  	s9 =	sadd.s32 $0xFFFFFEF7, lr;
	s5 =	simm.s32 $0xFFFFFFFF;
	p2 =	slt.u32 s8, $0xFFFFF086  }
0x1c: {  	p1 =	slt.u32 s9, $0xF7A;
	s5 =	simm.s32 @!p2 $0x0  }
0x1d: {  	s5 =	simm.s32 @p1 $0x1;
	p0 =	seq.s32 s7, s2  }
0x1e: {  	s7 =	smul.u32 @!p0 $0xF7A, s2;
	p2 =	seq.s32 @!p0 s5, $0x0  }
0x1f: {  	s9 =	smul.u32 $0xF7A, s1;
	s8 =	simm.s32 @!p0 $0x1BF5;
	p2 =	por !p2, p0  }
0x20: {  	[sflag:s8] =	ssyncset.s32 @!p0 $0xFFFFF086;
	s6 =	sadd.s32 @!p0 s3, s7;
	s7 =	simm.s32 @!p0 $0x108  }
0x21: {  	s3 =	sadd.s32 s3, s9;
	s6 =	sadd.s32 @!p0 $0x88, s6;
	s7 =	simm.s32 @p2 $0x1082  }
0x22: {  	[simem:s7], [sflag:s8] =	dma.local @!p0 [hbm:s6], $0xF7A  }
0x23: {  	s9 =	sor.u32 $0xD0000000, s2;
	s6 =	simm.s32 $0x108;
	_ =	swait.ge @!p0 [sflag:s8], $0x0  }
0x24: {  	s3 =	sadd.s32 $0x88, s3;
	s6 =	simm.s32 @!p1 $0x1082;
	[sflag:s4] =	ssyncset.s32 $0xFFFFF086  }
0x25: {  	[simem:s6], [sflag:s4] =	dma.local [hbm:s3], $0xF7A  }
0x26: {  	[smem:$0x3FA0] =	sst s1;
	(tag) =	ssettag s2;
	_ =	strace s9  }
0x27: {  	s1 =	sld [smem:$0x3FB0]  }
0x28: {  	s2 =	sld [smem:$0x3FB1]  }
0x29: {  	s4 =	sld [smem:$0x3FB3]  }
0x2a: {  	p0 =	seq.s32 s5, $0x0;
	s5 =	sld [smem:$0x3FB4]  }
0x2b: {  	s6 =	sld [smem:$0x3FB5]  }
0x2c: {  	s7 =	sld [smem:$0x3FB6]  }
0x2d: {  	s3 =	simm.s32 $0x108;
	s8 =	sld [smem:$0x3FB7]  }
0x2e: {  	s3 =	simm.s32 @!p0 $0x1082;
	s9 =	sld [smem:$0x3FB8]  }
0x2f: {  	lr =	sadd.s32 s0, s3;
	s0 =	sld [smem:$0x3FAF]  }
0x30: {  	s3 =	sld [smem:$0x3FB2]  }
0x31: {  	[smem:$0x3FBB] =	sst s10  }
0x32: {  	s10 =	sld [smem:$0x3FB9];
	_ =	sdelay $0x3  }
0x33: {  	p0 =	seq.s32 s10, $0x1;
	s10 =	sld [smem:$0x3FBB];
	_ =	sdelay $0x3  }
0x34: {  	[smem:$0x3FBB] =	sst s10  }
0x35: {  	s10 =	sld [smem:$0x3FBA];
	_ =	sdelay $0x3  }
0x36: {  	p1 =	seq.s32 s10, $0x1;
	s10 =	sld [smem:$0x3FBB];
	_ =	sdelay $0x3  }
0x37: {  	[smem:$0x3FBB] =	sst s10  }
0x38: {  	s10 =	sld [smem:$0x3FBC]  }
0x39: {  	_ = 	snop;
	(pc) =	sbr.ind lr, $3  }
0x3a: {  	_ = 	snop  }
0x3b: {  	_ = 	snop  }
0x3c: {  	p2 =	seq.s32 s10, $0x1;
	s10 =	sld [smem:$0x3FBB]  }
0x3d: {  	_ =	shalt  }
0x3e: {  	_ =	shalt  }
0x3f: {  	_ =	shalt  }
0x40: {  	_ =	shalt  }
0x41: {  	_ =	shalt  }
0x42: {  	_ =	shalt  }
0x43: {  	_ =	shalt  }
0x44: {  	_ =	shalt  }
0x45: {  	_ =	shalt  }
0x46: {  	_ =	shalt  }
0x47: {  	_ =	shalt  }
0x48: {  	_ =	shalt  }
0x49: {  	_ =	shalt  }
0x4a: {  	_ =	shalt  }
0x4b: {  	_ =	shalt  }
0x4c: {  	_ =	shalt  }
0x4d: {  	_ =	shalt  }
0x4e: {  	_ =	shalt  }
0x4f: {  	_ =	shalt  }
0x50: {  	_ =	shalt  }
0x51: {  	_ =	shalt  }
0x52: {  	_ =	shalt  }
0x53: {  	_ =	shalt  }
0x54: {  	_ =	shalt  }
0x55: {  	_ =	shalt  }
0x56: {  	_ =	shalt  }
0x57: {  	_ =	shalt  }
0x58: {  	_ =	shalt  }
0x59: {  	_ =	shalt  }
0x5a: {  	_ =	shalt  }
0x5b: {  	_ =	shalt  }
0x5c: {  	_ =	shalt  }
0x5d: {  	_ =	shalt  }
0x5e: {  	_ =	shalt  }
0x5f: {  	_ =	shalt  }
0x60: {  	_ =	shalt  }
0x61: {  	_ =	shalt  }
0x62: {  	_ =	shalt  }
0x63: {  	_ =	shalt  }
0x64: {  	_ =	shalt  }
0x65: {  	_ =	shalt  }
0x66: {  	_ =	shalt  }
0x67: {  	_ =	shalt  }
0x68: {  	_ =	shalt  }
0x69: {  	_ =	shalt  }
0x6a: {  	_ =	shalt  }
0x6b: {  	_ =	shalt  }
0x6c: {  	_ =	shalt  }
0x6d: {  	_ =	shalt  }
0x6e: {  	_ =	shalt  }
0x6f: {  	_ =	shalt  }
0x70: {  	_ =	shalt  }
0x71: {  	_ =	shalt  }
0x72: {  	_ =	shalt  }
0x73: {  	_ =	shalt  }
0x74: {  	_ =	shalt  }
0x75: {  	_ =	shalt  }
0x76: {  	_ =	shalt  }
0x77: {  	_ =	shalt  }
0x78: {  	_ =	shalt  }
0x79: {  	_ =	shalt  }
0x7a: {  	_ =	shalt  }
0x7b: {  	_ =	shalt  }
0x7c: {  	_ =	shalt  }
0x7d: {  	_ =	shalt  }
0x7e: {  	_ =	shalt  }
0x7f: {  	_ =	shalt  }
0x80: {  	_ =	shalt  }
0x81: {  	_ =	shalt  }
0x82: {  	_ =	shalt  }
0x83: {  	_ =	shalt  }
0x84: {  	_ =	shalt  }
0x85: {  	_ =	shalt  }
0x86: {  	_ =	shalt  }
0x87: {  	_ =	shalt  }
.Lfunc_end0:
.L_simem_size_0:
called_computation_lowered:
.L_overlay_start_0:
0x88: {  	s2 =	sld [smem:$0x3FD9]  }
0x89: {  	s3 =	sld [smem:$0x3FFE];
	_ =	sdelay $0x1  }
0x8a: {  	s1 =	srdreg.scid  }
0x8b: {  	s0 =	sand.u32 $0x1, s1  }
0x8c: {  	s17 =	sshll.u32 s0, $0xA;
	s2 =	sadd.s32 s3, s2  }
0x8d: {  	s2 =	sadd.s32 s2, s17  }
0x8e: {  	[smem:$0x3FC7] =	sst s2  }
0x8f: {  	_ = 	snop  }
0x90: {  	s2 =	sld [smem:$0x3FD0];
	(tm) =	ssettm $0x1  }
0x91: {  	s18 =	sld [smem:$0x3FFB];
	_ =	sdelay $0x3  }
0x92: {  	_ =	strace s18  }
0x93: {  	s3 =	sld [smem:$0x3FFC];
	_ =	sdelay $0x3  }
0x94: {  	_ =	strace s3  }
0x95: {  	s3 =	sld [smem:$0x3FFD];
	_ =	sdelay $0x3  }
0x96: {  	_ =	strace s3  }
0x97: {  	_ =	strace $0x8FFFFFFF  }
0x98: {  	s19 =	sld [smem:$0x3FDB];
	_ =	sdelay $0x1  }
0x99: {  	s4 =	simm.s32 $_scs_section_size  }
0x9a: {  	s5 =	simm.s32 $_size__tile_overlayer_lowered;
	s6 =	simm.s32 $_tile_overlayer_lowered  }
0x9b: {  	s22 =	simm.s32 $0x1BFF;
	s21 =	sshll.u32 s6, $0x1;
	s3 =	sadd.s32 s4, s19  }
0x9c: {  	s7 =	simm.s32 $0x0;
	s20 =	sshll.u32 s5, $0x1;
	s5 =	sadd.s32 s21, s3  }
0x9d: {  	[timem:s7], [sflag:s22] =	dma.local [hbm:s5], s20  }
0x9e: {  	_ =	swait.ge [sflag:s22], s20  }
0x9f: {  	s4 =	ssub.s32 $0x0, s20;
	[sflag:s22] =	ssyncset.done $0x0  }
0xa0: {  	[sflag:s22] =	ssyncadd.s32 s4;
	_ =	sdelay $0x1  }
0xa1: {  	s23 =	simm.s32 $0x1B8B  }
0xa2: {  	_ =	swait.ge [sflag:s23], $0x1  }
0xa3: {  	[sflag:s23] =	ssyncset.done $0x0  }
0xa4: {  	s25 =	simm.s32 $0x1B8E;
	s24 =	sld [smem:$0x3FFE];
	[sflag:s23] =	ssyncadd.s32 $0xFFFFFFFF  }
0xa5: {  	s26 =	simm.s32 $execute0_lowered;
	[smem:$0x3FD2] =	sst s25  }
0xa6: {  	s5 =	sshll.u32 s26, $0x1;
	_ =	strace $0x80000046;
	[dreg:$0x1] =	wrdreg $0xFFFFFFFF  }
0xa7: {  	s28 =	simm.s32 $_size_execute0_lowered;
	s3 =	sadd.s32 s3, s5;
	[dreg:$0x0] =	wrdreg $0x0  }
0xa8: {  	s5 =	sshll.u32 s28, $0x1;
	[dreg:$0x2] =	wrdreg s3  }
0xa9: {  	[dreg:$0x3] =	wrdreg s5  }
0xaa: {  	[dreg:$0x4] =	wrdreg $0xC0  }
0xab: {  	_ =	task [dreg:s7], $0x5FFFF  }
0xac: {  	[dreg:$0x1] =	wrdreg $0xFFFFFFFF  }
0xad: {  	[dreg:$0x0] =	wrdreg $0x60  }
0xae: {  	[dreg:$0x2] =	wrdreg s2  }
0xaf: {  	[dreg:$0x3] =	wrdreg s24  }
0xb0: {  	[dreg:$0x4] =	wrdreg $0x9  }
0xb1: {  	_ =	task.clear_ibuf [dreg:s7], $0x5FFFF;
	_ =	strace $0x90000046  }
0xb2: {  	s29 =	simm.s32 $0x9;
	_ =	strace $0x80000048  }
0xb3: {  	_ =	swait.ge [sflag:s29], $0x1  }
0xb4: {  	[sflag:s29] =	ssyncadd.s32 $0xFFFFFFFF  }
0xb5: {  	_ =	strace $0x90000048  }
0xb6: {  	_ =	sfence  }
0xb7: {  	s30 =	sld [smem:$0x0];
	_ =	sdelay $0x2  }
0xb8: {  	s31 =	sshll.u32 s1, $0xD;
	s1 =	sshrl.u32 s1, $0x2  }
0xb9: {  	s3 =	sand.u32 $0x4000, s31;
	s1 =	sadd.s32 s1, s30  }
0xba: {  	s0 =	sor.u32 s3, s0;
	s1 =	sshll.u32 s1, $0x11  }
0xbb: {  	s0 =	sor.u32 s1, s0  }
0xbc: {  	s0 =	sadd.s32 $0x8F2B, s0  }
0xbd: {  	[sflag:s0] =	ssyncadd.remote.s32 $0x1  }
0xbe: {  	_ =	sfence.sel $0xFFFF  }
0xbf: {  	[dreg:$0x0] =	wrdreg $0xFFFFFFFF;
	(pc) =	sbr.abs _section_cstart, $3  }
0xc0: {  	[dreg:$0x1] =	wrdreg $0xFFFFFFFF  }
0xc1: {  	_ =	task.clear_ibuf [dreg:s7], $0x2FFFF;
	_ =	strace $0x9FFFFFFF  }
0xc2: {  	(tm) =	ssettm $0x7FFFFFFF  }
0xc3: {  	_ =	shalt  }
tec
execute0_lowered:
.L_overlay_start_1:
0x0: {  	(tag) =	ssettag $0x1  }
0x1: {  	s3 =	rddreg [dreg:$0x0]  }
0x2: {  	s4 =	rddreg [dreg:$0x1];
	s2 =	srdreg.scid  }
0x3: {  	s0 =	rddreg [dreg:$0x2];
	s1 =	stileid.u32;
	s13 =	simm.s32 $0x10  }
0x4: {  	s14 =	simm.s32 $0x200;
	s15 =	simm.s32 $0x800;
	s16 =	simm.s32 $0x1000  }
0x5: {  	s17 =	simm.s32 $0x1800;
	s18 =	simm.s32 $0x2000;
	s19 =	simm.s32 $0x2800  }
0x6: {  	s20 =	simm.s32 $0x3000;
	s21 =	simm.s32 $0x3800;
	s22 =	simm.s32 $0x1  }
0x7: {  	s23 =	simm.s32 $0x3FF0;
	s24 =	simm.s32 $0x2;
	s25 =	simm.s32 $0x0  }
0x8: {  	s5 =	sand.u32 $0x1, s2;
	s2 =	simm.s32 $0x0;
	s7 =	sshll.u32 s1, $0x1  }
0x9: {  	s6 =	sshll.u32 s5, $0x5;
	[smem:$0x7FF] =	sst s2;
	s5 =	ssub.s32 $0x2, s5  }
0xa: {  	s6 =	sor.u32 s7, s6;
	_ =	strace $0x80000047;
	s31 =	sshrl.u32 s5, $0x1  }
0xb: {  	s3 =	sadd.s32 s3, s6;
	s11 =	sadd.s32 s6, s4;
	s12 =	ssub.s32 s5, s31  }
0xc: {  	s4 =	sadd.s32 $0x2000, s3;
	s5 =	sadd.s32 $0x4000, s3;
	s6 =	sadd.s32 $0x6000, s3  }
0xd: {  	s7 =	sadd.s32 $0x8000, s3;
	s8 =	sadd.s32 $0xA000, s3;
	s9 =	sadd.s32 $0xC000, s3  }
0xe: {  	s10 =	sadd.s32 $0xE000, s3;
	s11 =	sadd.s32 $0x400, s11;
	s12 =	smax.u32 s12, $0x1  }
.LBB2_1:
0xf: {  	[tilespmem:s2], [sflag:$0x1] =	stream.strided.gather [hbm4b:s3+s13], $0x800, s14, s13, $0x38;
	[tilespmem:$0x5FF0] =	vst v63  }
0x10: {  	_ = 	snop  }
0x11: {  	[tilespmem:s15], [sflag:$0x1] =	stream.strided.gather [hbm4b:s4+s13], $0x800, s14, s13, $0x38;
	[tilespmem:$0x5FF0] =	vst v63  }
0x12: {  	_ = 	snop  }
0x13: {  	[tilespmem:s16], [sflag:$0x1] =	stream.strided.gather [hbm4b:s5+s13], $0x800, s14, s13, $0x38;
	[tilespmem:$0x5FF0] =	vst v63  }
0x14: {  	_ = 	snop  }
0x15: {  	[tilespmem:s17], [sflag:$0x1] =	stream.strided.gather [hbm4b:s6+s13], $0x800, s14, s13, $0x38;
	[tilespmem:$0x5FF0] =	vst v63  }
0x16: {  	_ = 	snop  }
0x17: {  	[tilespmem:s18], [sflag:$0x1] =	stream.strided.gather [hbm4b:s7+s13], $0x800, s14, s13, $0x38;
	[tilespmem:$0x5FF0] =	vst v63  }
0x18: {  	_ = 	snop  }
0x19: {  	[tilespmem:s19], [sflag:$0x1] =	stream.strided.gather [hbm4b:s8+s13], $0x800, s14, s13, $0x38;
	[tilespmem:$0x5FF0] =	vst v63  }
0x1a: {  	_ = 	snop  }
0x1b: {  	[tilespmem:s20], [sflag:$0x1] =	stream.strided.gather [hbm4b:s9+s13], $0x800, s14, s13, $0x38;
	[tilespmem:$0x5FF0] =	vst v63  }
0x1c: {  	_ = 	snop  }
0x1d: {  	[tilespmem:s21], [sflag:$0x1] =	stream.strided.gather [hbm4b:s10+s13], $0x7F0, s14, s13, $0x38;
	[tilespmem:$0x5FF0] =	vst v63  }
0x1e: {  	_ =	swait.ge [sflag:s22], $0x800  }
0x1f: {  	[sflag:s22] =	ssyncset.done $0x0  }
0x20: {  	s28 =	simm.s32 $0x400;
	[sflag:s22] =	ssyncadd.s32 $0xFFFFF800  }
0x21: {  	v0 =	vld [tilespmem:s28+$0xFFFFFC70]  }
0x22: {  	v1 =	vld [tilespmem:s28+$0xFFFFFE70]  }
0x23: {  	v2 =	vld [tilespmem:s28+$0xFFFFFC60]  }
0x24: {  	v3 =	vld [tilespmem:s28+$0xFFFFFE60]  }
0x25: {  	v4 =	vld [tilespmem:s28+$0xFFFFFC50]  }
0x26: {  	v5 =	vld [tilespmem:s28+$0xFFFFFE50]  }
0x27: {  	v6 =	vld [tilespmem:s28+$0xFFFFFC40]  }
0x28: {  	v7 =	vld [tilespmem:s28+$0xFFFFFE40]  }
0x29: {  	v9 =	vld [tilespmem:s28+$0xFFFFFC30]  }
0x2a: {  	v10 =	vld [tilespmem:s28+$0xFFFFFE30]  }
0x2b: {  	v8 =	vld [tilespmem:s28+$0xFFFFFC20]  }
0x2c: {  	v11 =	vld [tilespmem:s28+$0xFFFFFE20]  }
0x2d: {  	v12 =	vld [tilespmem:s28+$0xFFFFFC10]  }
0x2e: {  	v13 =	vld [tilespmem:s28+$0xFFFFFE10]  }
0x2f: {  	v14 =	vld [tilespmem:s28+$0xFFFFFC00]  }
0x30: {  	v15 =	vld [tilespmem:s28+$0xFFFFFE00]  }
0x31: {  	v16 =	vld [tilespmem:s28+$0x0]  }
0x32: {  	v17 =	vld [tilespmem:s28+$0x200]  }
0x33: {  	v18 =	vld [tilespmem:s28+$0x10]  }
0x34: {  	v19 =	vld [tilespmem:s28+$0x210]  }
0x35: {  	v20 =	vimm.f32 $0.0e+00;
	v21 =	vld [tilespmem:s28+$0x20]  }
0x36: {  	v22 =	vld [tilespmem:s28+$0x220];
	v14 =	vadd.f32 v14, v20;
	v15 =	vadd.f32 v15, v20  }
0x37: {  	v63 =	vld [tilespmem:s28+$0x30];
	v16 =	vadd.f32 v16, v20;
	v17 =	vadd.f32 v17, v20  }
0x38: {  	v12 =	vadd.f32 v12, v14;
	v13 =	vadd.f32 v13, v15;
	v14 =	vld [tilespmem:s28+$0x230]  }
0x39: {  	v15 =	vadd.f32 v18, v16;
	v16 =	vadd.f32 v19, v17;
	v17 =	vld [tilespmem:s28+$0x40]  }
0x3a: {  	v12 =	vadd.f32 v8, v12;
	v11 =	vadd.f32 v11, v13;
	v13 =	vld [tilespmem:s28+$0x240]  }
0x3b: {  	v15 =	vadd.f32 v21, v15;
	v16 =	vadd.f32 v22, v16;
	v8 =	vld [tilespmem:s28+$0x50]  }
0x3c: {  	v12 =	vadd.f32 v9, v12;
	v10 =	vadd.f32 v10, v11;
	v11 =	vld [tilespmem:s28+$0x250]  }
0x3d: {  	v15 =	vadd.f32 v63, v15;
	v9 =	vld [tilespmem:s28+$0x60];
	v16 =	vadd.f32 v14, v16  }
0x3e: {  	v6 =	vadd.f32 v6, v12;
	v7 =	vadd.f32 v7, v10;
	v12 =	vld [tilespmem:s28+$0x260]  }
0x3f: {  	v14 =	vadd.f32 v17, v15;
	v10 =	vld [tilespmem:s28+$0x70];
	v15 =	vadd.f32 v13, v16  }
0x40: {  	s26 =	simm.s32 $0x0;
	v13 =	vld [tilespmem:s28+$0x270];
	s28 =	simm.s32 $0x480;
	v16 =	vadd.f32 v4, v6;
	v17 =	vadd.f32 v5, v7  }
.LBB2_2:
0x41: {  	v4 =	vld [tilespmem:s28+$0xFFFFFC70];
	v5 =	vadd.f32 v8, v14;
	v6 =	vadd.f32 v11, v15  }
0x42: {  	v7 =	vld [tilespmem:s28+$0xFFFFFE70];
	v8 =	vadd.f32 v2, v16;
	v11 =	vadd.f32 v3, v17  }
0x43: {  	v2 =	vld [tilespmem:s28+$0xFFFFFC60];
	v5 =	vadd.f32 v9, v5;
	v6 =	vadd.f32 v12, v6  }
0x44: {  	v3 =	vld [tilespmem:s28+$0xFFFFFE60];
	v8 =	vadd.f32 v0, v8;
	v9 =	vadd.f32 v1, v11  }
0x45: {  	v16 =	vld [tilespmem:s28+$0xFFFFFC50];
	v5 =	vadd.f32 v10, v5;
	v6 =	vadd.f32 v13, v6  }
0x46: {  	v13 =	vld [tilespmem:s28+$0xFFFFFE50];
	v0 =	vmov v4  }
0x47: {  	v4 =	vld [tilespmem:s28+$0xFFFFFC40];
	v1 =	vmov v7  }
0x48: {  	v7 =	vld [tilespmem:s28+$0xFFFFFE40]  }
0x49: {  	v10 =	vld [tilespmem:s28+$0xFFFFFC30]  }
0x4a: {  	v11 =	vld [tilespmem:s28+$0xFFFFFE30]  }
0x4b: {  	v12 =	vld [tilespmem:s28+$0xFFFFFC20]  }
0x4c: {  	v14 =	vld [tilespmem:s28+$0xFFFFFE20]  }
0x4d: {  	v15 =	vld [tilespmem:s28+$0xFFFFFC10]  }
0x4e: {  	v17 =	vld [tilespmem:s28+$0xFFFFFE10]  }
0x4f: {  	v18 =	vld [tilespmem:s28+$0xFFFFFC00]  }
0x50: {  	v19 =	vld [tilespmem:s28+$0xFFFFFE00]  }
0x51: {  	v20 =	vld [tilespmem:s28+$0x0]  }
0x52: {  	s26 =	sadd.s32 $0x8, s26;
	v21 =	vld [tilespmem:s28+$0x200]  }
0x53: {  	p0 =	slt.u32 s26, $0x18;
	v22 =	vld [tilespmem:s28+$0x10]  }
0x54: {  	v23 =	vld [tilespmem:s28+$0x210]  }
0x55: {  	v24 =	vld [tilespmem:s28+$0x20]  }
0x56: {  	v8 =	vadd.f32 v18, v8;
	v9 =	vadd.f32 v19, v9;
	v18 =	vld [tilespmem:s28+$0x220]  }
0x57: {  	v5 =	vadd.f32 v20, v5;
	v6 =	vadd.f32 v21, v6;
	v19 =	vld [tilespmem:s28+$0x30]  }
0x58: {  	v8 =	vadd.f32 v15, v8;
	v9 =	vadd.f32 v17, v9;
	v15 =	vld [tilespmem:s28+$0x230]  }
0x59: {  	v5 =	vadd.f32 v22, v5;
	v6 =	vadd.f32 v23, v6;
	v17 =	vld [tilespmem:s28+$0x40]  }
0x5a: {  	v12 =	vadd.f32 v12, v8;
	v9 =	vadd.f32 v14, v9;
	v20 =	vld [tilespmem:s28+$0x240]  }
0x5b: {  	v5 =	vadd.f32 v24, v5;
	v6 =	vadd.f32 v18, v6;
	v8 =	vld [tilespmem:s28+$0x50]  }
.Ltmp0:
0x5c: {  	v10 =	vadd.f32 v10, v12;
	v12 =	vadd.f32 v11, v9;
	v11 =	vld [tilespmem:s28+$0x250];
	(pc) =	sbr.rel @p0 .LBB2_2-.Ltmp0, $4  }
0x5d: {  	v5 =	vadd.f32 v19, v5;
	v6 =	vadd.f32 v15, v6;
	v9 =	vld [tilespmem:s28+$0x60]  }
0x5e: {  	v4 =	vadd.f32 v4, v10;
	v7 =	vadd.f32 v7, v12;
	v12 =	vld [tilespmem:s28+$0x260]  }
0x5f: {  	v14 =	vadd.f32 v17, v5;
	v15 =	vadd.f32 v20, v6;
	v10 =	vld [tilespmem:s28+$0x70]  }
0x60: {  	v16 =	vadd.f32 v16, v4;
	v17 =	vadd.f32 v13, v7;
	v13 =	vld [tilespmem:s28+$0x270];
	s28 =	sadd.s32 $0x80, s28  }
0x61: {  	_ =	swait.ge [sflag:s22], $0x800  }
0x62: {  	[sflag:s22] =	ssyncset.done $0x0  }
0x63: {  	s28 =	simm.s32 $0xE70;
	[sflag:s22] =	ssyncadd.s32 $0xFFFFF800  }
0x64: {  	v4 =	vld [tilespmem:s28+$0xFFFFFA00]  }
0x65: {  	v5 =	vld [tilespmem:s28+$0xFFFFFC00]  }
0x66: {  	v6 =	vld [tilespmem:s28+$0xFFFFF9F0]  }
0x67: {  	v7 =	vld [tilespmem:s28+$0xFFFFFBF0]  }
0x68: {  	v20 =	vld [tilespmem:s28+$0xFFFFF9E0]  }
0x69: {  	v21 =	vld [tilespmem:s28+$0xFFFFFBE0]  }
0x6a: {  	v18 =	vld [tilespmem:s28+$0xFFFFF9D0]  }
0x6b: {  	v19 =	vld [tilespmem:s28+$0xFFFFFBD0]  }
0x6c: {  	v22 =	vld [tilespmem:s28+$0xFFFFF9C0]  }
0x6d: {  	v23 =	vld [tilespmem:s28+$0xFFFFFBC0]  }
0x6e: {  	v24 =	vld [tilespmem:s28+$0xFFFFF9B0]  }
0x6f: {  	v25 =	vld [tilespmem:s28+$0xFFFFFBB0]  }
0x70: {  	v26 =	vld [tilespmem:s28+$0xFFFFF9A0]  }
0x71: {  	v27 =	vld [tilespmem:s28+$0xFFFFFBA0]  }
0x72: {  	v28 =	vld [tilespmem:s28+$0xFFFFF990]  }
0x73: {  	v29 =	vld [tilespmem:s28+$0xFFFFFB90]  }
0x74: {  	v8 =	vadd.f32 v8, v14;
	v11 =	vadd.f32 v11, v15;
	v14 =	vld [tilespmem:s28+$0xFFFFFD90]  }
0x75: {  	v2 =	vadd.f32 v2, v16;
	v3 =	vadd.f32 v3, v17;
	v15 =	vld [tilespmem:s28+$0xFFFFFF90]  }
0x76: {  	v8 =	vadd.f32 v9, v8;
	v57 =	vadd.f32 v12, v11;
	v58 =	vld [tilespmem:s28+$0xFFFFFDA0]  }
0x77: {  	v0 =	vadd.f32 v0, v2;
	v1 =	vadd.f32 v1, v3;
	v12 =	vld [tilespmem:s28+$0xFFFFFFA0]  }
0x78: {  	v59 =	vld [tilespmem:s28+$0xFFFFFDB0];
	v2 =	vadd.f32 v10, v8;
	v3 =	vadd.f32 v13, v57;
	v8 =	vimm.f32 $0.0e+00  }
0x79: {  	v16 =	vld [tilespmem:s28+$0xFFFFFFB0];
	v60 =	vadd.f32 v28, v8;
	v13 =	vadd.f32 v29, v8  }
0x7a: {  	v17 =	vld [tilespmem:s28+$0xFFFFFDC0];
	v14 =	vadd.f32 v14, v8;
	v8 =	vadd.f32 v15, v8  }
0x7b: {  	v61 =	vld [tilespmem:s28+$0xFFFFFFC0];
	v10 =	vadd.f32 v26, v60;
	v13 =	vadd.f32 v27, v13  }
0x7c: {  	v62 =	vld [tilespmem:s28+$0xFFFFFFD0];
	v11 =	vadd.f32 v58, v14;
	v8 =	vadd.f32 v12, v8  }
0x7d: {  	v14 =	vld [tilespmem:s28+$0xFFFFFDD0];
	v10 =	vadd.f32 v24, v10;
	v13 =	vadd.f32 v25, v13  }
0x7e: {  	v15 =	vld [tilespmem:s28+$0xFFFFFFE0];
	v9 =	vadd.f32 v59, v11;
	v8 =	vadd.f32 v16, v8  }
0x7f: {  	v12 =	vld [tilespmem:s28+$0xFFFFFDE0];
	v10 =	vadd.f32 v22, v10;
	v63 =	vadd.f32 v23, v13  }
0x80: {  	v16 =	vld [tilespmem:s28+$0xFFFFFFF0];
	v9 =	vadd.f32 v17, v9;
	v8 =	vadd.f32 v61, v8  }
0x81: {  	v13 =	vld [tilespmem:s28+$0xFFFFFDF0];
	v10 =	vadd.f32 v18, v10;
	v11 =	vadd.f32 v19, v63  }
0x82: {  	v17 =	vld [tilespmem:s28+$0x0];
	v18 =	vadd.f32 v14, v9;
	v19 =	vadd.f32 v62, v8  }
0x83: {  	s26 =	simm.s32 $0x0;
	v14 =	vld [tilespmem:s28+$0xFFFFFE00];
	s28 =	simm.s32 $0xEF0;
	v20 =	vadd.f32 v20, v10;
	v21 =	vadd.f32 v21, v11  }
.LBB2_4:
0x84: {  	v8 =	vld [tilespmem:s28+$0xFFFFFA00];
	v9 =	vadd.f32 v12, v18;
	v10 =	vadd.f32 v15, v19  }
0x85: {  	v11 =	vld [tilespmem:s28+$0xFFFFFC00];
	v12 =	vadd.f32 v6, v20;
	v15 =	vadd.f32 v7, v21  }
0x86: {  	v6 =	vld [tilespmem:s28+$0xFFFFF9F0];
	v9 =	vadd.f32 v13, v9;
	v10 =	vadd.f32 v16, v10  }
0x87: {  	v7 =	vld [tilespmem:s28+$0xFFFFFBF0];
	v12 =	vadd.f32 v4, v12;
	v13 =	vadd.f32 v5, v15  }
0x88: {  	v20 =	vld [tilespmem:s28+$0xFFFFF9E0];
	v9 =	vadd.f32 v14, v9;
	v10 =	vadd.f32 v17, v10  }
0x89: {  	v17 =	vld [tilespmem:s28+$0xFFFFFBE0];
	v4 =	vmov v8  }
0x8a: {  	v8 =	vld [tilespmem:s28+$0xFFFFF9D0];
	v5 =	vmov v11  }
0x8b: {  	v11 =	vld [tilespmem:s28+$0xFFFFFBD0]  }
0x8c: {  	v14 =	vld [tilespmem:s28+$0xFFFFF9C0]  }
0x8d: {  	v15 =	vld [tilespmem:s28+$0xFFFFFBC0]  }
0x8e: {  	v16 =	vld [tilespmem:s28+$0xFFFFF9B0]  }
0x8f: {  	v18 =	vld [tilespmem:s28+$0xFFFFFBB0]  }
0x90: {  	v19 =	vld [tilespmem:s28+$0xFFFFF9A0]  }
0x91: {  	v21 =	vld [tilespmem:s28+$0xFFFFFBA0]  }
0x92: {  	v22 =	vld [tilespmem:s28+$0xFFFFF990]  }
0x93: {  	v23 =	vld [tilespmem:s28+$0xFFFFFB90]  }
0x94: {  	v24 =	vld [tilespmem:s28+$0xFFFFFD90]  }
0x95: {  	s26 =	sadd.s32 $0x8, s26;
	v25 =	vld [tilespmem:s28+$0xFFFFFF90]  }
0x96: {  	p0 =	slt.u32 s26, $0x18;
	v26 =	vld [tilespmem:s28+$0xFFFFFDA0]  }
0x97: {  	v27 =	vld [tilespmem:s28+$0xFFFFFFA0]  }
0x98: {  	v28 =	vld [tilespmem:s28+$0xFFFFFDB0]  }
0x99: {  	v12 =	vadd.f32 v22, v12;
	v13 =	vadd.f32 v23, v13;
	v22 =	vld [tilespmem:s28+$0xFFFFFFB0]  }
0x9a: {  	v9 =	vadd.f32 v24, v9;
	v10 =	vadd.f32 v25, v10;
	v23 =	vld [tilespmem:s28+$0xFFFFFDC0]  }
0x9b: {  	v12 =	vadd.f32 v19, v12;
	v13 =	vadd.f32 v21, v13;
	v19 =	vld [tilespmem:s28+$0xFFFFFFC0]  }
0x9c: {  	v9 =	vadd.f32 v26, v9;
	v10 =	vadd.f32 v27, v10;
	v21 =	vld [tilespmem:s28+$0xFFFFFDD0]  }
0x9d: {  	v16 =	vadd.f32 v16, v12;
	v13 =	vadd.f32 v18, v13;
	v24 =	vld [tilespmem:s28+$0xFFFFFFD0]  }
0x9e: {  	v9 =	vadd.f32 v28, v9;
	v10 =	vadd.f32 v22, v10;
	v12 =	vld [tilespmem:s28+$0xFFFFFDE0]  }
.Ltmp1:
0x9f: {  	v14 =	vadd.f32 v14, v16;
	v16 =	vadd.f32 v15, v13;
	v15 =	vld [tilespmem:s28+$0xFFFFFFE0];
	(pc) =	sbr.rel @p0 .LBB2_4-.Ltmp1, $4  }
0xa0: {  	v9 =	vadd.f32 v23, v9;
	v10 =	vadd.f32 v19, v10;
	v13 =	vld [tilespmem:s28+$0xFFFFFDF0]  }
0xa1: {  	v8 =	vadd.f32 v8, v14;
	v11 =	vadd.f32 v11, v16;
	v16 =	vld [tilespmem:s28+$0xFFFFFFF0]  }
0xa2: {  	v18 =	vadd.f32 v21, v9;
	v19 =	vadd.f32 v24, v10;
	v14 =	vld [tilespmem:s28+$0xFFFFFE00]  }
0xa3: {  	v20 =	vadd.f32 v20, v8;
	v21 =	vadd.f32 v17, v11;
	v17 =	vld [tilespmem:s28+$0x0];
	s28 =	sadd.s32 $0x80, s28  }
0xa4: {  	_ =	swait.ge [sflag:s22], $0x800  }
0xa5: {  	[sflag:s22] =	ssyncset.done $0x0  }
0xa6: {  	s28 =	simm.s32 $0x1670;
	[sflag:s22] =	ssyncadd.s32 $0xFFFFF800  }
0xa7: {  	v8 =	vld [tilespmem:s28+$0xFFFFFA00]  }
0xa8: {  	v9 =	vld [tilespmem:s28+$0xFFFFFC00]  }
0xa9: {  	v10 =	vld [tilespmem:s28+$0xFFFFF9F0]  }
0xaa: {  	v11 =	vld [tilespmem:s28+$0xFFFFFBF0]  }
0xab: {  	v24 =	vld [tilespmem:s28+$0xFFFFF9E0]  }
0xac: {  	v25 =	vld [tilespmem:s28+$0xFFFFFBE0]  }
0xad: {  	v22 =	vld [tilespmem:s28+$0xFFFFF9D0]  }
0xae: {  	v23 =	vld [tilespmem:s28+$0xFFFFFBD0]  }
0xaf: {  	v26 =	vld [tilespmem:s28+$0xFFFFF9C0]  }
0xb0: {  	v27 =	vld [tilespmem:s28+$0xFFFFFBC0]  }
0xb1: {  	v28 =	vld [tilespmem:s28+$0xFFFFF9B0]  }
0xb2: {  	v29 =	vld [tilespmem:s28+$0xFFFFFBB0]  }
0xb3: {  	v30 =	vld [tilespmem:s28+$0xFFFFF9A0]  }
0xb4: {  	v31 =	vld [tilespmem:s28+$0xFFFFFBA0]  }
0xb5: {  	v32 =	vld [tilespmem:s28+$0xFFFFF990]  }
0xb6: {  	v33 =	vld [tilespmem:s28+$0xFFFFFB90]  }
0xb7: {  	v12 =	vadd.f32 v12, v18;
	v15 =	vadd.f32 v15, v19;
	v18 =	vld [tilespmem:s28+$0xFFFFFD90]  }
0xb8: {  	v6 =	vadd.f32 v6, v20;
	v7 =	vadd.f32 v7, v21;
	v19 =	vld [tilespmem:s28+$0xFFFFFF90]  }
0xb9: {  	v12 =	vadd.f32 v13, v12;
	v58 =	vadd.f32 v16, v15;
	v15 =	vld [tilespmem:s28+$0xFFFFFDA0]  }
0xba: {  	v4 =	vadd.f32 v4, v6;
	v5 =	vadd.f32 v5, v7;
	v16 =	vld [tilespmem:s28+$0xFFFFFFA0]  }
0xbb: {  	v59 =	vimm.f32 $0.0e+00;
	v60 =	vld [tilespmem:s28+$0xFFFFFDB0];
	v6 =	vadd.f32 v14, v12;
	v7 =	vadd.f32 v17, v58  }
0xbc: {  	v20 =	vld [tilespmem:s28+$0xFFFFFFB0];
	v61 =	vadd.f32 v32, v59;
	v17 =	vadd.f32 v33, v59  }
0xbd: {  	v21 =	vld [tilespmem:s28+$0xFFFFFDC0];
	v18 =	vadd.f32 v18, v59;
	v12 =	vadd.f32 v19, v59  }
0xbe: {  	v62 =	vld [tilespmem:s28+$0xFFFFFFC0];
	v14 =	vadd.f32 v30, v61;
	v17 =	vadd.f32 v31, v17  }
0xbf: {  	v63 =	vld [tilespmem:s28+$0xFFFFFFD0];
	v15 =	vadd.f32 v15, v18;
	v12 =	vadd.f32 v16, v12  }
0xc0: {  	v18 =	vld [tilespmem:s28+$0xFFFFFDD0];
	v14 =	vadd.f32 v28, v14;
	v17 =	vadd.f32 v29, v17  }
0xc1: {  	v19 =	vld [tilespmem:s28+$0xFFFFFFE0];
	v13 =	vadd.f32 v60, v15;
	v12 =	vadd.f32 v20, v12  }
0xc2: {  	v16 =	vld [tilespmem:s28+$0xFFFFFDE0];
	v14 =	vadd.f32 v26, v14;
	v15 =	vadd.f32 v27, v17  }
0xc3: {  	v20 =	vld [tilespmem:s28+$0xFFFFFFF0];
	v13 =	vadd.f32 v21, v13;
	v12 =	vadd.f32 v62, v12  }
0xc4: {  	v17 =	vld [tilespmem:s28+$0xFFFFFDF0];
	v14 =	vadd.f32 v22, v14;
	v15 =	vadd.f32 v23, v15  }
0xc5: {  	v21 =	vld [tilespmem:s28+$0x0];
	v22 =	vadd.f32 v18, v13;
	v23 =	vadd.f32 v63, v12  }
0xc6: {  	s26 =	simm.s32 $0x0;
	v18 =	vld [tilespmem:s28+$0xFFFFFE00];
	s28 =	simm.s32 $0x16F0;
	v24 =	vadd.f32 v24, v14;
	v25 =	vadd.f32 v25, v15  }
.LBB2_6:
0xc7: {  	v12 =	vld [tilespmem:s28+$0xFFFFFA00];
	v13 =	vadd.f32 v16, v22;
	v14 =	vadd.f32 v19, v23  }
0xc8: {  	v15 =	vld [tilespmem:s28+$0xFFFFFC00];
	v16 =	vadd.f32 v10, v24;
	v19 =	vadd.f32 v11, v25  }
0xc9: {  	v10 =	vld [tilespmem:s28+$0xFFFFF9F0];
	v13 =	vadd.f32 v17, v13;
	v14 =	vadd.f32 v20, v14  }
0xca: {  	v11 =	vld [tilespmem:s28+$0xFFFFFBF0];
	v16 =	vadd.f32 v8, v16;
	v17 =	vadd.f32 v9, v19  }
0xcb: {  	v24 =	vld [tilespmem:s28+$0xFFFFF9E0];
	v13 =	vadd.f32 v18, v13;
	v14 =	vadd.f32 v21, v14  }
0xcc: {  	v21 =	vld [tilespmem:s28+$0xFFFFFBE0];
	v8 =	vmov v12  }
0xcd: {  	v12 =	vld [tilespmem:s28+$0xFFFFF9D0];
	v9 =	vmov v15  }
0xce: {  	v15 =	vld [tilespmem:s28+$0xFFFFFBD0]  }
0xcf: {  	v18 =	vld [tilespmem:s28+$0xFFFFF9C0]  }
0xd0: {  	v19 =	vld [tilespmem:s28+$0xFFFFFBC0]  }
0xd1: {  	v20 =	vld [tilespmem:s28+$0xFFFFF9B0]  }
0xd2: {  	v22 =	vld [tilespmem:s28+$0xFFFFFBB0]  }
0xd3: {  	v23 =	vld [tilespmem:s28+$0xFFFFF9A0]  }
0xd4: {  	v25 =	vld [tilespmem:s28+$0xFFFFFBA0]  }
0xd5: {  	v26 =	vld [tilespmem:s28+$0xFFFFF990]  }
0xd6: {  	v27 =	vld [tilespmem:s28+$0xFFFFFB90]  }
0xd7: {  	v28 =	vld [tilespmem:s28+$0xFFFFFD90]  }
0xd8: {  	s26 =	sadd.s32 $0x8, s26;
	v29 =	vld [tilespmem:s28+$0xFFFFFF90]  }
0xd9: {  	p0 =	slt.u32 s26, $0x18;
	v30 =	vld [tilespmem:s28+$0xFFFFFDA0]  }
0xda: {  	v31 =	vld [tilespmem:s28+$0xFFFFFFA0]  }
0xdb: {  	v32 =	vld [tilespmem:s28+$0xFFFFFDB0]  }
0xdc: {  	v16 =	vadd.f32 v26, v16;
	v17 =	vadd.f32 v27, v17;
	v26 =	vld [tilespmem:s28+$0xFFFFFFB0]  }
0xdd: {  	v13 =	vadd.f32 v28, v13;
	v14 =	vadd.f32 v29, v14;
	v27 =	vld [tilespmem:s28+$0xFFFFFDC0]  }
0xde: {  	v16 =	vadd.f32 v23, v16;
	v17 =	vadd.f32 v25, v17;
	v23 =	vld [tilespmem:s28+$0xFFFFFFC0]  }
0xdf: {  	v13 =	vadd.f32 v30, v13;
	v14 =	vadd.f32 v31, v14;
	v25 =	vld [tilespmem:s28+$0xFFFFFDD0]  }
0xe0: {  	v20 =	vadd.f32 v20, v16;
	v17 =	vadd.f32 v22, v17;
	v28 =	vld [tilespmem:s28+$0xFFFFFFD0]  }
0xe1: {  	v13 =	vadd.f32 v32, v13;
	v14 =	vadd.f32 v26, v14;
	v16 =	vld [tilespmem:s28+$0xFFFFFDE0]  }
.Ltmp2:
0xe2: {  	v18 =	vadd.f32 v18, v20;
	v20 =	vadd.f32 v19, v17;
	v19 =	vld [tilespmem:s28+$0xFFFFFFE0];
	(pc) =	sbr.rel @p0 .LBB2_6-.Ltmp2, $4  }
0xe3: {  	v13 =	vadd.f32 v27, v13;
	v14 =	vadd.f32 v23, v14;
	v17 =	vld [tilespmem:s28+$0xFFFFFDF0]  }
0xe4: {  	v12 =	vadd.f32 v12, v18;
	v15 =	vadd.f32 v15, v20;
	v20 =	vld [tilespmem:s28+$0xFFFFFFF0]  }
0xe5: {  	v22 =	vadd.f32 v25, v13;
	v23 =	vadd.f32 v28, v14;
	v18 =	vld [tilespmem:s28+$0xFFFFFE00]  }
0xe6: {  	v24 =	vadd.f32 v24, v12;
	v25 =	vadd.f32 v21, v15;
	v21 =	vld [tilespmem:s28+$0x0];
	s28 =	sadd.s32 $0x80, s28  }
0xe7: {  	_ =	swait.ge [sflag:s22], $0x800  }
0xe8: {  	[sflag:s22] =	ssyncset.done $0x0  }
0xe9: {  	s28 =	simm.s32 $0x1E70;
	[sflag:s22] =	ssyncadd.s32 $0xFFFFF800  }
0xea: {  	v12 =	vld [tilespmem:s28+$0xFFFFFA00]  }
0xeb: {  	v13 =	vld [tilespmem:s28+$0xFFFFFC00]  }
0xec: {  	v14 =	vld [tilespmem:s28+$0xFFFFF9F0]  }
0xed: {  	v15 =	vld [tilespmem:s28+$0xFFFFFBF0]  }
0xee: {  	v28 =	vld [tilespmem:s28+$0xFFFFF9E0]  }
0xef: {  	v29 =	vld [tilespmem:s28+$0xFFFFFBE0]  }
0xf0: {  	v26 =	vld [tilespmem:s28+$0xFFFFF9D0]  }
0xf1: {  	v27 =	vld [tilespmem:s28+$0xFFFFFBD0]  }
0xf2: {  	v30 =	vld [tilespmem:s28+$0xFFFFF9C0]  }
0xf3: {  	v31 =	vld [tilespmem:s28+$0xFFFFFBC0]  }
0xf4: {  	v32 =	vld [tilespmem:s28+$0xFFFFF9B0]  }
0xf5: {  	v33 =	vld [tilespmem:s28+$0xFFFFFBB0]  }
0xf6: {  	v34 =	vld [tilespmem:s28+$0xFFFFF9A0]  }
0xf7: {  	v35 =	vld [tilespmem:s28+$0xFFFFFBA0]  }
0xf8: {  	v36 =	vld [tilespmem:s28+$0xFFFFF990]  }
0xf9: {  	v37 =	vld [tilespmem:s28+$0xFFFFFB90]  }
0xfa: {  	v16 =	vadd.f32 v16, v22;
	v19 =	vadd.f32 v19, v23;
	v22 =	vld [tilespmem:s28+$0xFFFFFD90]  }
0xfb: {  	v10 =	vadd.f32 v10, v24;
	v11 =	vadd.f32 v11, v25;
	v23 =	vld [tilespmem:s28+$0xFFFFFF90]  }
0xfc: {  	v16 =	vadd.f32 v17, v16;
	v17 =	vadd.f32 v20, v19;
	v19 =	vld [tilespmem:s28+$0xFFFFFDA0]  }
0xfd: {  	v8 =	vadd.f32 v8, v10;
	v9 =	vadd.f32 v9, v11;
	v20 =	vld [tilespmem:s28+$0xFFFFFFA0]  }
0xfe: {  	v24 =	vld [tilespmem:s28+$0xFFFFFFB0];
	v10 =	vadd.f32 v18, v16;
	v11 =	vadd.f32 v21, v17;
	v16 =	vimm.f32 $0.0e+00  }
0xff: {  	v17 =	vld [tilespmem:s28+$0xFFFFFDB0];
	v18 =	vadd.f32 v36, v16;
	v21 =	vadd.f32 v37, v16  }
0x100: {  	v25 =	vld [tilespmem:s28+$0xFFFFFDC0];
	v22 =	vadd.f32 v22, v16;
	v16 =	vadd.f32 v23, v16  }
0x101: {  	v62 =	vld [tilespmem:s28+$0xFFFFFFC0];
	v18 =	vadd.f32 v34, v18;
	v21 =	vadd.f32 v35, v21  }
0x102: {  	v63 =	vld [tilespmem:s28+$0xFFFFFFD0];
	v19 =	vadd.f32 v19, v22;
	v16 =	vadd.f32 v20, v16  }
0x103: {  	v22 =	vld [tilespmem:s28+$0xFFFFFDD0];
	v18 =	vadd.f32 v32, v18;
	v21 =	vadd.f32 v33, v21  }
0x104: {  	v23 =	vld [tilespmem:s28+$0xFFFFFFE0];
	v17 =	vadd.f32 v17, v19;
	v16 =	vadd.f32 v24, v16  }
0x105: {  	v20 =	vld [tilespmem:s28+$0xFFFFFDE0];
	v18 =	vadd.f32 v30, v18;
	v19 =	vadd.f32 v31, v21  }
0x106: {  	v24 =	vld [tilespmem:s28+$0xFFFFFFF0];
	v17 =	vadd.f32 v25, v17;
	v16 =	vadd.f32 v62, v16  }
0x107: {  	v21 =	vld [tilespmem:s28+$0xFFFFFDF0];
	v18 =	vadd.f32 v26, v18;
	v19 =	vadd.f32 v27, v19  }
0x108: {  	v25 =	vld [tilespmem:s28+$0x0];
	v26 =	vadd.f32 v22, v17;
	v27 =	vadd.f32 v63, v16  }
0x109: {  	s26 =	simm.s32 $0x0;
	v22 =	vld [tilespmem:s28+$0xFFFFFE00];
	s28 =	simm.s32 $0x1EF0;
	v28 =	vadd.f32 v28, v18;
	v29 =	vadd.f32 v29, v19  }
.LBB2_8:
0x10a: {  	v16 =	vld [tilespmem:s28+$0xFFFFFA00];
	v17 =	vadd.f32 v20, v26;
	v18 =	vadd.f32 v23, v27  }
0x10b: {  	v19 =	vld [tilespmem:s28+$0xFFFFFC00];
	v20 =	vadd.f32 v14, v28;
	v23 =	vadd.f32 v15, v29  }
0x10c: {  	v14 =	vld [tilespmem:s28+$0xFFFFF9F0];
	v17 =	vadd.f32 v21, v17;
	v18 =	vadd.f32 v24, v18  }
0x10d: {  	v15 =	vld [tilespmem:s28+$0xFFFFFBF0];
	v20 =	vadd.f32 v12, v20;
	v21 =	vadd.f32 v13, v23  }
0x10e: {  	v28 =	vld [tilespmem:s28+$0xFFFFF9E0];
	v17 =	vadd.f32 v22, v17;
	v18 =	vadd.f32 v25, v18  }
0x10f: {  	v25 =	vld [tilespmem:s28+$0xFFFFFBE0];
	v12 =	vmov v16  }
0x110: {  	v16 =	vld [tilespmem:s28+$0xFFFFF9D0];
	v13 =	vmov v19  }
0x111: {  	v19 =	vld [tilespmem:s28+$0xFFFFFBD0]  }
0x112: {  	v22 =	vld [tilespmem:s28+$0xFFFFF9C0]  }
0x113: {  	v23 =	vld [tilespmem:s28+$0xFFFFFBC0]  }
0x114: {  	v24 =	vld [tilespmem:s28+$0xFFFFF9B0]  }
0x115: {  	v26 =	vld [tilespmem:s28+$0xFFFFFBB0]  }
0x116: {  	v27 =	vld [tilespmem:s28+$0xFFFFF9A0]  }
0x117: {  	v29 =	vld [tilespmem:s28+$0xFFFFFBA0]  }
0x118: {  	v30 =	vld [tilespmem:s28+$0xFFFFF990]  }
0x119: {  	v31 =	vld [tilespmem:s28+$0xFFFFFB90]  }
0x11a: {  	v32 =	vld [tilespmem:s28+$0xFFFFFD90]  }
0x11b: {  	s26 =	sadd.s32 $0x8, s26;
	v33 =	vld [tilespmem:s28+$0xFFFFFF90]  }
0x11c: {  	p0 =	slt.u32 s26, $0x18;
	v34 =	vld [tilespmem:s28+$0xFFFFFDA0]  }
0x11d: {  	v35 =	vld [tilespmem:s28+$0xFFFFFFA0]  }
0x11e: {  	v36 =	vld [tilespmem:s28+$0xFFFFFDB0]  }
0x11f: {  	v20 =	vadd.f32 v30, v20;
	v21 =	vadd.f32 v31, v21;
	v30 =	vld [tilespmem:s28+$0xFFFFFFB0]  }
0x120: {  	v17 =	vadd.f32 v32, v17;
	v18 =	vadd.f32 v33, v18;
	v31 =	vld [tilespmem:s28+$0xFFFFFDC0]  }
0x121: {  	v20 =	vadd.f32 v27, v20;
	v21 =	vadd.f32 v29, v21;
	v27 =	vld [tilespmem:s28+$0xFFFFFFC0]  }
0x122: {  	v17 =	vadd.f32 v34, v17;
	v18 =	vadd.f32 v35, v18;
	v29 =	vld [tilespmem:s28+$0xFFFFFDD0]  }
0x123: {  	v24 =	vadd.f32 v24, v20;
	v21 =	vadd.f32 v26, v21;
	v32 =	vld [tilespmem:s28+$0xFFFFFFD0]  }
0x124: {  	v17 =	vadd.f32 v36, v17;
	v18 =	vadd.f32 v30, v18;
	v20 =	vld [tilespmem:s28+$0xFFFFFDE0]  }
.Ltmp3:
0x125: {  	v22 =	vadd.f32 v22, v24;
	v24 =	vadd.f32 v23, v21;
	v23 =	vld [tilespmem:s28+$0xFFFFFFE0];
	(pc) =	sbr.rel @p0 .LBB2_8-.Ltmp3, $4  }
0x126: {  	v17 =	vadd.f32 v31, v17;
	v18 =	vadd.f32 v27, v18;
	v21 =	vld [tilespmem:s28+$0xFFFFFDF0]  }
0x127: {  	v16 =	vadd.f32 v16, v22;
	v19 =	vadd.f32 v19, v24;
	v24 =	vld [tilespmem:s28+$0xFFFFFFF0]  }
0x128: {  	v26 =	vadd.f32 v29, v17;
	v27 =	vadd.f32 v32, v18;
	v22 =	vld [tilespmem:s28+$0xFFFFFE00]  }
0x129: {  	v28 =	vadd.f32 v28, v16;
	v29 =	vadd.f32 v25, v19;
	v25 =	vld [tilespmem:s28+$0x0];
	s28 =	sadd.s32 $0x80, s28  }
0x12a: {  	_ =	swait.ge [sflag:s22], $0x800  }
0x12b: {  	[sflag:s22] =	ssyncset.done $0x0  }
0x12c: {  	s28 =	simm.s32 $0x2670;
	[sflag:s22] =	ssyncadd.s32 $0xFFFFF800  }
0x12d: {  	v16 =	vld [tilespmem:s28+$0xFFFFFA00]  }
0x12e: {  	v17 =	vld [tilespmem:s28+$0xFFFFFC00]  }
0x12f: {  	v18 =	vld [tilespmem:s28+$0xFFFFF9F0]  }
0x130: {  	v19 =	vld [tilespmem:s28+$0xFFFFFBF0]  }
0x131: {  	v32 =	vld [tilespmem:s28+$0xFFFFF9E0]  }
0x132: {  	v33 =	vld [tilespmem:s28+$0xFFFFFBE0]  }
0x133: {  	v30 =	vld [tilespmem:s28+$0xFFFFF9D0]  }
0x134: {  	v31 =	vld [tilespmem:s28+$0xFFFFFBD0]  }
0x135: {  	v34 =	vld [tilespmem:s28+$0xFFFFF9C0]  }
0x136: {  	v35 =	vld [tilespmem:s28+$0xFFFFFBC0]  }
0x137: {  	v36 =	vld [tilespmem:s28+$0xFFFFF9B0]  }
0x138: {  	v37 =	vld [tilespmem:s28+$0xFFFFFBB0]  }
0x139: {  	v38 =	vld [tilespmem:s28+$0xFFFFF9A0]  }
0x13a: {  	v39 =	vld [tilespmem:s28+$0xFFFFFBA0]  }
0x13b: {  	v40 =	vld [tilespmem:s28+$0xFFFFF990]  }
0x13c: {  	v41 =	vld [tilespmem:s28+$0xFFFFFB90]  }
0x13d: {  	v20 =	vadd.f32 v20, v26;
	v23 =	vadd.f32 v23, v27;
	v26 =	vld [tilespmem:s28+$0xFFFFFD90]  }
0x13e: {  	v14 =	vadd.f32 v14, v28;
	v15 =	vadd.f32 v15, v29;
	v27 =	vld [tilespmem:s28+$0xFFFFFF90]  }
0x13f: {  	v20 =	vadd.f32 v21, v20;
	v21 =	vadd.f32 v24, v23;
	v23 =	vld [tilespmem:s28+$0xFFFFFDA0]  }
0x140: {  	v12 =	vadd.f32 v12, v14;
	v13 =	vadd.f32 v13, v15;
	v24 =	vld [tilespmem:s28+$0xFFFFFFA0]  }
0x141: {  	v28 =	vld [tilespmem:s28+$0xFFFFFFB0];
	v14 =	vadd.f32 v22, v20;
	v15 =	vadd.f32 v25, v21;
	v20 =	vimm.f32 $0.0e+00  }
0x142: {  	v21 =	vld [tilespmem:s28+$0xFFFFFDB0];
	v22 =	vadd.f32 v40, v20;
	v25 =	vadd.f32 v41, v20  }
0x143: {  	v29 =	vld [tilespmem:s28+$0xFFFFFDC0];
	v26 =	vadd.f32 v26, v20;
	v20 =	vadd.f32 v27, v20  }
0x144: {  	v63 =	vld [tilespmem:s28+$0xFFFFFFC0];
	v22 =	vadd.f32 v38, v22;
	v25 =	vadd.f32 v39, v25  }
0x145: {  	v23 =	vadd.f32 v23, v26;
	v20 =	vadd.f32 v24, v20;
	v26 =	vld [tilespmem:s28+$0xFFFFFDD0]  }
0x146: {  	v22 =	vadd.f32 v36, v22;
	v24 =	vadd.f32 v37, v25;
	v25 =	vld [tilespmem:s28+$0xFFFFFFD0]  }
0x147: {  	v27 =	vld [tilespmem:s28+$0xFFFFFFE0];
	v21 =	vadd.f32 v21, v23;
	v20 =	vadd.f32 v28, v20  }
0x148: {  	v23 =	vld [tilespmem:s28+$0xFFFFFDE0];
	v22 =	vadd.f32 v34, v22;
	v28 =	vadd.f32 v35, v24  }
0x149: {  	v21 =	vadd.f32 v29, v21;
	v20 =	vadd.f32 v63, v20;
	v24 =	vld [tilespmem:s28+$0xFFFFFDF0]  }
0x14a: {  	v22 =	vadd.f32 v30, v22;
	v29 =	vadd.f32 v31, v28;
	v28 =	vld [tilespmem:s28+$0xFFFFFFF0]  }
0x14b: {  	v30 =	vadd.f32 v26, v21;
	v26 =	vld [tilespmem:s28+$0xFFFFFE00];
	v31 =	vadd.f32 v25, v20  }
0x14c: {  	s26 =	simm.s32 $0x0;
	v32 =	vadd.f32 v32, v22;
	v33 =	vadd.f32 v33, v29;
	v29 =	vld [tilespmem:s28+$0x0];
	s28 =	simm.s32 $0x26F0  }
.LBB2_10:
0x14d: {  	v20 =	vld [tilespmem:s28+$0xFFFFFA00];
	v21 =	vadd.f32 v23, v30;
	v22 =	vadd.f32 v27, v31  }
0x14e: {  	v23 =	vld [tilespmem:s28+$0xFFFFFC00];
	v25 =	vadd.f32 v18, v32;
	v27 =	vadd.f32 v19, v33  }
0x14f: {  	v18 =	vld [tilespmem:s28+$0xFFFFF9F0];
	v21 =	vadd.f32 v24, v21;
	v22 =	vadd.f32 v28, v22  }
0x150: {  	v19 =	vld [tilespmem:s28+$0xFFFFFBF0];
	v24 =	vadd.f32 v16, v25;
	v25 =	vadd.f32 v17, v27  }
0x151: {  	v32 =	vld [tilespmem:s28+$0xFFFFF9E0];
	v21 =	vadd.f32 v26, v21;
	v22 =	vadd.f32 v29, v22  }
0x152: {  	v29 =	vld [tilespmem:s28+$0xFFFFFBE0];
	v16 =	vmov v20  }
0x153: {  	v20 =	vld [tilespmem:s28+$0xFFFFF9D0];
	v17 =	vmov v23  }
0x154: {  	v26 =	vld [tilespmem:s28+$0xFFFFFBD0]  }
0x155: {  	v27 =	vld [tilespmem:s28+$0xFFFFF9C0]  }
0x156: {  	v28 =	vld [tilespmem:s28+$0xFFFFFBC0]  }
0x157: {  	v23 =	vld [tilespmem:s28+$0xFFFFF9B0]  }
0x158: {  	v30 =	vld [tilespmem:s28+$0xFFFFFBB0]  }
0x159: {  	v31 =	vld [tilespmem:s28+$0xFFFFF9A0]  }
0x15a: {  	v33 =	vld [tilespmem:s28+$0xFFFFFBA0]  }
0x15b: {  	v34 =	vld [tilespmem:s28+$0xFFFFF990]  }
0x15c: {  	v35 =	vld [tilespmem:s28+$0xFFFFFB90]  }
0x15d: {  	v36 =	vld [tilespmem:s28+$0xFFFFFD90]  }
0x15e: {  	s26 =	sadd.s32 $0x8, s26;
	v37 =	vld [tilespmem:s28+$0xFFFFFF90]  }
0x15f: {  	p0 =	slt.u32 s26, $0x18;
	v38 =	vld [tilespmem:s28+$0xFFFFFDA0]  }
0x160: {  	v39 =	vld [tilespmem:s28+$0xFFFFFFA0]  }
0x161: {  	v40 =	vld [tilespmem:s28+$0xFFFFFDB0]  }
0x162: {  	v24 =	vadd.f32 v34, v24;
	v25 =	vadd.f32 v35, v25;
	v34 =	vld [tilespmem:s28+$0xFFFFFFB0]  }
0x163: {  	v21 =	vadd.f32 v36, v21;
	v22 =	vadd.f32 v37, v22;
	v35 =	vld [tilespmem:s28+$0xFFFFFDC0]  }
0x164: {  	v24 =	vadd.f32 v31, v24;
	v25 =	vadd.f32 v33, v25;
	v31 =	vld [tilespmem:s28+$0xFFFFFFC0]  }
0x165: {  	v21 =	vadd.f32 v38, v21;
	v22 =	vadd.f32 v39, v22;
	v33 =	vld [tilespmem:s28+$0xFFFFFDD0]  }
0x166: {  	v24 =	vadd.f32 v23, v24;
	v25 =	vadd.f32 v30, v25;
	v36 =	vld [tilespmem:s28+$0xFFFFFFD0]  }
0x167: {  	v21 =	vadd.f32 v40, v21;
	v22 =	vadd.f32 v34, v22;
	v23 =	vld [tilespmem:s28+$0xFFFFFDE0]  }
.Ltmp4:
0x168: {  	v30 =	vadd.f32 v27, v24;
	v25 =	vadd.f32 v28, v25;
	v27 =	vld [tilespmem:s28+$0xFFFFFFE0];
	(pc) =	sbr.rel @p0 .LBB2_10-.Ltmp4, $4  }
0x169: {  	v21 =	vadd.f32 v35, v21;
	v22 =	vadd.f32 v31, v22;
	v24 =	vld [tilespmem:s28+$0xFFFFFDF0]  }
0x16a: {  	v20 =	vadd.f32 v20, v30;
	v25 =	vadd.f32 v26, v25;
	v28 =	vld [tilespmem:s28+$0xFFFFFFF0]  }
0x16b: {  	v30 =	vadd.f32 v33, v21;
	v31 =	vadd.f32 v36, v22;
	v26 =	vld [tilespmem:s28+$0xFFFFFE00]  }
0x16c: {  	v32 =	vadd.f32 v32, v20;
	v33 =	vadd.f32 v29, v25;
	v29 =	vld [tilespmem:s28+$0x0];
	s28 =	sadd.s32 $0x80, s28  }
0x16d: {  	_ =	swait.ge [sflag:s22], $0x800  }
0x16e: {  	[sflag:s22] =	ssyncset.done $0x0  }
0x16f: {  	s28 =	simm.s32 $0x2E70;
	[sflag:s22] =	ssyncadd.s32 $0xFFFFF800  }
0x170: {  	v20 =	vld [tilespmem:s28+$0xFFFFFA00]  }
0x171: {  	v21 =	vld [tilespmem:s28+$0xFFFFFC00]  }
0x172: {  	v22 =	vld [tilespmem:s28+$0xFFFFF9F0]  }
0x173: {  	v25 =	vld [tilespmem:s28+$0xFFFFFBF0]  }
0x174: {  	v36 =	vld [tilespmem:s28+$0xFFFFF9E0]  }
0x175: {  	v37 =	vld [tilespmem:s28+$0xFFFFFBE0]  }
0x176: {  	v34 =	vld [tilespmem:s28+$0xFFFFF9D0]  }
0x177: {  	v35 =	vld [tilespmem:s28+$0xFFFFFBD0]  }
0x178: {  	v38 =	vld [tilespmem:s28+$0xFFFFF9C0]  }
0x179: {  	v39 =	vld [tilespmem:s28+$0xFFFFFBC0]  }
0x17a: {  	v40 =	vld [tilespmem:s28+$0xFFFFF9B0]  }
0x17b: {  	v41 =	vld [tilespmem:s28+$0xFFFFFBB0]  }
0x17c: {  	v42 =	vld [tilespmem:s28+$0xFFFFF9A0]  }
0x17d: {  	v43 =	vld [tilespmem:s28+$0xFFFFFBA0]  }
0x17e: {  	v44 =	vld [tilespmem:s28+$0xFFFFF990]  }
0x17f: {  	v45 =	vld [tilespmem:s28+$0xFFFFFB90]  }
0x180: {  	v23 =	vadd.f32 v23, v30;
	v27 =	vadd.f32 v27, v31;
	v30 =	vld [tilespmem:s28+$0xFFFFFD90]  }
0x181: {  	v18 =	vadd.f32 v18, v32;
	v19 =	vadd.f32 v19, v33;
	v31 =	vld [tilespmem:s28+$0xFFFFFF90]  }
0x182: {  	v23 =	vadd.f32 v24, v23;
	v24 =	vadd.f32 v28, v27;
	v27 =	vld [tilespmem:s28+$0xFFFFFDA0]  }
0x183: {  	v16 =	vadd.f32 v16, v18;
	v17 =	vadd.f32 v17, v19;
	v28 =	vld [tilespmem:s28+$0xFFFFFFA0]  }
0x184: {  	v60 =	vld [tilespmem:s28+$0xFFFFFFB0];
	v18 =	vadd.f32 v26, v23;
	v19 =	vadd.f32 v29, v24;
	v23 =	vimm.f32 $0.0e+00  }
0x185: {  	v24 =	vld [tilespmem:s28+$0xFFFFFDB0];
	v26 =	vadd.f32 v44, v23;
	v29 =	vadd.f32 v45, v23  }
0x186: {  	v61 =	vld [tilespmem:s28+$0xFFFFFDC0];
	v30 =	vadd.f32 v30, v23;
	v23 =	vadd.f32 v31, v23  }
0x187: {  	v62 =	vld [tilespmem:s28+$0xFFFFFFC0];
	v26 =	vadd.f32 v42, v26;
	v29 =	vadd.f32 v43, v29  }
0x188: {  	v63 =	vld [tilespmem:s28+$0xFFFFFFD0];
	v27 =	vadd.f32 v27, v30;
	v23 =	vadd.f32 v28, v23  }
0x189: {  	v30 =	vld [tilespmem:s28+$0xFFFFFDD0];
	v26 =	vadd.f32 v40, v26;
	v29 =	vadd.f32 v41, v29  }
0x18a: {  	v31 =	vld [tilespmem:s28+$0xFFFFFFE0];
	v24 =	vadd.f32 v24, v27;
	v23 =	vadd.f32 v60, v23  }
0x18b: {  	v28 =	vld [tilespmem:s28+$0xFFFFFDE0];
	v26 =	vadd.f32 v38, v26;
	v27 =	vadd.f32 v39, v29  }
0x18c: {  	v32 =	vld [tilespmem:s28+$0xFFFFFFF0];
	v24 =	vadd.f32 v61, v24;
	v23 =	vadd.f32 v62, v23  }
0x18d: {  	v29 =	vld [tilespmem:s28+$0xFFFFFDF0];
	v26 =	vadd.f32 v34, v26;
	v27 =	vadd.f32 v35, v27  }
0x18e: {  	v33 =	vld [tilespmem:s28+$0x0];
	v34 =	vadd.f32 v30, v24;
	v35 =	vadd.f32 v63, v23  }
0x18f: {  	s26 =	simm.s32 $0x0;
	v30 =	vld [tilespmem:s28+$0xFFFFFE00];
	s28 =	simm.s32 $0x2EF0;
	v36 =	vadd.f32 v36, v26;
	v37 =	vadd.f32 v37, v27  }
.LBB2_12:
0x190: {  	v23 =	vld [tilespmem:s28+$0xFFFFFA00];
	v24 =	vadd.f32 v28, v34;
	v26 =	vadd.f32 v31, v35  }
0x191: {  	v27 =	vld [tilespmem:s28+$0xFFFFFC00];
	v28 =	vadd.f32 v22, v36;
	v31 =	vadd.f32 v25, v37  }
0x192: {  	v22 =	vld [tilespmem:s28+$0xFFFFF9F0];
	v24 =	vadd.f32 v29, v24;
	v26 =	vadd.f32 v32, v26  }
0x193: {  	v25 =	vld [tilespmem:s28+$0xFFFFFBF0];
	v28 =	vadd.f32 v20, v28;
	v29 =	vadd.f32 v21, v31  }
0x194: {  	v36 =	vld [tilespmem:s28+$0xFFFFF9E0];
	v24 =	vadd.f32 v30, v24;
	v26 =	vadd.f32 v33, v26  }
0x195: {  	v33 =	vld [tilespmem:s28+$0xFFFFFBE0];
	v20 =	vmov v23  }
0x196: {  	v23 =	vld [tilespmem:s28+$0xFFFFF9D0];
	v21 =	vmov v27  }
0x197: {  	v27 =	vld [tilespmem:s28+$0xFFFFFBD0]  }
0x198: {  	v30 =	vld [tilespmem:s28+$0xFFFFF9C0]  }
0x199: {  	v31 =	vld [tilespmem:s28+$0xFFFFFBC0]  }
0x19a: {  	v32 =	vld [tilespmem:s28+$0xFFFFF9B0]  }
0x19b: {  	v34 =	vld [tilespmem:s28+$0xFFFFFBB0]  }
0x19c: {  	v35 =	vld [tilespmem:s28+$0xFFFFF9A0]  }
0x19d: {  	v37 =	vld [tilespmem:s28+$0xFFFFFBA0]  }
0x19e: {  	v38 =	vld [tilespmem:s28+$0xFFFFF990]  }
0x19f: {  	v39 =	vld [tilespmem:s28+$0xFFFFFB90]  }
0x1a0: {  	v40 =	vld [tilespmem:s28+$0xFFFFFD90]  }
0x1a1: {  	s26 =	sadd.s32 $0x8, s26;
	v41 =	vld [tilespmem:s28+$0xFFFFFF90]  }
0x1a2: {  	p0 =	slt.u32 s26, $0x18;
	v42 =	vld [tilespmem:s28+$0xFFFFFDA0]  }
0x1a3: {  	v43 =	vld [tilespmem:s28+$0xFFFFFFA0]  }
0x1a4: {  	v44 =	vld [tilespmem:s28+$0xFFFFFDB0]  }
0x1a5: {  	v28 =	vadd.f32 v38, v28;
	v29 =	vadd.f32 v39, v29;
	v38 =	vld [tilespmem:s28+$0xFFFFFFB0]  }
0x1a6: {  	v24 =	vadd.f32 v40, v24;
	v26 =	vadd.f32 v41, v26;
	v39 =	vld [tilespmem:s28+$0xFFFFFDC0]  }
0x1a7: {  	v28 =	vadd.f32 v35, v28;
	v29 =	vadd.f32 v37, v29;
	v35 =	vld [tilespmem:s28+$0xFFFFFFC0]  }
0x1a8: {  	v24 =	vadd.f32 v42, v24;
	v26 =	vadd.f32 v43, v26;
	v37 =	vld [tilespmem:s28+$0xFFFFFDD0]  }
0x1a9: {  	v32 =	vadd.f32 v32, v28;
	v29 =	vadd.f32 v34, v29;
	v40 =	vld [tilespmem:s28+$0xFFFFFFD0]  }
0x1aa: {  	v24 =	vadd.f32 v44, v24;
	v26 =	vadd.f32 v38, v26;
	v28 =	vld [tilespmem:s28+$0xFFFFFDE0]  }
.Ltmp5:
0x1ab: {  	v30 =	vadd.f32 v30, v32;
	v32 =	vadd.f32 v31, v29;
	v31 =	vld [tilespmem:s28+$0xFFFFFFE0];
	(pc) =	sbr.rel @p0 .LBB2_12-.Ltmp5, $4  }
0x1ac: {  	v24 =	vadd.f32 v39, v24;
	v26 =	vadd.f32 v35, v26;
	v29 =	vld [tilespmem:s28+$0xFFFFFDF0]  }
0x1ad: {  	v23 =	vadd.f32 v23, v30;
	v27 =	vadd.f32 v27, v32;
	v32 =	vld [tilespmem:s28+$0xFFFFFFF0]  }
0x1ae: {  	v34 =	vadd.f32 v37, v24;
	v35 =	vadd.f32 v40, v26;
	v30 =	vld [tilespmem:s28+$0xFFFFFE00]  }
0x1af: {  	v36 =	vadd.f32 v36, v23;
	v37 =	vadd.f32 v33, v27;
	v33 =	vld [tilespmem:s28+$0x0];
	s28 =	sadd.s32 $0x80, s28  }
0x1b0: {  	_ =	swait.ge [sflag:s22], $0x800  }
0x1b1: {  	[sflag:s22] =	ssyncset.done $0x0  }
0x1b2: {  	s28 =	simm.s32 $0x3670;
	[sflag:s22] =	ssyncadd.s32 $0xFFFFF800  }
0x1b3: {  	v23 =	vld [tilespmem:s28+$0xFFFFFA00]  }
0x1b4: {  	v24 =	vld [tilespmem:s28+$0xFFFFFC00]  }
0x1b5: {  	v26 =	vld [tilespmem:s28+$0xFFFFF9F0]  }
0x1b6: {  	v27 =	vld [tilespmem:s28+$0xFFFFFBF0]  }
0x1b7: {  	v38 =	vld [tilespmem:s28+$0xFFFFF9E0]  }
0x1b8: {  	v39 =	vld [tilespmem:s28+$0xFFFFFBE0]  }
0x1b9: {  	v40 =	vld [tilespmem:s28+$0xFFFFF9D0]  }
0x1ba: {  	v41 =	vld [tilespmem:s28+$0xFFFFFBD0]  }
0x1bb: {  	v42 =	vld [tilespmem:s28+$0xFFFFF9C0]  }
0x1bc: {  	v43 =	vld [tilespmem:s28+$0xFFFFFBC0]  }
0x1bd: {  	v44 =	vld [tilespmem:s28+$0xFFFFF9B0]  }
0x1be: {  	v45 =	vld [tilespmem:s28+$0xFFFFFBB0]  }
0x1bf: {  	v46 =	vld [tilespmem:s28+$0xFFFFF9A0]  }
0x1c0: {  	v47 =	vld [tilespmem:s28+$0xFFFFFBA0]  }
0x1c1: {  	v48 =	vld [tilespmem:s28+$0xFFFFF990]  }
0x1c2: {  	v49 =	vld [tilespmem:s28+$0xFFFFFB90]  }
0x1c3: {  	v28 =	vadd.f32 v28, v34;
	v31 =	vadd.f32 v31, v35;
	v54 =	vld [tilespmem:s28+$0xFFFFFD90]  }
0x1c4: {  	v22 =	vadd.f32 v22, v36;
	v25 =	vadd.f32 v25, v37;
	v55 =	vld [tilespmem:s28+$0xFFFFFF90]  }
0x1c5: {  	v28 =	vadd.f32 v29, v28;
	v29 =	vadd.f32 v32, v31;
	v31 =	vld [tilespmem:s28+$0xFFFFFDA0]  }
0x1c6: {  	v20 =	vadd.f32 v20, v22;
	v21 =	vadd.f32 v21, v25;
	v56 =	vld [tilespmem:s28+$0xFFFFFFA0]  }
0x1c7: {  	v58 =	vld [tilespmem:s28+$0xFFFFFFB0];
	v22 =	vadd.f32 v30, v28;
	v25 =	vadd.f32 v33, v29;
	v28 =	vimm.f32 $0.0e+00  }
0x1c8: {  	v29 =	vld [tilespmem:s28+$0xFFFFFDB0];
	v30 =	vadd.f32 v48, v28;
	v57 =	vadd.f32 v49, v28  }
0x1c9: {  	v59 =	vld [tilespmem:s28+$0xFFFFFDC0];
	v34 =	vadd.f32 v54, v28;
	v28 =	vadd.f32 v55, v28  }
0x1ca: {  	v60 =	vld [tilespmem:s28+$0xFFFFFFC0];
	v30 =	vadd.f32 v46, v30;
	v33 =	vadd.f32 v47, v57  }
0x1cb: {  	v61 =	vld [tilespmem:s28+$0xFFFFFDD0];
	v31 =	vadd.f32 v31, v34;
	v28 =	vadd.f32 v56, v28  }
0x1cc: {  	v62 =	vld [tilespmem:s28+$0xFFFFFFD0];
	v30 =	vadd.f32 v44, v30;
	v33 =	vadd.f32 v45, v33  }
0x1cd: {  	v32 =	vld [tilespmem:s28+$0xFFFFFDE0];
	v29 =	vadd.f32 v29, v31;
	v28 =	vadd.f32 v58, v28  }
0x1ce: {  	v30 =	vadd.f32 v42, v30;
	v31 =	vadd.f32 v43, v33;
	v33 =	vld [tilespmem:s28+$0xFFFFFFE0]  }
0x1cf: {  	v35 =	vadd.f32 v59, v29;
	v28 =	vadd.f32 v60, v28;
	v29 =	vld [tilespmem:s28+$0xFFFFFDF0]  }
0x1d0: {  	v30 =	vadd.f32 v40, v30;
	v63 =	vadd.f32 v41, v31;
	v31 =	vld [tilespmem:s28+$0xFFFFFFF0]  }
0x1d1: {  	v36 =	vadd.f32 v61, v35;
	v37 =	vadd.f32 v62, v28;
	v28 =	vld [tilespmem:s28+$0xFFFFFE00]  }
0x1d2: {  	s26 =	simm.s32 $0x0;
	v34 =	vadd.f32 v38, v30;
	v35 =	vadd.f32 v39, v63;
	v30 =	vld [tilespmem:s28+$0x0];
	s28 =	simm.s32 $0x36F0  }
.LBB2_14:
0x1d3: {  	v38 =	vld [tilespmem:s28+$0xFFFFFA00];
	v32 =	vadd.f32 v32, v36;
	v33 =	vadd.f32 v33, v37  }
0x1d4: {  	v36 =	vld [tilespmem:s28+$0xFFFFFC00];
	v34 =	vadd.f32 v26, v34;
	v35 =	vadd.f32 v27, v35  }
0x1d5: {  	v26 =	vld [tilespmem:s28+$0xFFFFF9F0];
	v29 =	vadd.f32 v29, v32;
	v31 =	vadd.f32 v31, v33  }
0x1d6: {  	v27 =	vld [tilespmem:s28+$0xFFFFFBF0];
	v32 =	vadd.f32 v23, v34;
	v33 =	vadd.f32 v24, v35  }
0x1d7: {  	v34 =	vld [tilespmem:s28+$0xFFFFF9E0];
	v28 =	vadd.f32 v28, v29;
	v29 =	vadd.f32 v30, v31  }
0x1d8: {  	v30 =	vld [tilespmem:s28+$0xFFFFFBE0];
	v23 =	vmov v38  }
0x1d9: {  	v31 =	vld [tilespmem:s28+$0xFFFFF9D0];
	v24 =	vmov v36  }
0x1da: {  	v35 =	vld [tilespmem:s28+$0xFFFFFBD0]  }
0x1db: {  	v36 =	vld [tilespmem:s28+$0xFFFFF9C0]  }
0x1dc: {  	v37 =	vld [tilespmem:s28+$0xFFFFFBC0]  }
0x1dd: {  	v38 =	vld [tilespmem:s28+$0xFFFFF9B0]  }
0x1de: {  	v39 =	vld [tilespmem:s28+$0xFFFFFBB0]  }
0x1df: {  	v40 =	vld [tilespmem:s28+$0xFFFFF9A0]  }
0x1e0: {  	v41 =	vld [tilespmem:s28+$0xFFFFFBA0]  }
0x1e1: {  	v42 =	vld [tilespmem:s28+$0xFFFFF990]  }
0x1e2: {  	v43 =	vld [tilespmem:s28+$0xFFFFFB90]  }
0x1e3: {  	v44 =	vld [tilespmem:s28+$0xFFFFFD90]  }
0x1e4: {  	s26 =	sadd.s32 $0x8, s26;
	v45 =	vld [tilespmem:s28+$0xFFFFFF90]  }
0x1e5: {  	p0 =	slt.u32 s26, $0x18;
	v46 =	vld [tilespmem:s28+$0xFFFFFDA0]  }
0x1e6: {  	v47 =	vld [tilespmem:s28+$0xFFFFFFA0]  }
0x1e7: {  	v48 =	vld [tilespmem:s28+$0xFFFFFDB0]  }
0x1e8: {  	v32 =	vadd.f32 v42, v32;
	v33 =	vadd.f32 v43, v33;
	v42 =	vld [tilespmem:s28+$0xFFFFFFB0]  }
0x1e9: {  	v28 =	vadd.f32 v44, v28;
	v29 =	vadd.f32 v45, v29;
	v43 =	vld [tilespmem:s28+$0xFFFFFDC0]  }
0x1ea: {  	v32 =	vadd.f32 v40, v32;
	v33 =	vadd.f32 v41, v33;
	v40 =	vld [tilespmem:s28+$0xFFFFFFC0]  }
0x1eb: {  	v28 =	vadd.f32 v46, v28;
	v29 =	vadd.f32 v47, v29;
	v41 =	vld [tilespmem:s28+$0xFFFFFDD0]  }
0x1ec: {  	v38 =	vadd.f32 v38, v32;
	v33 =	vadd.f32 v39, v33;
	v39 =	vld [tilespmem:s28+$0xFFFFFFD0]  }
0x1ed: {  	v28 =	vadd.f32 v48, v28;
	v29 =	vadd.f32 v42, v29;
	v32 =	vld [tilespmem:s28+$0xFFFFFDE0]  }
.Ltmp6:
0x1ee: {  	v36 =	vadd.f32 v36, v38;
	v37 =	vadd.f32 v37, v33;
	v33 =	vld [tilespmem:s28+$0xFFFFFFE0];
	(pc) =	sbr.rel @p0 .LBB2_14-.Ltmp6, $4  }
0x1ef: {  	v28 =	vadd.f32 v43, v28;
	v38 =	vadd.f32 v40, v29;
	v29 =	vld [tilespmem:s28+$0xFFFFFDF0]  }
0x1f0: {  	v40 =	vadd.f32 v31, v36;
	v35 =	vadd.f32 v35, v37;
	v31 =	vld [tilespmem:s28+$0xFFFFFFF0]  }
0x1f1: {  	v36 =	vadd.f32 v41, v28;
	v37 =	vadd.f32 v39, v38;
	v28 =	vld [tilespmem:s28+$0xFFFFFE00]  }
0x1f2: {  	v34 =	vadd.f32 v34, v40;
	v35 =	vadd.f32 v30, v35;
	v30 =	vld [tilespmem:s28+$0x0];
	s28 =	sadd.s32 $0x80, s28  }
0x1f3: {  	v32 =	vadd.f32 v32, v36;
	v33 =	vadd.f32 v33, v37  }
0x1f4: {  	v0 =	vadd.f32 v1, v0;
	v1 =	vadd.f32 v3, v2  }
0x1f5: {  	v2 =	vadd.f32 v5, v4;
	v3 =	vadd.f32 v7, v6  }
0x1f6: {  	v4 =	vadd.f32 v9, v8;
	v5 =	vadd.f32 v11, v10  }
0x1f7: {  	v6 =	vadd.f32 v13, v12;
	v7 =	vadd.f32 v15, v14  }
0x1f8: {  	v0 =	vadd.f32 v1, v0;
	v1 =	vadd.f32 v3, v2  }
0x1f9: {  	v2 =	vadd.f32 v5, v4;
	v3 =	vadd.f32 v7, v6  }
0x1fa: {  	v8 =	vadd.f32 v17, v16;
	v9 =	vadd.f32 v19, v18  }
0x1fb: {  	v6 =	vadd.f32 v1, v0;
	v3 =	vadd.f32 v3, v2  }
0x1fc: {  	v10 =	vadd.f32 v25, v22;
	v4 =	vadd.f32 v26, v34  }
0x1fd: {  	v5 =	vadd.f32 v27, v35;
	v3 =	vadd.f32 v3, v6  }
0x1fe: {  	v7 =	vadd.f32 v29, v32;
	v8 =	vadd.f32 v9, v8  }
0x1ff: {  	v9 =	vadd.f32 v21, v20;
	v0 =	vsub.f32 v3, v0  }
0x200: {  	v4 =	vadd.f32 v23, v4;
	v6 =	vadd.f32 v31, v33  }
0x201: {  	v5 =	vadd.f32 v24, v5;
	v0 =	vadd.f32 v8, v0  }
0x202: {  	v7 =	vadd.f32 v28, v7;
	v6 =	vadd.f32 v30, v6  }
0x203: {  	v8 =	vadd.f32 v10, v9;
	v1 =	vsub.f32 v0, v1  }
0x204: {  	v4 =	vadd.f32 v5, v4  }
0x205: {  	v5 =	vadd.f32 v6, v7;
	v1 =	vadd.f32 v8, v1;
	_ =	sdelay $0x1  }
0x206: {  	_ =	swait.ge [sflag:s22], $0x7F0;
	v4 =	vadd.f32 v5, v4;
	v2 =	vsub.f32 v1, v2  }
0x207: {  	[sflag:s22] =	ssyncset.done $0x0;
	v5 =	vmul.f32 $1.953125000e-03, v3  }
0x208: {  	[sflag:s22] =	ssyncadd.s32 $0xFFFFF810;
	v2 =	vadd.f32 v4, v2;
	v4 =	vmul.f32 $1.953125000e-03, v0  }
0x209: {  	[tilespmem:$0x3FF0] =	vst v5;
	v5 =	vmul.f32 $1.953125000e-03, v1  }
0x20a: {  	[tilespmem:$0x47F0] =	vst v4;
	v4 =	vmul.f32 $1.953125000e-03, v2  }
0x20b: {  	[tilespmem:$0x4FF0] =	vst v5  }
0x20c: {  	s26 =	simm.s32 $0x2000;
	[tilespmem:$0x57F0] =	vst v4  }
0x20d: {  	v4 =	vld [tilespmem:s26+$0xFFFFE800]  }
0x20e: {  	v5 =	vld [tilespmem:s26+$0x800]  }
0x20f: {  	v6 =	vld [tilespmem:s26+$0x0]  }
0x210: {  	v7 =	vld [tilespmem:s26+$0xFFFFE000]  }
0x211: {  	v8 =	vld [tilespmem:s26+$0xFFFFF000]  }
0x212: {  	v9 =	vld [tilespmem:s26+$0x1000]  }
0x213: {  	v10 =	vld [tilespmem:s26+$0x1800]  }
0x214: {  	v11 =	vld [tilespmem:s26+$0xFFFFF800];
	_ =	sdelay $0x1  }
0x215: {  	v4 =	vsub.f32 v5, v4  }
0x216: {  	v5 =	vsub.f32 v6, v7  }
0x217: {  	v4 =	vadd.f32 v4, v0;
	v0 =	vsub.f32 v9, v8  }
0x218: {  	v3 =	vadd.f32 v5, v3;
	v5 =	vsub.f32 v10, v11  }
0x219: {  	v6 =	vmul.f32 $1.953125000e-03, v4;
	v0 =	vadd.f32 v0, v1  }
0x21a: {  	s28 =	simm.s32 $0x5000;
	v1 =	vmul.f32 $1.953125000e-03, v3;
	v5 =	vadd.f32 v5, v2  }
0x21b: {  	[tilespmem:s28+$0xFFFFF800] =	vst v6;
	v2 =	vmul.f32 $1.953125000e-03, v0  }
0x21c: {  	[tilespmem:s28+$0xFFFFF000] =	vst v1;
	v1 =	vmul.f32 $1.953125000e-03, v5  }
0x21d: {  	[tilespmem:s28+$0x0] =	vst v2  }
0x21e: {  	[tilespmem:s28+$0x800] =	vst v1  }
0x21f: {  	v1 =	vld [tilespmem:s26+$0x10]  }
0x220: {  	v2 =	vld [tilespmem:s26+$0x1810]  }
0x221: {  	v6 =	vld [tilespmem:s26+$0xFFFFF010]  }
0x222: {  	v7 =	vld [tilespmem:s26+$0x1010]  }
0x223: {  	v8 =	vld [tilespmem:s26+$0xFFFFE810]  }
0x224: {  	v9 =	vld [tilespmem:s26+$0x810]  }
0x225: {  	v11 =	vld [tilespmem:s26+$0xFFFFE010]  }
0x226: {  	v10 =	vld [tilespmem:s26+$0xFFFFF810];
	_ =	sdelay $0x1  }
0x227: {  	v6 =	vsub.f32 v7, v6  }
0x228: {  	v7 =	vsub.f32 v9, v8  }
0x229: {  	v8 =	vsub.f32 v1, v11;
	v0 =	vadd.f32 v6, v0  }
0x22a: {  	v6 =	vsub.f32 v2, v10;
	v2 =	vadd.f32 v7, v4  }
0x22b: {  	v3 =	vadd.f32 v8, v3;
	v4 =	vmul.f32 $1.953125000e-03, v0  }
0x22c: {  	v1 =	vadd.f32 v6, v5;
	v5 =	vmul.f32 $1.953125000e-03, v2  }
0x22d: {  	v6 =	vmul.f32 $1.953125000e-03, v3;
	[tilespmem:s28+$0x10] =	vst v4  }
0x22e: {  	v4 =	vmul.f32 $1.953125000e-03, v1;
	[tilespmem:s28+$0xFFFFF810] =	vst v5  }
0x22f: {  	[tilespmem:s28+$0xFFFFF010] =	vst v6  }
0x230: {  	[tilespmem:s28+$0x810] =	vst v4  }
0x231: {  	v8 =	vld [tilespmem:s26+$0x20]  }
0x232: {  	v9 =	vld [tilespmem:s26+$0xFFFFE020]  }
0x233: {  	v4 =	vld [tilespmem:s26+$0x820]  }
0x234: {  	v6 =	vld [tilespmem:s26+$0xFFFFE820]  }
0x235: {  	v5 =	vld [tilespmem:s26+$0x1820]  }
0x236: {  	v7 =	vld [tilespmem:s26+$0xFFFFF820]  }
0x237: {  	s30 =	simm.s32 $0x1;
	s31 =	simm.s32 $0x2000;
	s29 =	simm.s32 $0x5000;
	v9 =	vsub.f32 v8, v9;
	v8 =	vld [tilespmem:s26+$0x1020]  }
.LBB2_16:
0x238: {  	s30 =	sadd.s32 $0x4, s30;
	v10 =	vld [tilespmem:s26+$0xFFFFF020];
	s31 =	sadd.s32 $0x40, s31;
	s28 =	sadd.s32 $0x40, s28  }
0x239: {  	p0 =	slt.u32 s30, $0x79;
	v3 =	vadd.f32 v9, v3;
	v4 =	vsub.f32 v4, v6;
	_ =	sdelay $0x1  }
0x23a: {  	v2 =	vadd.f32 v4, v2;
	v4 =	vsub.f32 v5, v7;
	v5 =	vmul.f32 $1.953125000e-03, v3;
	_ =	sdelay $0x1  }
0x23b: {  	v6 =	vsub.f32 v8, v10;
	v1 =	vadd.f32 v4, v1;
	[tilespmem:s29+$0xFFFFF020] =	vst v5;
	v4 =	vmul.f32 $1.953125000e-03, v2;
	_ =	sdelay $0x1  }
0x23c: {  	v0 =	vadd.f32 v6, v0;
	[tilespmem:s29+$0xFFFFF820] =	vst v4;
	v4 =	vmul.f32 $1.953125000e-03, v1;
	_ =	sdelay $0x1  }
0x23d: {  	v5 =	vmul.f32 $1.953125000e-03, v0;
	[tilespmem:s29+$0x820] =	vst v4;
	_ =	sdelay $0x1  }
0x23e: {  	[tilespmem:s29+$0x20] =	vst v5  }
0x23f: {  	v4 =	vld [tilespmem:s26+$0x30]  }
0x240: {  	v5 =	vld [tilespmem:s26+$0xFFFFE030]  }
0x241: {  	v6 =	vld [tilespmem:s26+$0x830]  }
0x242: {  	v7 =	vld [tilespmem:s26+$0xFFFFE830]  }
0x243: {  	v8 =	vld [tilespmem:s26+$0xFFFFF830]  }
0x244: {  	v9 =	vld [tilespmem:s26+$0xFFFFF030]  }
0x245: {  	v4 =	vsub.f32 v4, v5;
	v5 =	vld [tilespmem:s26+$0x1830]  }
0x246: {  	v10 =	vld [tilespmem:s26+$0x1030];
	s26 =	smov.u32 s31  }
0x247: {  	v3 =	vadd.f32 v4, v3;
	v4 =	vsub.f32 v6, v7;
	_ =	sdelay $0x1  }
0x248: {  	v2 =	vadd.f32 v4, v2;
	v4 =	vmul.f32 $1.953125000e-03, v3  }
0x249: {  	v5 =	vsub.f32 v5, v8  }
0x24a: {  	v6 =	vsub.f32 v10, v9;
	[tilespmem:s29+$0xFFFFF030] =	vst v4;
	v4 =	vmul.f32 $1.953125000e-03, v2  }
0x24b: {  	v1 =	vadd.f32 v5, v1  }
0x24c: {  	v0 =	vadd.f32 v6, v0;
	[tilespmem:s29+$0xFFFFF830] =	vst v4  }
0x24d: {  	v4 =	vmul.f32 $1.953125000e-03, v1  }
0x24e: {  	v5 =	vmul.f32 $1.953125000e-03, v0  }
0x24f: {  	[tilespmem:s29+$0x830] =	vst v4  }
0x250: {  	[tilespmem:s29+$0x30] =	vst v5;
	s29 =	smov.u32 s28  }
0x251: {  	v4 =	vld [tilespmem:s31+$0xFFFFE800]  }
0x252: {  	v5 =	vld [tilespmem:s31+$0x800];
	_ =	sdelay $0x1  }
0x253: {  	v6 =	vld [tilespmem:s31+$0x0]  }
0x254: {  	v7 =	vld [tilespmem:s31+$0xFFFFE000]  }
0x255: {  	v8 =	vld [tilespmem:s31+$0xFFFFF000]  }
0x256: {  	v4 =	vsub.f32 v5, v4;
	v5 =	vld [tilespmem:s31+$0x1000]  }
0x257: {  	v9 =	vld [tilespmem:s31+$0x1800]  }
0x258: {  	v2 =	vadd.f32 v4, v2;
	v4 =	vld [tilespmem:s31+$0xFFFFF800]  }
0x259: {  	v6 =	vsub.f32 v6, v7  }
0x25a: {  	v7 =	vmul.f32 $1.953125000e-03, v2  }
0x25b: {  	v3 =	vadd.f32 v6, v3;
	v5 =	vsub.f32 v5, v8  }
0x25c: {  	[tilespmem:s28+$0xFFFFF800] =	vst v7  }
0x25d: {  	v0 =	vadd.f32 v5, v0;
	v4 =	vsub.f32 v9, v4;
	v5 =	vmul.f32 $1.953125000e-03, v3;
	_ =	sdelay $0x1  }
0x25e: {  	v1 =	vadd.f32 v4, v1;
	[tilespmem:s28+$0xFFFFF000] =	vst v5;
	v4 =	vmul.f32 $1.953125000e-03, v0;
	_ =	sdelay $0x1  }
0x25f: {  	[tilespmem:s28+$0x0] =	vst v4;
	v4 =	vmul.f32 $1.953125000e-03, v1;
	_ =	sdelay $0x1  }
0x260: {  	[tilespmem:s28+$0x800] =	vst v4  }
0x261: {  	v4 =	vld [tilespmem:s31+$0x10]  }
0x262: {  	v5 =	vld [tilespmem:s31+$0x1810]  }
0x263: {  	v6 =	vld [tilespmem:s31+$0xFFFFF010]  }
0x264: {  	v7 =	vld [tilespmem:s31+$0x1010]  }
0x265: {  	v8 =	vld [tilespmem:s31+$0xFFFFE810]  }
0x266: {  	v9 =	vld [tilespmem:s31+$0x810]  }
0x267: {  	v10 =	vld [tilespmem:s31+$0xFFFFF810]  }
0x268: {  	v11 =	vld [tilespmem:s31+$0xFFFFE010]  }
0x269: {  	v6 =	vsub.f32 v7, v6;
	_ =	sdelay $0x1  }
0x26a: {  	v7 =	vsub.f32 v9, v8;
	v0 =	vadd.f32 v6, v0  }
0x26b: {  	v5 =	vsub.f32 v5, v10  }
0x26c: {  	v4 =	vsub.f32 v4, v11;
	v2 =	vadd.f32 v7, v2;
	v6 =	vmul.f32 $1.953125000e-03, v0  }
0x26d: {  	v1 =	vadd.f32 v5, v1  }
0x26e: {  	v3 =	vadd.f32 v4, v3;
	v4 =	vmul.f32 $1.953125000e-03, v2;
	[tilespmem:s28+$0x10] =	vst v6  }
0x26f: {  	v5 =	vmul.f32 $1.953125000e-03, v1  }
0x270: {  	v6 =	vmul.f32 $1.953125000e-03, v3;
	[tilespmem:s28+$0xFFFFF810] =	vst v4  }
0x271: {  	[tilespmem:s28+$0x810] =	vst v5  }
0x272: {  	[tilespmem:s28+$0xFFFFF010] =	vst v6  }
0x273: {  	v8 =	vld [tilespmem:s31+$0x20]  }
0x274: {  	v9 =	vld [tilespmem:s31+$0xFFFFE020]  }
.Ltmp7:
0x275: {  	v4 =	vld [tilespmem:s31+$0x820];
	(pc) =	sbr.rel @p0 .LBB2_16-.Ltmp7, $4  }
0x276: {  	v6 =	vld [tilespmem:s31+$0xFFFFE820]  }
0x277: {  	v5 =	vld [tilespmem:s31+$0x1820]  }
0x278: {  	v7 =	vld [tilespmem:s31+$0xFFFFF820]  }
0x279: {  	v9 =	vsub.f32 v8, v9;
	v8 =	vld [tilespmem:s31+$0x1020]  }
0x27a: {  	v10 =	vld [tilespmem:s26+$0xFFFFF020];
	_ =	sdelay $0x2  }
0x27b: {  	v4 =	vsub.f32 v4, v6  }
0x27c: {  	v3 =	vadd.f32 v9, v3;
	v5 =	vsub.f32 v5, v7  }
0x27d: {  	v2 =	vadd.f32 v4, v2;
	v18 =	vsub.f32 v8, v10  }
0x27e: {  	v19 =	vmul.f32 $1.953125000e-03, v3;
	v1 =	vadd.f32 v5, v1  }
0x27f: {  	v20 =	vmul.f32 $1.953125000e-03, v2;
	v0 =	vadd.f32 v18, v0  }
0x280: {  	[tilespmem:s29+$0xFFFFF020] =	vst v19;
	v21 =	vmul.f32 $1.953125000e-03, v1  }
0x281: {  	[tilespmem:s29+$0xFFFFF820] =	vst v20;
	v22 =	vmul.f32 $1.953125000e-03, v0  }
0x282: {  	[tilespmem:s29+$0x820] =	vst v21  }
0x283: {  	[tilespmem:s29+$0x20] =	vst v22  }
0x284: {  	v4 =	vld [tilespmem:s26+$0x30]  }
0x285: {  	v5 =	vld [tilespmem:s26+$0xFFFFE030]  }
0x286: {  	v6 =	vld [tilespmem:s26+$0x830]  }
0x287: {  	v23 =	vld [tilespmem:s26+$0xFFFFE830]  }
0x288: {  	v24 =	vld [tilespmem:s26+$0xFFFFF830]  }
0x289: {  	v25 =	vld [tilespmem:s26+$0xFFFFF030]  }
0x28a: {  	v26 =	vld [tilespmem:s26+$0x1830]  }
0x28b: {  	v11 =	vld [tilespmem:s26+$0x1030];
	_ =	sdelay $0x1  }
0x28c: {  	v4 =	vsub.f32 v4, v5  }
0x28d: {  	v27 =	vsub.f32 v6, v23  }
0x28e: {  	v28 =	vsub.f32 v26, v24;
	v3 =	vadd.f32 v4, v3  }
0x28f: {  	v29 =	vsub.f32 v11, v25;
	v2 =	vadd.f32 v27, v2  }
0x290: {  	v1 =	vadd.f32 v28, v1;
	v30 =	vmul.f32 $1.953125000e-03, v3  }
0x291: {  	v0 =	vadd.f32 v29, v0;
	v31 =	vmul.f32 $1.953125000e-03, v2  }
0x292: {  	v32 =	vmul.f32 $1.953125000e-03, v1;
	[tilespmem:s29+$0xFFFFF030] =	vst v30  }
0x293: {  	v33 =	vmul.f32 $1.953125000e-03, v0;
	[tilespmem:s29+$0xFFFFF830] =	vst v31  }
0x294: {  	[tilespmem:s29+$0x830] =	vst v32  }
0x295: {  	[tilespmem:s29+$0x30] =	vst v33  }
0x296: {  	v4 =	vld [tilespmem:$0x27C0]  }
0x297: {  	v5 =	vld [tilespmem:$0x7C0]  }
0x298: {  	v6 =	vld [tilespmem:$0x2FC0]  }
0x299: {  	v34 =	vld [tilespmem:$0xFC0]  }
0x29a: {  	v35 =	vld [tilespmem:$0x37C0]  }
0x29b: {  	v36 =	vld [tilespmem:$0x17C0]  }
0x29c: {  	v37 =	vld [tilespmem:$0x3FC0]  }
0x29d: {  	v38 =	vld [tilespmem:$0x1FC0]  }
0x29e: {  	v12 =	vld [tilespmem:$0x27D0]  }
0x29f: {  	v13 =	vld [tilespmem:$0x7D0]  }
0x2a0: {  	v14 =	vld [tilespmem:$0x2FD0]  }
0x2a1: {  	v15 =	vld [tilespmem:$0xFD0]  }
0x2a2: {  	v16 =	vld [tilespmem:$0x37D0]  }
0x2a3: {  	v17 =	vld [tilespmem:$0x17D0]  }
0x2a4: {  	v18 =	vld [tilespmem:$0x3FD0]  }
0x2a5: {  	v19 =	vld [tilespmem:$0x1FD0]  }
0x2a6: {  	v20 =	vld [tilespmem:$0x27E0]  }
0x2a7: {  	v39 =	vld [tilespmem:$0x7E0];
	v4 =	vsub.f32 v4, v5  }
0x2a8: {  	v40 =	vld [tilespmem:$0x2FE0];
	v6 =	vsub.f32 v6, v34  }
0x2a9: {  	v42 =	vld [tilespmem:$0xFE0];
	v41 =	vsub.f32 v35, v36;
	v3 =	vadd.f32 v4, v3  }
0x2aa: {  	v44 =	vld [tilespmem:$0x37E0];
	v43 =	vsub.f32 v37, v38;
	v2 =	vadd.f32 v6, v2  }
0x2ab: {  	v47 =	vld [tilespmem:$0x17E0];
	v46 =	vsub.f32 v12, v13;
	v0 =	vadd.f32 v41, v0;
	v45 =	vmul.f32 $1.953125000e-03, v3  }
0x2ac: {  	v50 =	vld [tilespmem:$0x3FE0];
	v49 =	vsub.f32 v14, v15;
	v1 =	vadd.f32 v43, v1;
	v48 =	vmul.f32 $1.953125000e-03, v2  }
0x2ad: {  	v53 =	vld [tilespmem:$0x1FE0];
	v52 =	vsub.f32 v16, v17;
	v3 =	vadd.f32 v46, v3;
	v51 =	vmul.f32 $1.953125000e-03, v0;
	[tilespmem:$0x47C0] =	vst v45  }
0x2ae: {  	v54 =	vsub.f32 v18, v19;
	v2 =	vadd.f32 v49, v2;
	v55 =	vmul.f32 $1.953125000e-03, v1;
	[tilespmem:$0x4FC0] =	vst v48  }
0x2af: {  	v56 =	vsub.f32 v20, v39;
	v0 =	vadd.f32 v52, v0;
	[tilespmem:$0x57C0] =	vst v51;
	v57 =	vmul.f32 $1.953125000e-03, v3  }
0x2b0: {  	v58 =	vsub.f32 v40, v42;
	v1 =	vadd.f32 v54, v1;
	[tilespmem:$0x5FC0] =	vst v55;
	v59 =	vmul.f32 $1.953125000e-03, v2  }
0x2b1: {  	v61 =	vsub.f32 v44, v47;
	v3 =	vadd.f32 v56, v3;
	v60 =	vmul.f32 $1.953125000e-03, v0;
	[tilespmem:$0x47D0] =	vst v57  }
0x2b2: {  	v63 =	vsub.f32 v50, v53;
	v62 =	vmul.f32 $1.953125000e-03, v1;
	v2 =	vadd.f32 v58, v2;
	[tilespmem:$0x4FD0] =	vst v59  }
0x2b3: {  	v0 =	vadd.f32 v61, v0;
	[tilespmem:$0x57D0] =	vst v60;
	v3 =	vmul.f32 $1.953125000e-03, v3  }
0x2b4: {  	v1 =	vadd.f32 v63, v1;
	[tilespmem:$0x5FD0] =	vst v62;
	v2 =	vmul.f32 $1.953125000e-03, v2  }
0x2b5: {  	v0 =	vmul.f32 $1.953125000e-03, v0;
	[tilespmem:$0x47E0] =	vst v3  }
0x2b6: {  	s25 =	sadd.s32 $0x1, s25;
	v1 =	vmul.f32 $1.953125000e-03, v1;
	[tilespmem:$0x4FE0] =	vst v2  }
0x2b7: {  	p0 =	sne.s32 s25, s12;
	[tilespmem:$0x57E0] =	vst v0  }
.Ltmp8:
0x2b8: {  	[tilespmem:$0x5FE0] =	vst v1;
	(pc) =	sbr.rel @p0 .LBB2_1-.Ltmp8, $4  }
0x2b9: {  	[hbm4b:s11+s13] =	stream.strided.scatter [tilespmem:s23], [sflag:$0x2], $0x2000, s14, s13, $0x38;
	[tilespmem:$0x5FF0] =	vst v63  }
0x2ba: {  	_ =	swait.ge [sflag:s24], $0x2000  }
0x2bb: {  	[sflag:s24] =	ssyncset.done $0x0  }
0x2bc: {  	[sflag:s24] =	ssyncadd.s32 $0xFFFFE000  }
0x2bd: {  	_ =	sfence.sel $0x180000  }
0x2be: {  	[bflag:$0x0] =	sbarrier.arrive $0xFFFF  }
0x2bf: {  	p0 =	sne.s32 s1, $0x0;
	_ =	strace $0x90000047  }
0x2c0: {  	s0 =	sadd.s32 @!p0 $0x100000, s0;
	[bflag:$0x2] =	sbarrier.arrive $0xFFFF  }
0x2c1: {  	[sflag:s0] =	ssyncadd.tile.s32 @!p0 $0x1;
	_ =	shalt  }
.Lfunc_end2:
_tile_overlayer_lowered:
.L_overlay_start_2:
0x2c2: {  	(tag) =	ssettag $0x2  }
0x2c3: {  	s0 =	rddreg [dreg:$0x0];
	s2 =	stileid.u32  }
0x2c4: {  	s1 =	rddreg [dreg:$0x1];
	p0 =	sne.s32 s2, $0x0  }
0x2c5: {  	s3 =	rddreg [dreg:$0x2];
	[bflag:$0x3] =	sbarrier.arrive $0xFFFF;
	s2 =	simm.s32 @!p0 $0x1C03  }
0x2c6: {  	[timem:s3], [sflag:s2] =	dma.local @!p0 [hbm:s0], s1  }
0x2c7: {  	s0 =	simm.s32 @!p0 $0x3  }
0x2c8: {  	_ =	swait.ge @!p0 [sflag:s0], s1  }
0x2c9: {  	s1 =	ssub.s32 @!p0 $0x0, s1;
	[sflag:s0] =	ssyncset.done @!p0 $0x0  }
0x2ca: {  	[sflag:s0] =	ssyncadd.s32 @!p0 s1  }
0x2cb: {  	[bflag:$0x3] =	sbarrier.arrive $0xFFFF  }
0x2cc: {  	_ =	shalt  }

</sc_bundles>
